<compile_context>
chip_gen: v7x
topology: tpu7x:2x2x1
jax: 0.10.2.dev20260603
libtpu: 0.0.44.dev20260713+nightly
codegen_flags: <defaults>
</compile_context>

<pallas_src>
import functools

import jax
import jax.numpy as jnp
from jax import lax
from jax.experimental import pallas as pl
from jax.experimental.pallas import tpu as pltpu
from jax.experimental.pallas import tpu_sc as plsc

_DIM = 64
_SCALE = 8.0
_LANES = 16
_NC = 2
_NS = 16
_NW = _NC * _NS
_CHUNK = 128
_TCBN = 4096


def _tc_pack(table_t):
    dim, vocab = table_t.shape
    nblk = (vocab + _TCBN - 1) // _TCBN
    rows = nblk * (_TCBN // 2)

    def body(x_ref, out_ref):
        x = x_ref[...]
        a = x[:, : _TCBN // 2]
        b = x[:, _TCBN // 2 :]
        out_ref[...] = jnp.concatenate([a.T, b.T], axis=1) * _SCALE

    return pl.pallas_call(
        body,
        grid=(nblk,),
        in_specs=[pl.BlockSpec((dim, _TCBN), lambda i: (0, i))],
        out_specs=pl.BlockSpec((_TCBN // 2, 2 * dim), lambda i: (i, 0)),
        out_shape=jax.ShapeDtypeStruct((rows, 2 * dim), jnp.float32),
    )(table_t)


def _sc_embed(hi_t, table3):
    seq, batch = hi_t.shape
    kpl = batch // _CHUNK
    nchunks = seq * kpl
    cpw = nchunks // _NW
    mesh = plsc.VectorSubcoreMesh(core_axis_name="c", subcore_axis_name="s")

    @functools.partial(
        pl.kernel,
        mesh=mesh,
        out_type=jax.ShapeDtypeStruct(
            (seq, _DIM // 8, batch // _CHUNK, 8, _CHUNK), jnp.float32
        ),
        compiler_params=pltpu.CompilerParams(
            use_tc_tiling_on_sc=False, needs_layout_passes=False
        ),
        scratch_types=[
            pltpu.VMEM((_CHUNK,), jnp.int32),
            pltpu.VMEM((_CHUNK,), jnp.int32),
            pltpu.VMEM((_CHUNK,), jnp.int32),
            pltpu.VMEM((_CHUNK,), jnp.int32),
            pltpu.VMEM((_CHUNK, _DIM), jnp.float32),
            pltpu.VMEM((_CHUNK, _DIM), jnp.float32),
            pltpu.VMEM((_DIM // 8, 8, _CHUNK + 1), jnp.float32),
            pltpu.VMEM((_DIM // 8, 8, _CHUNK + 1), jnp.float32),
            pltpu.SemaphoreType.DMA,
            pltpu.SemaphoreType.DMA,
            pltpu.SemaphoreType.DMA,
            pltpu.SemaphoreType.DMA,
            pltpu.SemaphoreType.DMA,
            pltpu.SemaphoreType.DMA,
            pltpu.SemaphoreType.DMA,
            pltpu.SemaphoreType.DMA,
        ],
    )
    def body(hi_hbm, table_hbm, out_hbm, h0, h1, h2, h3, g0, g1, t0, t1,
             hs0, hs1, hs2, hs3, gs0, gs1, ss0, ss1):
        wid = lax.axis_index("s") * _NC + lax.axis_index("c")
        cbase = wid * cpw

        hbufs = (h0, h1, h2, h3)
        hsems = (hs0, hs1, hs2, hs3)
        gbufs = (g0, g1)
        gsems = (gs0, gs1)
        tbufs = (t0, t1)
        ssems = (ss0, ss1)
        iot = lax.iota(jnp.int32, _LANES)

        def lk(j):
            c = cbase + j
            return c // kpl, lax.rem(c, kpl)

        def hi_start(j, hslot):
            l, k = lk(j)
            pltpu.async_copy(hi_hbm.at[l, pl.ds(k * _CHUNK, _CHUNK)],
                             hbufs[hslot], hsems[hslot])

        def hi_wait(hslot):
            pltpu.make_async_copy(hi_hbm.at[0, pl.ds(0, _CHUNK)],
                                  hbufs[hslot], hsems[hslot]).wait()

        def gather_start(hslot, gslot):
            pltpu.async_copy(table_hbm.at[hbufs[hslot]], gbufs[gslot],
                             gsems[gslot])

        def gather_wait(gslot):
            pltpu.make_async_copy(table_hbm.at[hbufs[0]], gbufs[gslot],
                                  gsems[gslot]).wait()

        def store_start(j, gslot):
            l, k = lk(j)
            pltpu.async_copy(tbufs[gslot].at[:, :, pl.ds(0, _CHUNK)],
                             out_hbm.at[l, :, k], ssems[gslot])

        def store_wait(gslot):
            pltpu.make_async_copy(tbufs[gslot].at[:, :, pl.ds(0, _CHUNK)],
                                  out_hbm.at[0, :, 0],
                                  ssems[gslot]).wait()

        def transpose_scale(gslot):
            g = gbufs[gslot]
            t = tbufs[gslot]

            @plsc.parallel_loop(0, _CHUNK, unroll=8)
            def _(k):
                ks = iot * 0 + k
                for c in range(_DIM // _LANES):
                    f16 = iot + (c * _LANES)
                    trs = lax.shift_right_logical(f16, 3)
                    frs = f16 & 7
                    v = g[k, pl.ds(c * _LANES, _LANES)]
                    plsc.store_scatter(t, [trs, frs, ks], v)

        for j in range(4):
            hi_start(j, j)
        hi_wait(0)
        gather_start(0, 0)
        hi_wait(1)
        gather_start(1, 1)

        def step(tt, carry):
            for u in range(4):
                j = 4 * tt + u
                gslot = u % 2

                @pl.when(j >= 2)
                def _():
                    store_wait(gslot)

                gather_wait(gslot)
                transpose_scale(gslot)

                @pl.when(j + 4 < cpw)
                def _():
                    hi_start(j + 4, u)

                store_start(j, gslot)

                @pl.when(j + 2 < cpw)
                def _():
                    hi_wait((u + 2) % 4)
                    gather_start((u + 2) % 4, gslot)
            return carry

        lax.fori_loop(0, cpw // 4, step, 0)
        store_wait(0)
        store_wait(1)

    return body(hi_t, table3)


def kernel(x, table):
    b, l = x.shape
    idx_t = x.T.astype(jnp.int32)
    hi_t = (
        ((idx_t >> 12) << 12)
        + ((idx_t & 2047) << 1)
        + ((idx_t >> 11) & 1)
    )
    table2 = _tc_pack(table.T)
    table3 = table2.reshape(2 * table2.shape[0], _DIM)
    out5 = _sc_embed(hi_t, table3)
    outp = jnp.transpose(out5, (2, 4, 0, 1, 3))
    return outp.reshape(b, l, _DIM)

# --- scband reference (transcript-rebuilt; emitter-appended) ---
"""Pipeline reference for scband-embeddings-52140902973672 (READ-ONLY COPY).

The authoritative reference and input builder live on the scoring server;
editing this copy changes nothing except your own understanding.
"""

import jax, jax.numpy as jnp
import numpy as np
import math

VOCAB = 1000000
DIM = 64
B = 4096
L = 200

def setup_inputs(seed: int = 0) -> dict:
    key = jax.random.key(seed)
    k1, k2 = jax.random.split(key)
    x = jax.random.randint(k1, (B, L), 0, VOCAB, dtype=jnp.int64 if jax.config.jax_enable_x64 else jnp.int32)
    table = jax.random.normal(k2, (VOCAB, DIM), dtype=jnp.float32)
    return {"x": x, "table": table}

def reference(x, table):
    emb = jnp.take(table, x, axis=0)
    return emb * math.sqrt(DIM)

if __name__ == "__main__":
    import jax
    _d = setup_inputs()
    print(jax.jit(kernel)(*tuple(_d.values())))

</pallas_src>

<mosaic_0001>
#map = affine_map<(d0, d1) -> (0, 0)>
#map1 = affine_map<(d0, d1) -> (0, 0, 0, 0, 0)>
module attributes {stable_mosaic.version = 14 : i64} {
  func.func @body(%arg0: i32, %arg1: i32, %arg2: memref<200x4096xi32, #tpu.memory_space<hbm>>, %arg3: memref<1003520x64xf32, #tpu.memory_space<hbm>>, %arg4: memref<200x8x32x8x128xf32, #tpu.memory_space<hbm>>, %arg5: memref<128xi32, #tpu.memory_space<vmem>>, %arg6: memref<128xi32, #tpu.memory_space<vmem>>, %arg7: memref<128xi32, #tpu.memory_space<vmem>>, %arg8: memref<128xi32, #tpu.memory_space<vmem>>, %arg9: memref<128x64xf32, #tpu.memory_space<vmem>>, %arg10: memref<128x64xf32, #tpu.memory_space<vmem>>, %arg11: memref<8x8x129xf32, #tpu.memory_space<vmem>>, %arg12: memref<8x8x129xf32, #tpu.memory_space<vmem>>, %arg13: memref<!tpu.dma_semaphore, #tpu.memory_space<semaphore_mem>>, %arg14: memref<!tpu.dma_semaphore, #tpu.memory_space<semaphore_mem>>, %arg15: memref<!tpu.dma_semaphore, #tpu.memory_space<semaphore_mem>>, %arg16: memref<!tpu.dma_semaphore, #tpu.memory_space<semaphore_mem>>, %arg17: memref<!tpu.dma_semaphore, #tpu.memory_space<semaphore_mem>>, %arg18: memref<!tpu.dma_semaphore, #tpu.memory_space<semaphore_mem>>, %arg19: memref<!tpu.dma_semaphore, #tpu.memory_space<semaphore_mem>>, %arg20: memref<!tpu.dma_semaphore, #tpu.memory_space<semaphore_mem>>) attributes {dimension_semantics = [#tpu.dimension_semantics<core_parallel>, #tpu.dimension_semantics<subcore_parallel>], iteration_bounds = array<i64: 2, 16>, scalar_prefetch = 0 : i64, scratch_operands = 16 : i64, tpu.core_type = #tpu.core_type<sc_vector_subcore>, window_params = [{transform_indices = #map}, {transform_indices = #map}, {transform_indices = #map1}]} {
    %mul3A = arith.constant 2 : i32
    %mul3A_0 = arith.muli %arg1, %mul3A : i32
    %add3A = arith.addi %mul3A_0, %arg0 : i32
    %mul3A_1 = arith.constant 200 : i32
    %mul3A_2 = arith.muli %add3A, %mul3A_1 : i32
    %iota3A = tpu.iota {dimensions = array<i32: 0>} : vector<16xi32>
    %add3A_3 = arith.constant 0 : i32
    %add3A_4 = arith.addi %mul3A_2, %add3A_3 : i32
    %jit3A = arith.constant 32 : i32
    %div3A = arith.divsi %add3A_4, %jit3A : i32
    %sign3A = arith.constant 0 : i32
    %sign3A_5 = arith.cmpi sgt, %add3A_4, %sign3A : i32
    %sign3A_6 = arith.extui %sign3A_5 : i1 to i32
    %sign3A_7 = arith.constant 0 : i32
    %sign3A_8 = arith.cmpi slt, %add3A_4, %sign3A_7 : i32
    %sign3A_9 = arith.extui %sign3A_8 : i1 to i32
    %sign3A_10 = arith.subi %sign3A_6, %sign3A_9 : i32
    %sign3A_11 = arith.constant 0 : i32
    %sign3A_12 = arith.cmpi sgt, %jit3A, %sign3A_11 : i32
    %sign3A_13 = arith.extui %sign3A_12 : i1 to i32
    %sign3A_14 = arith.constant 0 : i32
    %sign3A_15 = arith.cmpi slt, %jit3A, %sign3A_14 : i32
    %sign3A_16 = arith.extui %sign3A_15 : i1 to i32
    %sign3A_17 = arith.subi %sign3A_13, %sign3A_16 : i32
    %ne3A = arith.cmpi ne, %sign3A_10, %sign3A_17 : i32
    %rem3A = arith.remsi %add3A_4, %jit3A : i32
    %ne3A_18 = arith.constant 0 : i32
    %ne3A_19 = arith.cmpi ne, %rem3A, %ne3A_18 : i32
    %and3A = arith.andi %ne3A, %ne3A_19 : i1
    %sub3A = arith.constant 1 : i32
    %sub3A_20 = arith.subi %div3A, %sub3A : i32
    %select_n3A = arith.select %and3A, %sub3A_20, %div3A : i32
    %rem3A_21 = arith.constant 32 : i32
    %rem3A_22 = arith.remsi %add3A_4, %rem3A_21 : i32
    %mul3A_23 = arith.constant 128 : i32
    %mul3A_24 = arith.muli %rem3A_22, %mul3A_23 : i32
    %dma_start3A = tpu.memref_slice %arg2[%select_n3A, %mul3A_24] : memref<200x4096xi32, #tpu.memory_space<hbm>> -> memref<1x128xi32, #tpu.memory_space<hbm>>
    %dma_start3A_25 = tpu.memref_squeeze %dma_start3A : memref<1x128xi32, #tpu.memory_space<hbm>> -> memref<128xi32, #tpu.memory_space<hbm>>
    %dma_start3A_26 = tpu.memref_slice %arg2[%select_n3A, %mul3A_24] : memref<200x4096xi32, #tpu.memory_space<hbm>> -> memref<1x128xi32, #tpu.memory_space<hbm>>
    %dma_start3A_27 = tpu.memref_squeeze %dma_start3A_26 : memref<1x128xi32, #tpu.memory_space<hbm>> -> memref<128xi32, #tpu.memory_space<hbm>>
    tpu.enqueue_dma source(%dma_start3A_27 : memref<128xi32, #tpu.memory_space<hbm>>) target(%arg5 : memref<128xi32, #tpu.memory_space<vmem>>) target_semaphore(%arg13 : memref<!tpu.dma_semaphore, #tpu.memory_space<semaphore_mem>>)
    %add3A_28 = arith.constant 1 : i32
    %add3A_29 = arith.addi %mul3A_2, %add3A_28 : i32
    %jit3A_30 = arith.constant 32 : i32
    %div3A_31 = arith.divsi %add3A_29, %jit3A_30 : i32
    %sign3A_32 = arith.constant 0 : i32
    %sign3A_33 = arith.cmpi sgt, %add3A_29, %sign3A_32 : i32
    %sign3A_34 = arith.extui %sign3A_33 : i1 to i32
    %sign3A_35 = arith.constant 0 : i32
    %sign3A_36 = arith.cmpi slt, %add3A_29, %sign3A_35 : i32
    %sign3A_37 = arith.extui %sign3A_36 : i1 to i32
    %sign3A_38 = arith.subi %sign3A_34, %sign3A_37 : i32
    %sign3A_39 = arith.constant 0 : i32
    %sign3A_40 = arith.cmpi sgt, %jit3A_30, %sign3A_39 : i32
    %sign3A_41 = arith.extui %sign3A_40 : i1 to i32
    %sign3A_42 = arith.constant 0 : i32
    %sign3A_43 = arith.cmpi slt, %jit3A_30, %sign3A_42 : i32
    %sign3A_44 = arith.extui %sign3A_43 : i1 to i32
    %sign3A_45 = arith.subi %sign3A_41, %sign3A_44 : i32
    %ne3A_46 = arith.cmpi ne, %sign3A_38, %sign3A_45 : i32
    %rem3A_47 = arith.remsi %add3A_29, %jit3A_30 : i32
    %ne3A_48 = arith.constant 0 : i32
    %ne3A_49 = arith.cmpi ne, %rem3A_47, %ne3A_48 : i32
    %and3A_50 = arith.andi %ne3A_46, %ne3A_49 : i1
    %sub3A_51 = arith.constant 1 : i32
    %sub3A_52 = arith.subi %div3A_31, %sub3A_51 : i32
    %select_n3A_53 = arith.select %and3A_50, %sub3A_52, %div3A_31 : i32
    %rem3A_54 = arith.constant 32 : i32
    %rem3A_55 = arith.remsi %add3A_29, %rem3A_54 : i32
    %mul3A_56 = arith.constant 128 : i32
    %mul3A_57 = arith.muli %rem3A_55, %mul3A_56 : i32
    %dma_start3A_58 = tpu.memref_slice %arg2[%select_n3A_53, %mul3A_57] : memref<200x4096xi32, #tpu.memory_space<hbm>> -> memref<1x128xi32, #tpu.memory_space<hbm>>
    %dma_start3A_59 = tpu.memref_squeeze %dma_start3A_58 : memref<1x128xi32, #tpu.memory_space<hbm>> -> memref<128xi32, #tpu.memory_space<hbm>>
    %dma_start3A_60 = tpu.memref_slice %arg2[%select_n3A_53, %mul3A_57] : memref<200x4096xi32, #tpu.memory_space<hbm>> -> memref<1x128xi32, #tpu.memory_space<hbm>>
    %dma_start3A_61 = tpu.memref_squeeze %dma_start3A_60 : memref<1x128xi32, #tpu.memory_space<hbm>> -> memref<128xi32, #tpu.memory_space<hbm>>
    tpu.enqueue_dma source(%dma_start3A_61 : memref<128xi32, #tpu.memory_space<hbm>>) target(%arg6 : memref<128xi32, #tpu.memory_space<vmem>>) target_semaphore(%arg14 : memref<!tpu.dma_semaphore, #tpu.memory_space<semaphore_mem>>)
    %add3A_62 = arith.constant 2 : i32
    %add3A_63 = arith.addi %mul3A_2, %add3A_62 : i32
    %jit3A_64 = arith.constant 32 : i32
    %div3A_65 = arith.divsi %add3A_63, %jit3A_64 : i32
    %sign3A_66 = arith.constant 0 : i32
    %sign3A_67 = arith.cmpi sgt, %add3A_63, %sign3A_66 : i32
    %sign3A_68 = arith.extui %sign3A_67 : i1 to i32
    %sign3A_69 = arith.constant 0 : i32
    %sign3A_70 = arith.cmpi slt, %add3A_63, %sign3A_69 : i32
    %sign3A_71 = arith.extui %sign3A_70 : i1 to i32
    %sign3A_72 = arith.subi %sign3A_68, %sign3A_71 : i32
    %sign3A_73 = arith.constant 0 : i32
    %sign3A_74 = arith.cmpi sgt, %jit3A_64, %sign3A_73 : i32
    %sign3A_75 = arith.extui %sign3A_74 : i1 to i32
    %sign3A_76 = arith.constant 0 : i32
    %sign3A_77 = arith.cmpi slt, %jit3A_64, %sign3A_76 : i32
    %sign3A_78 = arith.extui %sign3A_77 : i1 to i32
    %sign3A_79 = arith.subi %sign3A_75, %sign3A_78 : i32
    %ne3A_80 = arith.cmpi ne, %sign3A_72, %sign3A_79 : i32
    %rem3A_81 = arith.remsi %add3A_63, %jit3A_64 : i32
    %ne3A_82 = arith.constant 0 : i32
    %ne3A_83 = arith.cmpi ne, %rem3A_81, %ne3A_82 : i32
    %and3A_84 = arith.andi %ne3A_80, %ne3A_83 : i1
    %sub3A_85 = arith.constant 1 : i32
    %sub3A_86 = arith.subi %div3A_65, %sub3A_85 : i32
    %select_n3A_87 = arith.select %and3A_84, %sub3A_86, %div3A_65 : i32
    %rem3A_88 = arith.constant 32 : i32
    %rem3A_89 = arith.remsi %add3A_63, %rem3A_88 : i32
    %mul3A_90 = arith.constant 128 : i32
    %mul3A_91 = arith.muli %rem3A_89, %mul3A_90 : i32
    %dma_start3A_92 = tpu.memref_slice %arg2[%select_n3A_87, %mul3A_91] : memref<200x4096xi32, #tpu.memory_space<hbm>> -> memref<1x128xi32, #tpu.memory_space<hbm>>
    %dma_start3A_93 = tpu.memref_squeeze %dma_start3A_92 : memref<1x128xi32, #tpu.memory_space<hbm>> -> memref<128xi32, #tpu.memory_space<hbm>>
    %dma_start3A_94 = tpu.memref_slice %arg2[%select_n3A_87, %mul3A_91] : memref<200x4096xi32, #tpu.memory_space<hbm>> -> memref<1x128xi32, #tpu.memory_space<hbm>>
    %dma_start3A_95 = tpu.memref_squeeze %dma_start3A_94 : memref<1x128xi32, #tpu.memory_space<hbm>> -> memref<128xi32, #tpu.memory_space<hbm>>
    tpu.enqueue_dma source(%dma_start3A_95 : memref<128xi32, #tpu.memory_space<hbm>>) target(%arg7 : memref<128xi32, #tpu.memory_space<vmem>>) target_semaphore(%arg15 : memref<!tpu.dma_semaphore, #tpu.memory_space<semaphore_mem>>)
    %add3A_96 = arith.constant 3 : i32
    %add3A_97 = arith.addi %mul3A_2, %add3A_96 : i32
    %jit3A_98 = arith.constant 32 : i32
    %div3A_99 = arith.divsi %add3A_97, %jit3A_98 : i32
    %sign3A_100 = arith.constant 0 : i32
    %sign3A_101 = arith.cmpi sgt, %add3A_97, %sign3A_100 : i32
    %sign3A_102 = arith.extui %sign3A_101 : i1 to i32
    %sign3A_103 = arith.constant 0 : i32
    %sign3A_104 = arith.cmpi slt, %add3A_97, %sign3A_103 : i32
    %sign3A_105 = arith.extui %sign3A_104 : i1 to i32
    %sign3A_106 = arith.subi %sign3A_102, %sign3A_105 : i32
    %sign3A_107 = arith.constant 0 : i32
    %sign3A_108 = arith.cmpi sgt, %jit3A_98, %sign3A_107 : i32
    %sign3A_109 = arith.extui %sign3A_108 : i1 to i32
    %sign3A_110 = arith.constant 0 : i32
    %sign3A_111 = arith.cmpi slt, %jit3A_98, %sign3A_110 : i32
    %sign3A_112 = arith.extui %sign3A_111 : i1 to i32
    %sign3A_113 = arith.subi %sign3A_109, %sign3A_112 : i32
    %ne3A_114 = arith.cmpi ne, %sign3A_106, %sign3A_113 : i32
    %rem3A_115 = arith.remsi %add3A_97, %jit3A_98 : i32
    %ne3A_116 = arith.constant 0 : i32
    %ne3A_117 = arith.cmpi ne, %rem3A_115, %ne3A_116 : i32
    %and3A_118 = arith.andi %ne3A_114, %ne3A_117 : i1
    %sub3A_119 = arith.constant 1 : i32
    %sub3A_120 = arith.subi %div3A_99, %sub3A_119 : i32
    %select_n3A_121 = arith.select %and3A_118, %sub3A_120, %div3A_99 : i32
    %rem3A_122 = arith.constant 32 : i32
    %rem3A_123 = arith.remsi %add3A_97, %rem3A_122 : i32
    %mul3A_124 = arith.constant 128 : i32
    %mul3A_125 = arith.muli %rem3A_123, %mul3A_124 : i32
    %dma_start3A_126 = tpu.memref_slice %arg2[%select_n3A_121, %mul3A_125] : memref<200x4096xi32, #tpu.memory_space<hbm>> -> memref<1x128xi32, #tpu.memory_space<hbm>>
    %dma_start3A_127 = tpu.memref_squeeze %dma_start3A_126 : memref<1x128xi32, #tpu.memory_space<hbm>> -> memref<128xi32, #tpu.memory_space<hbm>>
    %dma_start3A_128 = tpu.memref_slice %arg2[%select_n3A_121, %mul3A_125] : memref<200x4096xi32, #tpu.memory_space<hbm>> -> memref<1x128xi32, #tpu.memory_space<hbm>>
    %dma_start3A_129 = tpu.memref_squeeze %dma_start3A_128 : memref<1x128xi32, #tpu.memory_space<hbm>> -> memref<128xi32, #tpu.memory_space<hbm>>
    tpu.enqueue_dma source(%dma_start3A_129 : memref<128xi32, #tpu.memory_space<hbm>>) target(%arg8 : memref<128xi32, #tpu.memory_space<vmem>>) target_semaphore(%arg16 : memref<!tpu.dma_semaphore, #tpu.memory_space<semaphore_mem>>)
    %dma_wait3A = arith.constant 0 : i32
    %dma_wait3A_130 = arith.constant 0 : i32
    %dma_wait3A_131 = tpu.memref_slice %arg2[%dma_wait3A, %dma_wait3A_130] : memref<200x4096xi32, #tpu.memory_space<hbm>> -> memref<1x128xi32, #tpu.memory_space<hbm>>
    %dma_wait3A_132 = tpu.memref_squeeze %dma_wait3A_131 : memref<1x128xi32, #tpu.memory_space<hbm>> -> memref<128xi32, #tpu.memory_space<hbm>>
    %dma_wait3A_133 = arith.constant 0 : i32
    %dma_wait3A_134 = tpu.memref_slice %arg2[%dma_wait3A, %dma_wait3A_133] : memref<200x4096xi32, #tpu.memory_space<hbm>> -> memref<1x128xi32, #tpu.memory_space<hbm>>
    %dma_wait3A_135 = tpu.memref_squeeze %dma_wait3A_134 : memref<1x128xi32, #tpu.memory_space<hbm>> -> memref<128xi32, #tpu.memory_space<hbm>>
    tpu.wait_dma2 semaphore(%arg13 : memref<!tpu.dma_semaphore, #tpu.memory_space<semaphore_mem>>) src(%dma_wait3A_135 : memref<128xi32, #tpu.memory_space<hbm>>) dst(%arg5 : memref<128xi32, #tpu.memory_space<vmem>>)
    %dma_start3A_136 = arith.constant 0 : i32
    %dma_start3A_137 = arith.constant 0 : i32
    %dma_start3A_138 = tpu.memref_slice %arg3[%dma_start3A_136, %dma_start3A_137] : memref<1003520x64xf32, #tpu.memory_space<hbm>> -> memref<1003520x64xf32, #tpu.memory_space<hbm>>
    tpu.enqueue_indirect_dma source(%dma_start3A_138 : memref<1003520x64xf32, #tpu.memory_space<hbm>>) target(%arg9 : memref<128x64xf32, #tpu.memory_space<vmem>>) offsets(%arg5 : memref<128xi32, #tpu.memory_space<vmem>>) semaphore(%arg17 : memref<!tpu.dma_semaphore, #tpu.memory_space<semaphore_mem>>)
    %dma_wait3A_139 = arith.constant 0 : i32
    %dma_wait3A_140 = arith.constant 0 : i32
    %dma_wait3A_141 = tpu.memref_slice %arg2[%dma_wait3A_139, %dma_wait3A_140] : memref<200x4096xi32, #tpu.memory_space<hbm>> -> memref<1x128xi32, #tpu.memory_space<hbm>>
    %dma_wait3A_142 = tpu.memref_squeeze %dma_wait3A_141 : memref<1x128xi32, #tpu.memory_space<hbm>> -> memref<128xi32, #tpu.memory_space<hbm>>
    %dma_wait3A_143 = arith.constant 0 : i32
    %dma_wait3A_144 = tpu.memref_slice %arg2[%dma_wait3A_139, %dma_wait3A_143] : memref<200x4096xi32, #tpu.memory_space<hbm>> -> memref<1x128xi32, #tpu.memory_space<hbm>>
    %dma_wait3A_145 = tpu.memref_squeeze %dma_wait3A_144 : memref<1x128xi32, #tpu.memory_space<hbm>> -> memref<128xi32, #tpu.memory_space<hbm>>
    tpu.wait_dma2 semaphore(%arg14 : memref<!tpu.dma_semaphore, #tpu.memory_space<semaphore_mem>>) src(%dma_wait3A_145 : memref<128xi32, #tpu.memory_space<hbm>>) dst(%arg6 : memref<128xi32, #tpu.memory_space<vmem>>)
    %dma_start3A_146 = arith.constant 0 : i32
    %dma_start3A_147 = arith.constant 0 : i32
    %dma_start3A_148 = tpu.memref_slice %arg3[%dma_start3A_146, %dma_start3A_147] : memref<1003520x64xf32, #tpu.memory_space<hbm>> -> memref<1003520x64xf32, #tpu.memory_space<hbm>>
    tpu.enqueue_indirect_dma source(%dma_start3A_148 : memref<1003520x64xf32, #tpu.memory_space<hbm>>) target(%arg10 : memref<128x64xf32, #tpu.memory_space<vmem>>) offsets(%arg6 : memref<128xi32, #tpu.memory_space<vmem>>) semaphore(%arg18 : memref<!tpu.dma_semaphore, #tpu.memory_space<semaphore_mem>>)
    %scan3A = arith.constant 0 : i32
    %scan3A_149 = arith.constant 0 : i32
    %scan3A_150 = arith.constant 50 : i32
    %scan3A_151 = arith.addi %scan3A_149, %scan3A_150 : i32
    %scan3A_152 = arith.constant 1 : i32
    scf.for %scan3A_194 = %scan3A_149 to %scan3A_151 step %scan3A_152  : i32 {
      %mul3A_195 = arith.constant 4 : i32
      %mul3A_196 = arith.muli %mul3A_195, %scan3A_194 : i32
      %add3A_197 = arith.constant 0 : i32
      %add3A_198 = arith.addi %mul3A_196, %add3A_197 : i32
      %ge3A = arith.constant 2 : i32
      %ge3A_199 = arith.cmpi sge, %add3A_198, %ge3A : i32
      %convert_element_type3A = arith.extui %ge3A_199 : i1 to i32
      %cond3A = arith.constant 0 : i32
      %cond3A_200 = arith.cmpi ne, %convert_element_type3A, %cond3A : i32
      scf.if %cond3A_200 {
        %dma_wait3A_486 = arith.constant 0 : i32
        %dma_wait3A_487 = arith.constant 0 : i32
        %dma_wait3A_488 = arith.constant 0 : i32
        %dma_wait3A_489 = arith.constant 0 : i32
        %dma_wait3A_490 = arith.constant 0 : i32
        %dma_wait3A_491 = tpu.memref_slice %arg11[%dma_wait3A_488, %dma_wait3A_489, %dma_wait3A_490] : memref<8x8x129xf32, #tpu.memory_space<vmem>> -> memref<8x8x128xf32, #tpu.memory_space<vmem>>
        %dma_wait3A_492 = arith.constant 0 : i32
        %dma_wait3A_493 = arith.constant 0 : i32
        %dma_wait3A_494 = arith.constant 0 : i32
        %dma_wait3A_495 = tpu.memref_slice %arg4[%dma_wait3A_486, %dma_wait3A_492, %dma_wait3A_487, %dma_wait3A_493, %dma_wait3A_494] : memref<200x8x32x8x128xf32, #tpu.memory_space<hbm>> -> memref<1x8x1x8x128xf32, #tpu.memory_space<hbm>>
        %dma_wait3A_496 = tpu.memref_squeeze %dma_wait3A_495 : memref<1x8x1x8x128xf32, #tpu.memory_space<hbm>> -> memref<8x8x128xf32, #tpu.memory_space<hbm>>
        %dma_wait3A_497 = arith.constant 0 : i32
        %dma_wait3A_498 = arith.constant 0 : i32
        %dma_wait3A_499 = arith.constant 0 : i32
        %dma_wait3A_500 = tpu.memref_slice %arg4[%dma_wait3A_486, %dma_wait3A_497, %dma_wait3A_487, %dma_wait3A_498, %dma_wait3A_499] : memref<200x8x32x8x128xf32, #tpu.memory_space<hbm>> -> memref<1x8x1x8x128xf32, #tpu.memory_space<hbm>>
        %dma_wait3A_501 = tpu.memref_squeeze %dma_wait3A_500 : memref<1x8x1x8x128xf32, #tpu.memory_space<hbm>> -> memref<8x8x128xf32, #tpu.memory_space<hbm>>
        %dma_wait3A_502 = arith.constant 0 : i32
        %dma_wait3A_503 = arith.constant 0 : i32
        %dma_wait3A_504 = arith.constant 0 : i32
        %dma_wait3A_505 = tpu.memref_slice %arg11[%dma_wait3A_502, %dma_wait3A_503, %dma_wait3A_504] : memref<8x8x129xf32, #tpu.memory_space<vmem>> -> memref<8x8x128xf32, #tpu.memory_space<vmem>>
        tpu.wait_dma2 semaphore(%arg19 : memref<!tpu.dma_semaphore, #tpu.memory_space<semaphore_mem>>) src(%dma_wait3A_505 : memref<8x8x128xf32, #tpu.memory_space<vmem>>) dst(%dma_wait3A_501 : memref<8x8x128xf32, #tpu.memory_space<hbm>>)
      } else {
      }
      %dma_wait3A_201 = arith.constant 0 : i32
      %dma_wait3A_202 = arith.constant 0 : i32
      %dma_wait3A_203 = tpu.memref_slice %arg3[%dma_wait3A_201, %dma_wait3A_202] : memref<1003520x64xf32, #tpu.memory_space<hbm>> -> memref<1003520x64xf32, #tpu.memory_space<hbm>>
      tpu.wait_indirect_dma semaphore(%arg17 : memref<!tpu.dma_semaphore, #tpu.memory_space<semaphore_mem>>) src(%dma_wait3A_203 : memref<1003520x64xf32, #tpu.memory_space<hbm>>) dst(%arg9 : memref<128x64xf32, #tpu.memory_space<vmem>>)
      %parallel_loop3A = arith.constant 0 : i32
      %parallel_loop3A_204 = arith.constant 128 : i32
      %parallel_loop3A_205 = arith.constant 1 : i32
      scf.for %parallel_loop3A_486 = %parallel_loop3A to %parallel_loop3A_204 step %parallel_loop3A_205  : i32 {
        %parallel_loop3A_487 = arith.constant 0 : i32
        %parallel_loop3A_488 = vector.broadcast %parallel_loop3A_487 : i32 to vector<16xi32>
        %parallel_loop3A_489 = arith.muli %iota3A, %parallel_loop3A_488 : vector<16xi32>
        %parallel_loop3A_490 = vector.broadcast %parallel_loop3A_486 : i32 to vector<16xi32>
        %parallel_loop3A_491 = arith.addi %parallel_loop3A_489, %parallel_loop3A_490 : vector<16xi32>
        %parallel_loop3A_492 = arith.constant 0 : i32
        %parallel_loop3A_493 = vector.broadcast %parallel_loop3A_492 : i32 to vector<16xi32>
        %parallel_loop3A_494 = arith.addi %iota3A, %parallel_loop3A_493 : vector<16xi32>
        %parallel_loop3A_495 = arith.constant 3 : i32
        %parallel_loop3A_496 = vector.broadcast %parallel_loop3A_495 : i32 to vector<16xi32>
        %parallel_loop3A_497 = arith.shrui %parallel_loop3A_494, %parallel_loop3A_496 : vector<16xi32>
        %parallel_loop3A_498 = arith.constant 7 : i32
        %parallel_loop3A_499 = vector.broadcast %parallel_loop3A_498 : i32 to vector<16xi32>
        %parallel_loop3A_500 = arith.andi %parallel_loop3A_494, %parallel_loop3A_499 : vector<16xi32>
        %parallel_loop3A_501 = arith.index_cast %parallel_loop3A_486 : i32 to index
        %parallel_loop3A_502 = arith.constant 0 : index
        %parallel_loop3A_503 = tpu.vector_load %arg9[%parallel_loop3A_501, %parallel_loop3A_502] {strides = array<i32>} : memref<128x64xf32, #tpu.memory_space<vmem>>, vector<16xf32>,
        tpu.vector_store_idx %arg11[%parallel_loop3A_497, %parallel_loop3A_500, %parallel_loop3A_491], %parallel_loop3A_503 : memref<8x8x129xf32, #tpu.memory_space<vmem>>[vector<16xi32>, vector<16xi32>, vector<16xi32>], vector<16xf32>,
        %parallel_loop3A_504 = arith.constant 16 : i32
        %parallel_loop3A_505 = vector.broadcast %parallel_loop3A_504 : i32 to vector<16xi32>
        %parallel_loop3A_506 = arith.addi %iota3A, %parallel_loop3A_505 : vector<16xi32>
        %parallel_loop3A_507 = arith.constant 3 : i32
        %parallel_loop3A_508 = vector.broadcast %parallel_loop3A_507 : i32 to vector<16xi32>
        %parallel_loop3A_509 = arith.shrui %parallel_loop3A_506, %parallel_loop3A_508 : vector<16xi32>
        %parallel_loop3A_510 = arith.constant 7 : i32
        %parallel_loop3A_511 = vector.broadcast %parallel_loop3A_510 : i32 to vector<16xi32>
        %parallel_loop3A_512 = arith.andi %parallel_loop3A_506, %parallel_loop3A_511 : vector<16xi32>
        %parallel_loop3A_513 = arith.index_cast %parallel_loop3A_486 : i32 to index
        %parallel_loop3A_514 = arith.constant 16 : index
        %parallel_loop3A_515 = tpu.vector_load %arg9[%parallel_loop3A_513, %parallel_loop3A_514] {strides = array<i32>} : memref<128x64xf32, #tpu.memory_space<vmem>>, vector<16xf32>,
        tpu.vector_store_idx %arg11[%parallel_loop3A_509, %parallel_loop3A_512, %parallel_loop3A_491], %parallel_loop3A_515 : memref<8x8x129xf32, #tpu.memory_space<vmem>>[vector<16xi32>, vector<16xi32>, vector<16xi32>], vector<16xf32>,
        %parallel_loop3A_516 = arith.constant 32 : i32
        %parallel_loop3A_517 = vector.broadcast %parallel_loop3A_516 : i32 to vector<16xi32>
        %parallel_loop3A_518 = arith.addi %iota3A, %parallel_loop3A_517 : vector<16xi32>
        %parallel_loop3A_519 = arith.constant 3 : i32
        %parallel_loop3A_520 = vector.broadcast %parallel_loop3A_519 : i32 to vector<16xi32>
        %parallel_loop3A_521 = arith.shrui %parallel_loop3A_518, %parallel_loop3A_520 : vector<16xi32>
        %parallel_loop3A_522 = arith.constant 7 : i32
        %parallel_loop3A_523 = vector.broadcast %parallel_loop3A_522 : i32 to vector<16xi32>
        %parallel_loop3A_524 = arith.andi %parallel_loop3A_518, %parallel_loop3A_523 : vector<16xi32>
        %parallel_loop3A_525 = arith.index_cast %parallel_loop3A_486 : i32 to index
        %parallel_loop3A_526 = arith.constant 32 : index
        %parallel_loop3A_527 = tpu.vector_load %arg9[%parallel_loop3A_525, %parallel_loop3A_526] {strides = array<i32>} : memref<128x64xf32, #tpu.memory_space<vmem>>, vector<16xf32>,
        tpu.vector_store_idx %arg11[%parallel_loop3A_521, %parallel_loop3A_524, %parallel_loop3A_491], %parallel_loop3A_527 : memref<8x8x129xf32, #tpu.memory_space<vmem>>[vector<16xi32>, vector<16xi32>, vector<16xi32>], vector<16xf32>,
        %parallel_loop3A_528 = arith.constant 48 : i32
        %parallel_loop3A_529 = vector.broadcast %parallel_loop3A_528 : i32 to vector<16xi32>
        %parallel_loop3A_530 = arith.addi %iota3A, %parallel_loop3A_529 : vector<16xi32>
        %parallel_loop3A_531 = arith.constant 3 : i32
        %parallel_loop3A_532 = vector.broadcast %parallel_loop3A_531 : i32 to vector<16xi32>
        %parallel_loop3A_533 = arith.shrui %parallel_loop3A_530, %parallel_loop3A_532 : vector<16xi32>
        %parallel_loop3A_534 = arith.constant 7 : i32
        %parallel_loop3A_535 = vector.broadcast %parallel_loop3A_534 : i32 to vector<16xi32>
        %parallel_loop3A_536 = arith.andi %parallel_loop3A_530, %parallel_loop3A_535 : vector<16xi32>
        %parallel_loop3A_537 = arith.index_cast %parallel_loop3A_486 : i32 to index
        %parallel_loop3A_538 = arith.constant 48 : index
        %parallel_loop3A_539 = tpu.vector_load %arg9[%parallel_loop3A_537, %parallel_loop3A_538] {strides = array<i32>} : memref<128x64xf32, #tpu.memory_space<vmem>>, vector<16xf32>,
        tpu.vector_store_idx %arg11[%parallel_loop3A_533, %parallel_loop3A_536, %parallel_loop3A_491], %parallel_loop3A_539 : memref<8x8x129xf32, #tpu.memory_space<vmem>>[vector<16xi32>, vector<16xi32>, vector<16xi32>], vector<16xf32>,
      } {sc.loop_unroll_factor = 8 : i64, sc.parallel_access}
      %add3A_206 = arith.constant 4 : i32
      %add3A_207 = arith.addi %add3A_198, %add3A_206 : i32
      %lt3A = arith.constant 200 : i32
      %lt3A_208 = arith.cmpi slt, %add3A_207, %lt3A : i32
      %convert_element_type3A_209 = arith.extui %lt3A_208 : i1 to i32
      %cond3A_210 = arith.constant 0 : i32
      %cond3A_211 = arith.cmpi ne, %convert_element_type3A_209, %cond3A_210 : i32
      scf.if %cond3A_211 {
        %add3A_486 = arith.constant 4 : i32
        %add3A_487 = arith.addi %add3A_198, %add3A_486 : i32
        %add3A_488 = arith.addi %mul3A_2, %add3A_487 : i32
        %jit3A_489 = arith.constant 32 : i32
        %div3A_490 = arith.divsi %add3A_488, %jit3A_489 : i32
        %sign3A_491 = arith.constant 0 : i32
        %sign3A_492 = arith.cmpi sgt, %add3A_488, %sign3A_491 : i32
        %sign3A_493 = arith.extui %sign3A_492 : i1 to i32
        %sign3A_494 = arith.constant 0 : i32
        %sign3A_495 = arith.cmpi slt, %add3A_488, %sign3A_494 : i32
        %sign3A_496 = arith.extui %sign3A_495 : i1 to i32
        %sign3A_497 = arith.subi %sign3A_493, %sign3A_496 : i32
        %sign3A_498 = arith.constant 0 : i32
        %sign3A_499 = arith.cmpi sgt, %jit3A_489, %sign3A_498 : i32
        %sign3A_500 = arith.extui %sign3A_499 : i1 to i32
        %sign3A_501 = arith.constant 0 : i32
        %sign3A_502 = arith.cmpi slt, %jit3A_489, %sign3A_501 : i32
        %sign3A_503 = arith.extui %sign3A_502 : i1 to i32
        %sign3A_504 = arith.subi %sign3A_500, %sign3A_503 : i32
        %ne3A_505 = arith.cmpi ne, %sign3A_497, %sign3A_504 : i32
        %rem3A_506 = arith.remsi %add3A_488, %jit3A_489 : i32
        %ne3A_507 = arith.constant 0 : i32
        %ne3A_508 = arith.cmpi ne, %rem3A_506, %ne3A_507 : i32
        %and3A_509 = arith.andi %ne3A_505, %ne3A_508 : i1
        %sub3A_510 = arith.constant 1 : i32
        %sub3A_511 = arith.subi %div3A_490, %sub3A_510 : i32
        %select_n3A_512 = arith.select %and3A_509, %sub3A_511, %div3A_490 : i32
        %rem3A_513 = arith.constant 32 : i32
        %rem3A_514 = arith.remsi %add3A_488, %rem3A_513 : i32
        %mul3A_515 = arith.constant 128 : i32
        %mul3A_516 = arith.muli %rem3A_514, %mul3A_515 : i32
        %dma_start3A_517 = tpu.memref_slice %arg2[%select_n3A_512, %mul3A_516] : memref<200x4096xi32, #tpu.memory_space<hbm>> -> memref<1x128xi32, #tpu.memory_space<hbm>>
        %dma_start3A_518 = tpu.memref_squeeze %dma_start3A_517 : memref<1x128xi32, #tpu.memory_space<hbm>> -> memref<128xi32, #tpu.memory_space<hbm>>
        %dma_start3A_519 = tpu.memref_slice %arg2[%select_n3A_512, %mul3A_516] : memref<200x4096xi32, #tpu.memory_space<hbm>> -> memref<1x128xi32, #tpu.memory_space<hbm>>
        %dma_start3A_520 = tpu.memref_squeeze %dma_start3A_519 : memref<1x128xi32, #tpu.memory_space<hbm>> -> memref<128xi32, #tpu.memory_space<hbm>>
        tpu.enqueue_dma source(%dma_start3A_520 : memref<128xi32, #tpu.memory_space<hbm>>) target(%arg5 : memref<128xi32, #tpu.memory_space<vmem>>) target_semaphore(%arg13 : memref<!tpu.dma_semaphore, #tpu.memory_space<semaphore_mem>>)
      } else {
      }
      %add3A_212 = arith.addi %mul3A_2, %add3A_198 : i32
      %jit3A_213 = arith.constant 32 : i32
      %div3A_214 = arith.divsi %add3A_212, %jit3A_213 : i32
      %sign3A_215 = arith.constant 0 : i32
      %sign3A_216 = arith.cmpi sgt, %add3A_212, %sign3A_215 : i32
      %sign3A_217 = arith.extui %sign3A_216 : i1 to i32
      %sign3A_218 = arith.constant 0 : i32
      %sign3A_219 = arith.cmpi slt, %add3A_212, %sign3A_218 : i32
      %sign3A_220 = arith.extui %sign3A_219 : i1 to i32
      %sign3A_221 = arith.subi %sign3A_217, %sign3A_220 : i32
      %sign3A_222 = arith.constant 0 : i32
      %sign3A_223 = arith.cmpi sgt, %jit3A_213, %sign3A_222 : i32
      %sign3A_224 = arith.extui %sign3A_223 : i1 to i32
      %sign3A_225 = arith.constant 0 : i32
      %sign3A_226 = arith.cmpi slt, %jit3A_213, %sign3A_225 : i32
      %sign3A_227 = arith.extui %sign3A_226 : i1 to i32
      %sign3A_228 = arith.subi %sign3A_224, %sign3A_227 : i32
      %ne3A_229 = arith.cmpi ne, %sign3A_221, %sign3A_228 : i32
      %rem3A_230 = arith.remsi %add3A_212, %jit3A_213 : i32
      %ne3A_231 = arith.constant 0 : i32
      %ne3A_232 = arith.cmpi ne, %rem3A_230, %ne3A_231 : i32
      %and3A_233 = arith.andi %ne3A_229, %ne3A_232 : i1
      %sub3A_234 = arith.constant 1 : i32
      %sub3A_235 = arith.subi %div3A_214, %sub3A_234 : i32
      %select_n3A_236 = arith.select %and3A_233, %sub3A_235, %div3A_214 : i32
      %rem3A_237 = arith.constant 32 : i32
      %rem3A_238 = arith.remsi %add3A_212, %rem3A_237 : i32
      %dma_start3A_239 = arith.constant 0 : i32
      %dma_start3A_240 = arith.constant 0 : i32
      %dma_start3A_241 = arith.constant 0 : i32
      %dma_start3A_242 = tpu.memref_slice %arg11[%dma_start3A_239, %dma_start3A_240, %dma_start3A_241] : memref<8x8x129xf32, #tpu.memory_space<vmem>> -> memref<8x8x128xf32, #tpu.memory_space<vmem>>
      %dma_start3A_243 = arith.constant 0 : i32
      %dma_start3A_244 = arith.constant 0 : i32
      %dma_start3A_245 = arith.constant 0 : i32
      %dma_start3A_246 = tpu.memref_slice %arg4[%select_n3A_236, %dma_start3A_243, %rem3A_238, %dma_start3A_244, %dma_start3A_245] : memref<200x8x32x8x128xf32, #tpu.memory_space<hbm>> -> memref<1x8x1x8x128xf32, #tpu.memory_space<hbm>>
      %dma_start3A_247 = tpu.memref_squeeze %dma_start3A_246 : memref<1x8x1x8x128xf32, #tpu.memory_space<hbm>> -> memref<8x8x128xf32, #tpu.memory_space<hbm>>
      %dma_start3A_248 = arith.constant 0 : i32
      %dma_start3A_249 = arith.constant 0 : i32
      %dma_start3A_250 = arith.constant 0 : i32
      %dma_start3A_251 = tpu.memref_slice %arg4[%select_n3A_236, %dma_start3A_248, %rem3A_238, %dma_start3A_249, %dma_start3A_250] : memref<200x8x32x8x128xf32, #tpu.memory_space<hbm>> -> memref<1x8x1x8x128xf32, #tpu.memory_space<hbm>>
      %dma_start3A_252 = tpu.memref_squeeze %dma_start3A_251 : memref<1x8x1x8x128xf32, #tpu.memory_space<hbm>> -> memref<8x8x128xf32, #tpu.memory_space<hbm>>
      %dma_start3A_253 = arith.constant 0 : i32
      %dma_start3A_254 = arith.constant 0 : i32
      %dma_start3A_255 = arith.constant 0 : i32
      %dma_start3A_256 = tpu.memref_slice %arg11[%dma_start3A_253, %dma_start3A_254, %dma_start3A_255] : memref<8x8x129xf32, #tpu.memory_space<vmem>> -> memref<8x8x128xf32, #tpu.memory_space<vmem>>
      tpu.enqueue_dma source(%dma_start3A_256 : memref<8x8x128xf32, #tpu.memory_space<vmem>>) target(%dma_start3A_252 : memref<8x8x128xf32, #tpu.memory_space<hbm>>) target_semaphore(%arg19 : memref<!tpu.dma_semaphore, #tpu.memory_space<semaphore_mem>>)
      %add3A_257 = arith.constant 2 : i32
      %add3A_258 = arith.addi %add3A_198, %add3A_257 : i32
      %lt3A_259 = arith.constant 200 : i32
      %lt3A_260 = arith.cmpi slt, %add3A_258, %lt3A_259 : i32
      %convert_element_type3A_261 = arith.extui %lt3A_260 : i1 to i32
      %cond3A_262 = arith.constant 0 : i32
      %cond3A_263 = arith.cmpi ne, %convert_element_type3A_261, %cond3A_262 : i32
      scf.if %cond3A_263 {
        %dma_wait3A_486 = arith.constant 0 : i32
        %dma_wait3A_487 = arith.constant 0 : i32
        %dma_wait3A_488 = tpu.memref_slice %arg2[%dma_wait3A_486, %dma_wait3A_487] : memref<200x4096xi32, #tpu.memory_space<hbm>> -> memref<1x128xi32, #tpu.memory_space<hbm>>
        %dma_wait3A_489 = tpu.memref_squeeze %dma_wait3A_488 : memref<1x128xi32, #tpu.memory_space<hbm>> -> memref<128xi32, #tpu.memory_space<hbm>>
        %dma_wait3A_490 = arith.constant 0 : i32
        %dma_wait3A_491 = tpu.memref_slice %arg2[%dma_wait3A_486, %dma_wait3A_490] : memref<200x4096xi32, #tpu.memory_space<hbm>> -> memref<1x128xi32, #tpu.memory_space<hbm>>
        %dma_wait3A_492 = tpu.memref_squeeze %dma_wait3A_491 : memref<1x128xi32, #tpu.memory_space<hbm>> -> memref<128xi32, #tpu.memory_space<hbm>>
        tpu.wait_dma2 semaphore(%arg15 : memref<!tpu.dma_semaphore, #tpu.memory_space<semaphore_mem>>) src(%dma_wait3A_492 : memref<128xi32, #tpu.memory_space<hbm>>) dst(%arg7 : memref<128xi32, #tpu.memory_space<vmem>>)
        %dma_start3A_493 = arith.constant 0 : i32
        %dma_start3A_494 = arith.constant 0 : i32
        %dma_start3A_495 = tpu.memref_slice %arg3[%dma_start3A_493, %dma_start3A_494] : memref<1003520x64xf32, #tpu.memory_space<hbm>> -> memref<1003520x64xf32, #tpu.memory_space<hbm>>
        tpu.enqueue_indirect_dma source(%dma_start3A_495 : memref<1003520x64xf32, #tpu.memory_space<hbm>>) target(%arg9 : memref<128x64xf32, #tpu.memory_space<vmem>>) offsets(%arg7 : memref<128xi32, #tpu.memory_space<vmem>>) semaphore(%arg17 : memref<!tpu.dma_semaphore, #tpu.memory_space<semaphore_mem>>)
      } else {
      }
      %mul3A_264 = arith.constant 4 : i32
      %mul3A_265 = arith.muli %mul3A_264, %scan3A_194 : i32
      %add3A_266 = arith.constant 1 : i32
      %add3A_267 = arith.addi %mul3A_265, %add3A_266 : i32
      %ge3A_268 = arith.constant 2 : i32
      %ge3A_269 = arith.cmpi sge, %add3A_267, %ge3A_268 : i32
      %convert_element_type3A_270 = arith.extui %ge3A_269 : i1 to i32
      %cond3A_271 = arith.constant 0 : i32
      %cond3A_272 = arith.cmpi ne, %convert_element_type3A_270, %cond3A_271 : i32
      scf.if %cond3A_272 {
        %dma_wait3A_486 = arith.constant 0 : i32
        %dma_wait3A_487 = arith.constant 0 : i32
        %dma_wait3A_488 = arith.constant 0 : i32
        %dma_wait3A_489 = arith.constant 0 : i32
        %dma_wait3A_490 = arith.constant 0 : i32
        %dma_wait3A_491 = tpu.memref_slice %arg12[%dma_wait3A_488, %dma_wait3A_489, %dma_wait3A_490] : memref<8x8x129xf32, #tpu.memory_space<vmem>> -> memref<8x8x128xf32, #tpu.memory_space<vmem>>
        %dma_wait3A_492 = arith.constant 0 : i32
        %dma_wait3A_493 = arith.constant 0 : i32
        %dma_wait3A_494 = arith.constant 0 : i32
        %dma_wait3A_495 = tpu.memref_slice %arg4[%dma_wait3A_486, %dma_wait3A_492, %dma_wait3A_487, %dma_wait3A_493, %dma_wait3A_494] : memref<200x8x32x8x128xf32, #tpu.memory_space<hbm>> -> memref<1x8x1x8x128xf32, #tpu.memory_space<hbm>>
        %dma_wait3A_496 = tpu.memref_squeeze %dma_wait3A_495 : memref<1x8x1x8x128xf32, #tpu.memory_space<hbm>> -> memref<8x8x128xf32, #tpu.memory_space<hbm>>
        %dma_wait3A_497 = arith.constant 0 : i32
        %dma_wait3A_498 = arith.constant 0 : i32
        %dma_wait3A_499 = arith.constant 0 : i32
        %dma_wait3A_500 = tpu.memref_slice %arg4[%dma_wait3A_486, %dma_wait3A_497, %dma_wait3A_487, %dma_wait3A_498, %dma_wait3A_499] : memref<200x8x32x8x128xf32, #tpu.memory_space<hbm>> -> memref<1x8x1x8x128xf32, #tpu.memory_space<hbm>>
        %dma_wait3A_501 = tpu.memref_squeeze %dma_wait3A_500 : memref<1x8x1x8x128xf32, #tpu.memory_space<hbm>> -> memref<8x8x128xf32, #tpu.memory_space<hbm>>
        %dma_wait3A_502 = arith.constant 0 : i32
        %dma_wait3A_503 = arith.constant 0 : i32
        %dma_wait3A_504 = arith.constant 0 : i32
        %dma_wait3A_505 = tpu.memref_slice %arg12[%dma_wait3A_502, %dma_wait3A_503, %dma_wait3A_504] : memref<8x8x129xf32, #tpu.memory_space<vmem>> -> memref<8x8x128xf32, #tpu.memory_space<vmem>>
        tpu.wait_dma2 semaphore(%arg20 : memref<!tpu.dma_semaphore, #tpu.memory_space<semaphore_mem>>) src(%dma_wait3A_505 : memref<8x8x128xf32, #tpu.memory_space<vmem>>) dst(%dma_wait3A_501 : memref<8x8x128xf32, #tpu.memory_space<hbm>>)
      } else {
      }
      %dma_wait3A_273 = arith.constant 0 : i32
      %dma_wait3A_274 = arith.constant 0 : i32
      %dma_wait3A_275 = tpu.memref_slice %arg3[%dma_wait3A_273, %dma_wait3A_274] : memref<1003520x64xf32, #tpu.memory_space<hbm>> -> memref<1003520x64xf32, #tpu.memory_space<hbm>>
      tpu.wait_indirect_dma semaphore(%arg18 : memref<!tpu.dma_semaphore, #tpu.memory_space<semaphore_mem>>) src(%dma_wait3A_275 : memref<1003520x64xf32, #tpu.memory_space<hbm>>) dst(%arg10 : memref<128x64xf32, #tpu.memory_space<vmem>>)
      %parallel_loop3A_276 = arith.constant 0 : i32
      %parallel_loop3A_277 = arith.constant 128 : i32
      %parallel_loop3A_278 = arith.constant 1 : i32
      scf.for %parallel_loop3A_486 = %parallel_loop3A_276 to %parallel_loop3A_277 step %parallel_loop3A_278  : i32 {
        %parallel_loop3A_487 = arith.constant 0 : i32
        %parallel_loop3A_488 = vector.broadcast %parallel_loop3A_487 : i32 to vector<16xi32>
        %parallel_loop3A_489 = arith.muli %iota3A, %parallel_loop3A_488 : vector<16xi32>
        %parallel_loop3A_490 = vector.broadcast %parallel_loop3A_486 : i32 to vector<16xi32>
        %parallel_loop3A_491 = arith.addi %parallel_loop3A_489, %parallel_loop3A_490 : vector<16xi32>
        %parallel_loop3A_492 = arith.constant 0 : i32
        %parallel_loop3A_493 = vector.broadcast %parallel_loop3A_492 : i32 to vector<16xi32>
        %parallel_loop3A_494 = arith.addi %iota3A, %parallel_loop3A_493 : vector<16xi32>
        %parallel_loop3A_495 = arith.constant 3 : i32
        %parallel_loop3A_496 = vector.broadcast %parallel_loop3A_495 : i32 to vector<16xi32>
        %parallel_loop3A_497 = arith.shrui %parallel_loop3A_494, %parallel_loop3A_496 : vector<16xi32>
        %parallel_loop3A_498 = arith.constant 7 : i32
        %parallel_loop3A_499 = vector.broadcast %parallel_loop3A_498 : i32 to vector<16xi32>
        %parallel_loop3A_500 = arith.andi %parallel_loop3A_494, %parallel_loop3A_499 : vector<16xi32>
        %parallel_loop3A_501 = arith.index_cast %parallel_loop3A_486 : i32 to index
        %parallel_loop3A_502 = arith.constant 0 : index
        %parallel_loop3A_503 = tpu.vector_load %arg10[%parallel_loop3A_501, %parallel_loop3A_502] {strides = array<i32>} : memref<128x64xf32, #tpu.memory_space<vmem>>, vector<16xf32>,
        tpu.vector_store_idx %arg12[%parallel_loop3A_497, %parallel_loop3A_500, %parallel_loop3A_491], %parallel_loop3A_503 : memref<8x8x129xf32, #tpu.memory_space<vmem>>[vector<16xi32>, vector<16xi32>, vector<16xi32>], vector<16xf32>,
        %parallel_loop3A_504 = arith.constant 16 : i32
        %parallel_loop3A_505 = vector.broadcast %parallel_loop3A_504 : i32 to vector<16xi32>
        %parallel_loop3A_506 = arith.addi %iota3A, %parallel_loop3A_505 : vector<16xi32>
        %parallel_loop3A_507 = arith.constant 3 : i32
        %parallel_loop3A_508 = vector.broadcast %parallel_loop3A_507 : i32 to vector<16xi32>
        %parallel_loop3A_509 = arith.shrui %parallel_loop3A_506, %parallel_loop3A_508 : vector<16xi32>
        %parallel_loop3A_510 = arith.constant 7 : i32
        %parallel_loop3A_511 = vector.broadcast %parallel_loop3A_510 : i32 to vector<16xi32>
        %parallel_loop3A_512 = arith.andi %parallel_loop3A_506, %parallel_loop3A_511 : vector<16xi32>
        %parallel_loop3A_513 = arith.index_cast %parallel_loop3A_486 : i32 to index
        %parallel_loop3A_514 = arith.constant 16 : index
        %parallel_loop3A_515 = tpu.vector_load %arg10[%parallel_loop3A_513, %parallel_loop3A_514] {strides = array<i32>} : memref<128x64xf32, #tpu.memory_space<vmem>>, vector<16xf32>,
        tpu.vector_store_idx %arg12[%parallel_loop3A_509, %parallel_loop3A_512, %parallel_loop3A_491], %parallel_loop3A_515 : memref<8x8x129xf32, #tpu.memory_space<vmem>>[vector<16xi32>, vector<16xi32>, vector<16xi32>], vector<16xf32>,
        %parallel_loop3A_516 = arith.constant 32 : i32
        %parallel_loop3A_517 = vector.broadcast %parallel_loop3A_516 : i32 to vector<16xi32>
        %parallel_loop3A_518 = arith.addi %iota3A, %parallel_loop3A_517 : vector<16xi32>
        %parallel_loop3A_519 = arith.constant 3 : i32
        %parallel_loop3A_520 = vector.broadcast %parallel_loop3A_519 : i32 to vector<16xi32>
        %parallel_loop3A_521 = arith.shrui %parallel_loop3A_518, %parallel_loop3A_520 : vector<16xi32>
        %parallel_loop3A_522 = arith.constant 7 : i32
        %parallel_loop3A_523 = vector.broadcast %parallel_loop3A_522 : i32 to vector<16xi32>
        %parallel_loop3A_524 = arith.andi %parallel_loop3A_518, %parallel_loop3A_523 : vector<16xi32>
        %parallel_loop3A_525 = arith.index_cast %parallel_loop3A_486 : i32 to index
        %parallel_loop3A_526 = arith.constant 32 : index
        %parallel_loop3A_527 = tpu.vector_load %arg10[%parallel_loop3A_525, %parallel_loop3A_526] {strides = array<i32>} : memref<128x64xf32, #tpu.memory_space<vmem>>, vector<16xf32>,
        tpu.vector_store_idx %arg12[%parallel_loop3A_521, %parallel_loop3A_524, %parallel_loop3A_491], %parallel_loop3A_527 : memref<8x8x129xf32, #tpu.memory_space<vmem>>[vector<16xi32>, vector<16xi32>, vector<16xi32>], vector<16xf32>,
        %parallel_loop3A_528 = arith.constant 48 : i32
        %parallel_loop3A_529 = vector.broadcast %parallel_loop3A_528 : i32 to vector<16xi32>
        %parallel_loop3A_530 = arith.addi %iota3A, %parallel_loop3A_529 : vector<16xi32>
        %parallel_loop3A_531 = arith.constant 3 : i32
        %parallel_loop3A_532 = vector.broadcast %parallel_loop3A_531 : i32 to vector<16xi32>
        %parallel_loop3A_533 = arith.shrui %parallel_loop3A_530, %parallel_loop3A_532 : vector<16xi32>
        %parallel_loop3A_534 = arith.constant 7 : i32
        %parallel_loop3A_535 = vector.broadcast %parallel_loop3A_534 : i32 to vector<16xi32>
        %parallel_loop3A_536 = arith.andi %parallel_loop3A_530, %parallel_loop3A_535 : vector<16xi32>
        %parallel_loop3A_537 = arith.index_cast %parallel_loop3A_486 : i32 to index
        %parallel_loop3A_538 = arith.constant 48 : index
        %parallel_loop3A_539 = tpu.vector_load %arg10[%parallel_loop3A_537, %parallel_loop3A_538] {strides = array<i32>} : memref<128x64xf32, #tpu.memory_space<vmem>>, vector<16xf32>,
        tpu.vector_store_idx %arg12[%parallel_loop3A_533, %parallel_loop3A_536, %parallel_loop3A_491], %parallel_loop3A_539 : memref<8x8x129xf32, #tpu.memory_space<vmem>>[vector<16xi32>, vector<16xi32>, vector<16xi32>], vector<16xf32>,
      } {sc.loop_unroll_factor = 8 : i64, sc.parallel_access}
      %add3A_279 = arith.constant 4 : i32
      %add3A_280 = arith.addi %add3A_267, %add3A_279 : i32
      %lt3A_281 = arith.constant 200 : i32
      %lt3A_282 = arith.cmpi slt, %add3A_280, %lt3A_281 : i32
      %convert_element_type3A_283 = arith.extui %lt3A_282 : i1 to i32
      %cond3A_284 = arith.constant 0 : i32
      %cond3A_285 = arith.cmpi ne, %convert_element_type3A_283, %cond3A_284 : i32
      scf.if %cond3A_285 {
        %add3A_486 = arith.constant 4 : i32
        %add3A_487 = arith.addi %add3A_267, %add3A_486 : i32
        %add3A_488 = arith.addi %mul3A_2, %add3A_487 : i32
        %jit3A_489 = arith.constant 32 : i32
        %div3A_490 = arith.divsi %add3A_488, %jit3A_489 : i32
        %sign3A_491 = arith.constant 0 : i32
        %sign3A_492 = arith.cmpi sgt, %add3A_488, %sign3A_491 : i32
        %sign3A_493 = arith.extui %sign3A_492 : i1 to i32
        %sign3A_494 = arith.constant 0 : i32
        %sign3A_495 = arith.cmpi slt, %add3A_488, %sign3A_494 : i32
        %sign3A_496 = arith.extui %sign3A_495 : i1 to i32
        %sign3A_497 = arith.subi %sign3A_493, %sign3A_496 : i32
        %sign3A_498 = arith.constant 0 : i32
        %sign3A_499 = arith.cmpi sgt, %jit3A_489, %sign3A_498 : i32
        %sign3A_500 = arith.extui %sign3A_499 : i1 to i32
        %sign3A_501 = arith.constant 0 : i32
        %sign3A_502 = arith.cmpi slt, %jit3A_489, %sign3A_501 : i32
        %sign3A_503 = arith.extui %sign3A_502 : i1 to i32
        %sign3A_504 = arith.subi %sign3A_500, %sign3A_503 : i32
        %ne3A_505 = arith.cmpi ne, %sign3A_497, %sign3A_504 : i32
        %rem3A_506 = arith.remsi %add3A_488, %jit3A_489 : i32
        %ne3A_507 = arith.constant 0 : i32
        %ne3A_508 = arith.cmpi ne, %rem3A_506, %ne3A_507 : i32
        %and3A_509 = arith.andi %ne3A_505, %ne3A_508 : i1
        %sub3A_510 = arith.constant 1 : i32
        %sub3A_511 = arith.subi %div3A_490, %sub3A_510 : i32
        %select_n3A_512 = arith.select %and3A_509, %sub3A_511, %div3A_490 : i32
        %rem3A_513 = arith.constant 32 : i32
        %rem3A_514 = arith.remsi %add3A_488, %rem3A_513 : i32
        %mul3A_515 = arith.constant 128 : i32
        %mul3A_516 = arith.muli %rem3A_514, %mul3A_515 : i32
        %dma_start3A_517 = tpu.memref_slice %arg2[%select_n3A_512, %mul3A_516] : memref<200x4096xi32, #tpu.memory_space<hbm>> -> memref<1x128xi32, #tpu.memory_space<hbm>>
        %dma_start3A_518 = tpu.memref_squeeze %dma_start3A_517 : memref<1x128xi32, #tpu.memory_space<hbm>> -> memref<128xi32, #tpu.memory_space<hbm>>
        %dma_start3A_519 = tpu.memref_slice %arg2[%select_n3A_512, %mul3A_516] : memref<200x4096xi32, #tpu.memory_space<hbm>> -> memref<1x128xi32, #tpu.memory_space<hbm>>
        %dma_start3A_520 = tpu.memref_squeeze %dma_start3A_519 : memref<1x128xi32, #tpu.memory_space<hbm>> -> memref<128xi32, #tpu.memory_space<hbm>>
        tpu.enqueue_dma source(%dma_start3A_520 : memref<128xi32, #tpu.memory_space<hbm>>) target(%arg6 : memref<128xi32, #tpu.memory_space<vmem>>) target_semaphore(%arg14 : memref<!tpu.dma_semaphore, #tpu.memory_space<semaphore_mem>>)
      } else {
      }
      %add3A_286 = arith.addi %mul3A_2, %add3A_267 : i32
      %jit3A_287 = arith.constant 32 : i32
      %div3A_288 = arith.divsi %add3A_286, %jit3A_287 : i32
      %sign3A_289 = arith.constant 0 : i32
      %sign3A_290 = arith.cmpi sgt, %add3A_286, %sign3A_289 : i32
      %sign3A_291 = arith.extui %sign3A_290 : i1 to i32
      %sign3A_292 = arith.constant 0 : i32
      %sign3A_293 = arith.cmpi slt, %add3A_286, %sign3A_292 : i32
      %sign3A_294 = arith.extui %sign3A_293 : i1 to i32
      %sign3A_295 = arith.subi %sign3A_291, %sign3A_294 : i32
      %sign3A_296 = arith.constant 0 : i32
      %sign3A_297 = arith.cmpi sgt, %jit3A_287, %sign3A_296 : i32
      %sign3A_298 = arith.extui %sign3A_297 : i1 to i32
      %sign3A_299 = arith.constant 0 : i32
      %sign3A_300 = arith.cmpi slt, %jit3A_287, %sign3A_299 : i32
      %sign3A_301 = arith.extui %sign3A_300 : i1 to i32
      %sign3A_302 = arith.subi %sign3A_298, %sign3A_301 : i32
      %ne3A_303 = arith.cmpi ne, %sign3A_295, %sign3A_302 : i32
      %rem3A_304 = arith.remsi %add3A_286, %jit3A_287 : i32
      %ne3A_305 = arith.constant 0 : i32
      %ne3A_306 = arith.cmpi ne, %rem3A_304, %ne3A_305 : i32
      %and3A_307 = arith.andi %ne3A_303, %ne3A_306 : i1
      %sub3A_308 = arith.constant 1 : i32
      %sub3A_309 = arith.subi %div3A_288, %sub3A_308 : i32
      %select_n3A_310 = arith.select %and3A_307, %sub3A_309, %div3A_288 : i32
      %rem3A_311 = arith.constant 32 : i32
      %rem3A_312 = arith.remsi %add3A_286, %rem3A_311 : i32
      %dma_start3A_313 = arith.constant 0 : i32
      %dma_start3A_314 = arith.constant 0 : i32
      %dma_start3A_315 = arith.constant 0 : i32
      %dma_start3A_316 = tpu.memref_slice %arg12[%dma_start3A_313, %dma_start3A_314, %dma_start3A_315] : memref<8x8x129xf32, #tpu.memory_space<vmem>> -> memref<8x8x128xf32, #tpu.memory_space<vmem>>
      %dma_start3A_317 = arith.constant 0 : i32
      %dma_start3A_318 = arith.constant 0 : i32
      %dma_start3A_319 = arith.constant 0 : i32
      %dma_start3A_320 = tpu.memref_slice %arg4[%select_n3A_310, %dma_start3A_317, %rem3A_312, %dma_start3A_318, %dma_start3A_319] : memref<200x8x32x8x128xf32, #tpu.memory_space<hbm>> -> memref<1x8x1x8x128xf32, #tpu.memory_space<hbm>>
      %dma_start3A_321 = tpu.memref_squeeze %dma_start3A_320 : memref<1x8x1x8x128xf32, #tpu.memory_space<hbm>> -> memref<8x8x128xf32, #tpu.memory_space<hbm>>
      %dma_start3A_322 = arith.constant 0 : i32
      %dma_start3A_323 = arith.constant 0 : i32
      %dma_start3A_324 = arith.constant 0 : i32
      %dma_start3A_325 = tpu.memref_slice %arg4[%select_n3A_310, %dma_start3A_322, %rem3A_312, %dma_start3A_323, %dma_start3A_324] : memref<200x8x32x8x128xf32, #tpu.memory_space<hbm>> -> memref<1x8x1x8x128xf32, #tpu.memory_space<hbm>>
      %dma_start3A_326 = tpu.memref_squeeze %dma_start3A_325 : memref<1x8x1x8x128xf32, #tpu.memory_space<hbm>> -> memref<8x8x128xf32, #tpu.memory_space<hbm>>
      %dma_start3A_327 = arith.constant 0 : i32
      %dma_start3A_328 = arith.constant 0 : i32
      %dma_start3A_329 = arith.constant 0 : i32
      %dma_start3A_330 = tpu.memref_slice %arg12[%dma_start3A_327, %dma_start3A_328, %dma_start3A_329] : memref<8x8x129xf32, #tpu.memory_space<vmem>> -> memref<8x8x128xf32, #tpu.memory_space<vmem>>
      tpu.enqueue_dma source(%dma_start3A_330 : memref<8x8x128xf32, #tpu.memory_space<vmem>>) target(%dma_start3A_326 : memref<8x8x128xf32, #tpu.memory_space<hbm>>) target_semaphore(%arg20 : memref<!tpu.dma_semaphore, #tpu.memory_space<semaphore_mem>>)
      %add3A_331 = arith.constant 2 : i32
      %add3A_332 = arith.addi %add3A_267, %add3A_331 : i32
      %lt3A_333 = arith.constant 200 : i32
      %lt3A_334 = arith.cmpi slt, %add3A_332, %lt3A_333 : i32
      %convert_element_type3A_335 = arith.extui %lt3A_334 : i1 to i32
      %cond3A_336 = arith.constant 0 : i32
      %cond3A_337 = arith.cmpi ne, %convert_element_type3A_335, %cond3A_336 : i32
      scf.if %cond3A_337 {
        %dma_wait3A_486 = arith.constant 0 : i32
        %dma_wait3A_487 = arith.constant 0 : i32
        %dma_wait3A_488 = tpu.memref_slice %arg2[%dma_wait3A_486, %dma_wait3A_487] : memref<200x4096xi32, #tpu.memory_space<hbm>> -> memref<1x128xi32, #tpu.memory_space<hbm>>
        %dma_wait3A_489 = tpu.memref_squeeze %dma_wait3A_488 : memref<1x128xi32, #tpu.memory_space<hbm>> -> memref<128xi32, #tpu.memory_space<hbm>>
        %dma_wait3A_490 = arith.constant 0 : i32
        %dma_wait3A_491 = tpu.memref_slice %arg2[%dma_wait3A_486, %dma_wait3A_490] : memref<200x4096xi32, #tpu.memory_space<hbm>> -> memref<1x128xi32, #tpu.memory_space<hbm>>
        %dma_wait3A_492 = tpu.memref_squeeze %dma_wait3A_491 : memref<1x128xi32, #tpu.memory_space<hbm>> -> memref<128xi32, #tpu.memory_space<hbm>>
        tpu.wait_dma2 semaphore(%arg16 : memref<!tpu.dma_semaphore, #tpu.memory_space<semaphore_mem>>) src(%dma_wait3A_492 : memref<128xi32, #tpu.memory_space<hbm>>) dst(%arg8 : memref<128xi32, #tpu.memory_space<vmem>>)
        %dma_start3A_493 = arith.constant 0 : i32
        %dma_start3A_494 = arith.constant 0 : i32
        %dma_start3A_495 = tpu.memref_slice %arg3[%dma_start3A_493, %dma_start3A_494] : memref<1003520x64xf32, #tpu.memory_space<hbm>> -> memref<1003520x64xf32, #tpu.memory_space<hbm>>
        tpu.enqueue_indirect_dma source(%dma_start3A_495 : memref<1003520x64xf32, #tpu.memory_space<hbm>>) target(%arg10 : memref<128x64xf32, #tpu.memory_space<vmem>>) offsets(%arg8 : memref<128xi32, #tpu.memory_space<vmem>>) semaphore(%arg18 : memref<!tpu.dma_semaphore, #tpu.memory_space<semaphore_mem>>)
      } else {
      }
      %mul3A_338 = arith.constant 4 : i32
      %mul3A_339 = arith.muli %mul3A_338, %scan3A_194 : i32
      %add3A_340 = arith.constant 2 : i32
      %add3A_341 = arith.addi %mul3A_339, %add3A_340 : i32
      %ge3A_342 = arith.constant 2 : i32
      %ge3A_343 = arith.cmpi sge, %add3A_341, %ge3A_342 : i32
      %convert_element_type3A_344 = arith.extui %ge3A_343 : i1 to i32
      %cond3A_345 = arith.constant 0 : i32
      %cond3A_346 = arith.cmpi ne, %convert_element_type3A_344, %cond3A_345 : i32
      scf.if %cond3A_346 {
        %dma_wait3A_486 = arith.constant 0 : i32
        %dma_wait3A_487 = arith.constant 0 : i32
        %dma_wait3A_488 = arith.constant 0 : i32
        %dma_wait3A_489 = arith.constant 0 : i32
        %dma_wait3A_490 = arith.constant 0 : i32
        %dma_wait3A_491 = tpu.memref_slice %arg11[%dma_wait3A_488, %dma_wait3A_489, %dma_wait3A_490] : memref<8x8x129xf32, #tpu.memory_space<vmem>> -> memref<8x8x128xf32, #tpu.memory_space<vmem>>
        %dma_wait3A_492 = arith.constant 0 : i32
        %dma_wait3A_493 = arith.constant 0 : i32
        %dma_wait3A_494 = arith.constant 0 : i32
        %dma_wait3A_495 = tpu.memref_slice %arg4[%dma_wait3A_486, %dma_wait3A_492, %dma_wait3A_487, %dma_wait3A_493, %dma_wait3A_494] : memref<200x8x32x8x128xf32, #tpu.memory_space<hbm>> -> memref<1x8x1x8x128xf32, #tpu.memory_space<hbm>>
        %dma_wait3A_496 = tpu.memref_squeeze %dma_wait3A_495 : memref<1x8x1x8x128xf32, #tpu.memory_space<hbm>> -> memref<8x8x128xf32, #tpu.memory_space<hbm>>
        %dma_wait3A_497 = arith.constant 0 : i32
        %dma_wait3A_498 = arith.constant 0 : i32
        %dma_wait3A_499 = arith.constant 0 : i32
        %dma_wait3A_500 = tpu.memref_slice %arg4[%dma_wait3A_486, %dma_wait3A_497, %dma_wait3A_487, %dma_wait3A_498, %dma_wait3A_499] : memref<200x8x32x8x128xf32, #tpu.memory_space<hbm>> -> memref<1x8x1x8x128xf32, #tpu.memory_space<hbm>>
        %dma_wait3A_501 = tpu.memref_squeeze %dma_wait3A_500 : memref<1x8x1x8x128xf32, #tpu.memory_space<hbm>> -> memref<8x8x128xf32, #tpu.memory_space<hbm>>
        %dma_wait3A_502 = arith.constant 0 : i32
        %dma_wait3A_503 = arith.constant 0 : i32
        %dma_wait3A_504 = arith.constant 0 : i32
        %dma_wait3A_505 = tpu.memref_slice %arg11[%dma_wait3A_502, %dma_wait3A_503, %dma_wait3A_504] : memref<8x8x129xf32, #tpu.memory_space<vmem>> -> memref<8x8x128xf32, #tpu.memory_space<vmem>>
        tpu.wait_dma2 semaphore(%arg19 : memref<!tpu.dma_semaphore, #tpu.memory_space<semaphore_mem>>) src(%dma_wait3A_505 : memref<8x8x128xf32, #tpu.memory_space<vmem>>) dst(%dma_wait3A_501 : memref<8x8x128xf32, #tpu.memory_space<hbm>>)
      } else {
      }
      %dma_wait3A_347 = arith.constant 0 : i32
      %dma_wait3A_348 = arith.constant 0 : i32
      %dma_wait3A_349 = tpu.memref_slice %arg3[%dma_wait3A_347, %dma_wait3A_348] : memref<1003520x64xf32, #tpu.memory_space<hbm>> -> memref<1003520x64xf32, #tpu.memory_space<hbm>>
      tpu.wait_indirect_dma semaphore(%arg17 : memref<!tpu.dma_semaphore, #tpu.memory_space<semaphore_mem>>) src(%dma_wait3A_349 : memref<1003520x64xf32, #tpu.memory_space<hbm>>) dst(%arg9 : memref<128x64xf32, #tpu.memory_space<vmem>>)
      %parallel_loop3A_350 = arith.constant 0 : i32
      %parallel_loop3A_351 = arith.constant 128 : i32
      %parallel_loop3A_352 = arith.constant 1 : i32
      scf.for %parallel_loop3A_486 = %parallel_loop3A_350 to %parallel_loop3A_351 step %parallel_loop3A_352  : i32 {
        %parallel_loop3A_487 = arith.constant 0 : i32
        %parallel_loop3A_488 = vector.broadcast %parallel_loop3A_487 : i32 to vector<16xi32>
        %parallel_loop3A_489 = arith.muli %iota3A, %parallel_loop3A_488 : vector<16xi32>
        %parallel_loop3A_490 = vector.broadcast %parallel_loop3A_486 : i32 to vector<16xi32>
        %parallel_loop3A_491 = arith.addi %parallel_loop3A_489, %parallel_loop3A_490 : vector<16xi32>
        %parallel_loop3A_492 = arith.constant 0 : i32
        %parallel_loop3A_493 = vector.broadcast %parallel_loop3A_492 : i32 to vector<16xi32>
        %parallel_loop3A_494 = arith.addi %iota3A, %parallel_loop3A_493 : vector<16xi32>
        %parallel_loop3A_495 = arith.constant 3 : i32
        %parallel_loop3A_496 = vector.broadcast %parallel_loop3A_495 : i32 to vector<16xi32>
        %parallel_loop3A_497 = arith.shrui %parallel_loop3A_494, %parallel_loop3A_496 : vector<16xi32>
        %parallel_loop3A_498 = arith.constant 7 : i32
        %parallel_loop3A_499 = vector.broadcast %parallel_loop3A_498 : i32 to vector<16xi32>
        %parallel_loop3A_500 = arith.andi %parallel_loop3A_494, %parallel_loop3A_499 : vector<16xi32>
        %parallel_loop3A_501 = arith.index_cast %parallel_loop3A_486 : i32 to index
        %parallel_loop3A_502 = arith.constant 0 : index
        %parallel_loop3A_503 = tpu.vector_load %arg9[%parallel_loop3A_501, %parallel_loop3A_502] {strides = array<i32>} : memref<128x64xf32, #tpu.memory_space<vmem>>, vector<16xf32>,
        tpu.vector_store_idx %arg11[%parallel_loop3A_497, %parallel_loop3A_500, %parallel_loop3A_491], %parallel_loop3A_503 : memref<8x8x129xf32, #tpu.memory_space<vmem>>[vector<16xi32>, vector<16xi32>, vector<16xi32>], vector<16xf32>,
        %parallel_loop3A_504 = arith.constant 16 : i32
        %parallel_loop3A_505 = vector.broadcast %parallel_loop3A_504 : i32 to vector<16xi32>
        %parallel_loop3A_506 = arith.addi %iota3A, %parallel_loop3A_505 : vector<16xi32>
        %parallel_loop3A_507 = arith.constant 3 : i32
        %parallel_loop3A_508 = vector.broadcast %parallel_loop3A_507 : i32 to vector<16xi32>
        %parallel_loop3A_509 = arith.shrui %parallel_loop3A_506, %parallel_loop3A_508 : vector<16xi32>
        %parallel_loop3A_510 = arith.constant 7 : i32
        %parallel_loop3A_511 = vector.broadcast %parallel_loop3A_510 : i32 to vector<16xi32>
        %parallel_loop3A_512 = arith.andi %parallel_loop3A_506, %parallel_loop3A_511 : vector<16xi32>
        %parallel_loop3A_513 = arith.index_cast %parallel_loop3A_486 : i32 to index
        %parallel_loop3A_514 = arith.constant 16 : index
        %parallel_loop3A_515 = tpu.vector_load %arg9[%parallel_loop3A_513, %parallel_loop3A_514] {strides = array<i32>} : memref<128x64xf32, #tpu.memory_space<vmem>>, vector<16xf32>,
        tpu.vector_store_idx %arg11[%parallel_loop3A_509, %parallel_loop3A_512, %parallel_loop3A_491], %parallel_loop3A_515 : memref<8x8x129xf32, #tpu.memory_space<vmem>>[vector<16xi32>, vector<16xi32>, vector<16xi32>], vector<16xf32>,
        %parallel_loop3A_516 = arith.constant 32 : i32
        %parallel_loop3A_517 = vector.broadcast %parallel_loop3A_516 : i32 to vector<16xi32>
        %parallel_loop3A_518 = arith.addi %iota3A, %parallel_loop3A_517 : vector<16xi32>
        %parallel_loop3A_519 = arith.constant 3 : i32
        %parallel_loop3A_520 = vector.broadcast %parallel_loop3A_519 : i32 to vector<16xi32>
        %parallel_loop3A_521 = arith.shrui %parallel_loop3A_518, %parallel_loop3A_520 : vector<16xi32>
        %parallel_loop3A_522 = arith.constant 7 : i32
        %parallel_loop3A_523 = vector.broadcast %parallel_loop3A_522 : i32 to vector<16xi32>
        %parallel_loop3A_524 = arith.andi %parallel_loop3A_518, %parallel_loop3A_523 : vector<16xi32>
        %parallel_loop3A_525 = arith.index_cast %parallel_loop3A_486 : i32 to index
        %parallel_loop3A_526 = arith.constant 32 : index
        %parallel_loop3A_527 = tpu.vector_load %arg9[%parallel_loop3A_525, %parallel_loop3A_526] {strides = array<i32>} : memref<128x64xf32, #tpu.memory_space<vmem>>, vector<16xf32>,
        tpu.vector_store_idx %arg11[%parallel_loop3A_521, %parallel_loop3A_524, %parallel_loop3A_491], %parallel_loop3A_527 : memref<8x8x129xf32, #tpu.memory_space<vmem>>[vector<16xi32>, vector<16xi32>, vector<16xi32>], vector<16xf32>,
        %parallel_loop3A_528 = arith.constant 48 : i32
        %parallel_loop3A_529 = vector.broadcast %parallel_loop3A_528 : i32 to vector<16xi32>
        %parallel_loop3A_530 = arith.addi %iota3A, %parallel_loop3A_529 : vector<16xi32>
        %parallel_loop3A_531 = arith.constant 3 : i32
        %parallel_loop3A_532 = vector.broadcast %parallel_loop3A_531 : i32 to vector<16xi32>
        %parallel_loop3A_533 = arith.shrui %parallel_loop3A_530, %parallel_loop3A_532 : vector<16xi32>
        %parallel_loop3A_534 = arith.constant 7 : i32
        %parallel_loop3A_535 = vector.broadcast %parallel_loop3A_534 : i32 to vector<16xi32>
        %parallel_loop3A_536 = arith.andi %parallel_loop3A_530, %parallel_loop3A_535 : vector<16xi32>
        %parallel_loop3A_537 = arith.index_cast %parallel_loop3A_486 : i32 to index
        %parallel_loop3A_538 = arith.constant 48 : index
        %parallel_loop3A_539 = tpu.vector_load %arg9[%parallel_loop3A_537, %parallel_loop3A_538] {strides = array<i32>} : memref<128x64xf32, #tpu.memory_space<vmem>>, vector<16xf32>,
        tpu.vector_store_idx %arg11[%parallel_loop3A_533, %parallel_loop3A_536, %parallel_loop3A_491], %parallel_loop3A_539 : memref<8x8x129xf32, #tpu.memory_space<vmem>>[vector<16xi32>, vector<16xi32>, vector<16xi32>], vector<16xf32>,
      } {sc.loop_unroll_factor = 8 : i64, sc.parallel_access}
      %add3A_353 = arith.constant 4 : i32
      %add3A_354 = arith.addi %add3A_341, %add3A_353 : i32
      %lt3A_355 = arith.constant 200 : i32
      %lt3A_356 = arith.cmpi slt, %add3A_354, %lt3A_355 : i32
      %convert_element_type3A_357 = arith.extui %lt3A_356 : i1 to i32
      %cond3A_358 = arith.constant 0 : i32
      %cond3A_359 = arith.cmpi ne, %convert_element_type3A_357, %cond3A_358 : i32
      scf.if %cond3A_359 {
        %add3A_486 = arith.constant 4 : i32
        %add3A_487 = arith.addi %add3A_341, %add3A_486 : i32
        %add3A_488 = arith.addi %mul3A_2, %add3A_487 : i32
        %jit3A_489 = arith.constant 32 : i32
        %div3A_490 = arith.divsi %add3A_488, %jit3A_489 : i32
        %sign3A_491 = arith.constant 0 : i32
        %sign3A_492 = arith.cmpi sgt, %add3A_488, %sign3A_491 : i32
        %sign3A_493 = arith.extui %sign3A_492 : i1 to i32
        %sign3A_494 = arith.constant 0 : i32
        %sign3A_495 = arith.cmpi slt, %add3A_488, %sign3A_494 : i32
        %sign3A_496 = arith.extui %sign3A_495 : i1 to i32
        %sign3A_497 = arith.subi %sign3A_493, %sign3A_496 : i32
        %sign3A_498 = arith.constant 0 : i32
        %sign3A_499 = arith.cmpi sgt, %jit3A_489, %sign3A_498 : i32
        %sign3A_500 = arith.extui %sign3A_499 : i1 to i32
        %sign3A_501 = arith.constant 0 : i32
        %sign3A_502 = arith.cmpi slt, %jit3A_489, %sign3A_501 : i32
        %sign3A_503 = arith.extui %sign3A_502 : i1 to i32
        %sign3A_504 = arith.subi %sign3A_500, %sign3A_503 : i32
        %ne3A_505 = arith.cmpi ne, %sign3A_497, %sign3A_504 : i32
        %rem3A_506 = arith.remsi %add3A_488, %jit3A_489 : i32
        %ne3A_507 = arith.constant 0 : i32
        %ne3A_508 = arith.cmpi ne, %rem3A_506, %ne3A_507 : i32
        %and3A_509 = arith.andi %ne3A_505, %ne3A_508 : i1
        %sub3A_510 = arith.constant 1 : i32
        %sub3A_511 = arith.subi %div3A_490, %sub3A_510 : i32
        %select_n3A_512 = arith.select %and3A_509, %sub3A_511, %div3A_490 : i32
        %rem3A_513 = arith.constant 32 : i32
        %rem3A_514 = arith.remsi %add3A_488, %rem3A_513 : i32
        %mul3A_515 = arith.constant 128 : i32
        %mul3A_516 = arith.muli %rem3A_514, %mul3A_515 : i32
        %dma_start3A_517 = tpu.memref_slice %arg2[%select_n3A_512, %mul3A_516] : memref<200x4096xi32, #tpu.memory_space<hbm>> -> memref<1x128xi32, #tpu.memory_space<hbm>>
        %dma_start3A_518 = tpu.memref_squeeze %dma_start3A_517 : memref<1x128xi32, #tpu.memory_space<hbm>> -> memref<128xi32, #tpu.memory_space<hbm>>
        %dma_start3A_519 = tpu.memref_slice %arg2[%select_n3A_512, %mul3A_516] : memref<200x4096xi32, #tpu.memory_space<hbm>> -> memref<1x128xi32, #tpu.memory_space<hbm>>
        %dma_start3A_520 = tpu.memref_squeeze %dma_start3A_519 : memref<1x128xi32, #tpu.memory_space<hbm>> -> memref<128xi32, #tpu.memory_space<hbm>>
        tpu.enqueue_dma source(%dma_start3A_520 : memref<128xi32, #tpu.memory_space<hbm>>) target(%arg7 : memref<128xi32, #tpu.memory_space<vmem>>) target_semaphore(%arg15 : memref<!tpu.dma_semaphore, #tpu.memory_space<semaphore_mem>>)
      } else {
      }
      %add3A_360 = arith.addi %mul3A_2, %add3A_341 : i32
      %jit3A_361 = arith.constant 32 : i32
      %div3A_362 = arith.divsi %add3A_360, %jit3A_361 : i32
      %sign3A_363 = arith.constant 0 : i32
      %sign3A_364 = arith.cmpi sgt, %add3A_360, %sign3A_363 : i32
      %sign3A_365 = arith.extui %sign3A_364 : i1 to i32
      %sign3A_366 = arith.constant 0 : i32
      %sign3A_367 = arith.cmpi slt, %add3A_360, %sign3A_366 : i32
      %sign3A_368 = arith.extui %sign3A_367 : i1 to i32
      %sign3A_369 = arith.subi %sign3A_365, %sign3A_368 : i32
      %sign3A_370 = arith.constant 0 : i32
      %sign3A_371 = arith.cmpi sgt, %jit3A_361, %sign3A_370 : i32
      %sign3A_372 = arith.extui %sign3A_371 : i1 to i32
      %sign3A_373 = arith.constant 0 : i32
      %sign3A_374 = arith.cmpi slt, %jit3A_361, %sign3A_373 : i32
      %sign3A_375 = arith.extui %sign3A_374 : i1 to i32
      %sign3A_376 = arith.subi %sign3A_372, %sign3A_375 : i32
      %ne3A_377 = arith.cmpi ne, %sign3A_369, %sign3A_376 : i32
      %rem3A_378 = arith.remsi %add3A_360, %jit3A_361 : i32
      %ne3A_379 = arith.constant 0 : i32
      %ne3A_380 = arith.cmpi ne, %rem3A_378, %ne3A_379 : i32
      %and3A_381 = arith.andi %ne3A_377, %ne3A_380 : i1
      %sub3A_382 = arith.constant 1 : i32
      %sub3A_383 = arith.subi %div3A_362, %sub3A_382 : i32
      %select_n3A_384 = arith.select %and3A_381, %sub3A_383, %div3A_362 : i32
      %rem3A_385 = arith.constant 32 : i32
      %rem3A_386 = arith.remsi %add3A_360, %rem3A_385 : i32
      %dma_start3A_387 = arith.constant 0 : i32
      %dma_start3A_388 = arith.constant 0 : i32
      %dma_start3A_389 = arith.constant 0 : i32
      %dma_start3A_390 = tpu.memref_slice %arg11[%dma_start3A_387, %dma_start3A_388, %dma_start3A_389] : memref<8x8x129xf32, #tpu.memory_space<vmem>> -> memref<8x8x128xf32, #tpu.memory_space<vmem>>
      %dma_start3A_391 = arith.constant 0 : i32
      %dma_start3A_392 = arith.constant 0 : i32
      %dma_start3A_393 = arith.constant 0 : i32
      %dma_start3A_394 = tpu.memref_slice %arg4[%select_n3A_384, %dma_start3A_391, %rem3A_386, %dma_start3A_392, %dma_start3A_393] : memref<200x8x32x8x128xf32, #tpu.memory_space<hbm>> -> memref<1x8x1x8x128xf32, #tpu.memory_space<hbm>>
      %dma_start3A_395 = tpu.memref_squeeze %dma_start3A_394 : memref<1x8x1x8x128xf32, #tpu.memory_space<hbm>> -> memref<8x8x128xf32, #tpu.memory_space<hbm>>
      %dma_start3A_396 = arith.constant 0 : i32
      %dma_start3A_397 = arith.constant 0 : i32
      %dma_start3A_398 = arith.constant 0 : i32
      %dma_start3A_399 = tpu.memref_slice %arg4[%select_n3A_384, %dma_start3A_396, %rem3A_386, %dma_start3A_397, %dma_start3A_398] : memref<200x8x32x8x128xf32, #tpu.memory_space<hbm>> -> memref<1x8x1x8x128xf32, #tpu.memory_space<hbm>>
      %dma_start3A_400 = tpu.memref_squeeze %dma_start3A_399 : memref<1x8x1x8x128xf32, #tpu.memory_space<hbm>> -> memref<8x8x128xf32, #tpu.memory_space<hbm>>
      %dma_start3A_401 = arith.constant 0 : i32
      %dma_start3A_402 = arith.constant 0 : i32
      %dma_start3A_403 = arith.constant 0 : i32
      %dma_start3A_404 = tpu.memref_slice %arg11[%dma_start3A_401, %dma_start3A_402, %dma_start3A_403] : memref<8x8x129xf32, #tpu.memory_space<vmem>> -> memref<8x8x128xf32, #tpu.memory_space<vmem>>
      tpu.enqueue_dma source(%dma_start3A_404 : memref<8x8x128xf32, #tpu.memory_space<vmem>>) target(%dma_start3A_400 : memref<8x8x128xf32, #tpu.memory_space<hbm>>) target_semaphore(%arg19 : memref<!tpu.dma_semaphore, #tpu.memory_space<semaphore_mem>>)
      %add3A_405 = arith.constant 2 : i32
      %add3A_406 = arith.addi %add3A_341, %add3A_405 : i32
      %lt3A_407 = arith.constant 200 : i32
      %lt3A_408 = arith.cmpi slt, %add3A_406, %lt3A_407 : i32
      %convert_element_type3A_409 = arith.extui %lt3A_408 : i1 to i32
      %cond3A_410 = arith.constant 0 : i32
      %cond3A_411 = arith.cmpi ne, %convert_element_type3A_409, %cond3A_410 : i32
      scf.if %cond3A_411 {
        %dma_wait3A_486 = arith.constant 0 : i32
        %dma_wait3A_487 = arith.constant 0 : i32
        %dma_wait3A_488 = tpu.memref_slice %arg2[%dma_wait3A_486, %dma_wait3A_487] : memref<200x4096xi32, #tpu.memory_space<hbm>> -> memref<1x128xi32, #tpu.memory_space<hbm>>
        %dma_wait3A_489 = tpu.memref_squeeze %dma_wait3A_488 : memref<1x128xi32, #tpu.memory_space<hbm>> -> memref<128xi32, #tpu.memory_space<hbm>>
        %dma_wait3A_490 = arith.constant 0 : i32
        %dma_wait3A_491 = tpu.memref_slice %arg2[%dma_wait3A_486, %dma_wait3A_490] : memref<200x4096xi32, #tpu.memory_space<hbm>> -> memref<1x128xi32, #tpu.memory_space<hbm>>
        %dma_wait3A_492 = tpu.memref_squeeze %dma_wait3A_491 : memref<1x128xi32, #tpu.memory_space<hbm>> -> memref<128xi32, #tpu.memory_space<hbm>>
        tpu.wait_dma2 semaphore(%arg13 : memref<!tpu.dma_semaphore, #tpu.memory_space<semaphore_mem>>) src(%dma_wait3A_492 : memref<128xi32, #tpu.memory_space<hbm>>) dst(%arg5 : memref<128xi32, #tpu.memory_space<vmem>>)
        %dma_start3A_493 = arith.constant 0 : i32
        %dma_start3A_494 = arith.constant 0 : i32
        %dma_start3A_495 = tpu.memref_slice %arg3[%dma_start3A_493, %dma_start3A_494] : memref<1003520x64xf32, #tpu.memory_space<hbm>> -> memref<1003520x64xf32, #tpu.memory_space<hbm>>
        tpu.enqueue_indirect_dma source(%dma_start3A_495 : memref<1003520x64xf32, #tpu.memory_space<hbm>>) target(%arg9 : memref<128x64xf32, #tpu.memory_space<vmem>>) offsets(%arg5 : memref<128xi32, #tpu.memory_space<vmem>>) semaphore(%arg17 : memref<!tpu.dma_semaphore, #tpu.memory_space<semaphore_mem>>)
      } else {
      }
      %mul3A_412 = arith.constant 4 : i32
      %mul3A_413 = arith.muli %mul3A_412, %scan3A_194 : i32
      %add3A_414 = arith.constant 3 : i32
      %add3A_415 = arith.addi %mul3A_413, %add3A_414 : i32
      %ge3A_416 = arith.constant 2 : i32
      %ge3A_417 = arith.cmpi sge, %add3A_415, %ge3A_416 : i32
      %convert_element_type3A_418 = arith.extui %ge3A_417 : i1 to i32
      %cond3A_419 = arith.constant 0 : i32
      %cond3A_420 = arith.cmpi ne, %convert_element_type3A_418, %cond3A_419 : i32
      scf.if %cond3A_420 {
        %dma_wait3A_486 = arith.constant 0 : i32
        %dma_wait3A_487 = arith.constant 0 : i32
        %dma_wait3A_488 = arith.constant 0 : i32
        %dma_wait3A_489 = arith.constant 0 : i32
        %dma_wait3A_490 = arith.constant 0 : i32
        %dma_wait3A_491 = tpu.memref_slice %arg12[%dma_wait3A_488, %dma_wait3A_489, %dma_wait3A_490] : memref<8x8x129xf32, #tpu.memory_space<vmem>> -> memref<8x8x128xf32, #tpu.memory_space<vmem>>
        %dma_wait3A_492 = arith.constant 0 : i32
        %dma_wait3A_493 = arith.constant 0 : i32
        %dma_wait3A_494 = arith.constant 0 : i32
        %dma_wait3A_495 = tpu.memref_slice %arg4[%dma_wait3A_486, %dma_wait3A_492, %dma_wait3A_487, %dma_wait3A_493, %dma_wait3A_494] : memref<200x8x32x8x128xf32, #tpu.memory_space<hbm>> -> memref<1x8x1x8x128xf32, #tpu.memory_space<hbm>>
        %dma_wait3A_496 = tpu.memref_squeeze %dma_wait3A_495 : memref<1x8x1x8x128xf32, #tpu.memory_space<hbm>> -> memref<8x8x128xf32, #tpu.memory_space<hbm>>
        %dma_wait3A_497 = arith.constant 0 : i32
        %dma_wait3A_498 = arith.constant 0 : i32
        %dma_wait3A_499 = arith.constant 0 : i32
        %dma_wait3A_500 = tpu.memref_slice %arg4[%dma_wait3A_486, %dma_wait3A_497, %dma_wait3A_487, %dma_wait3A_498, %dma_wait3A_499] : memref<200x8x32x8x128xf32, #tpu.memory_space<hbm>> -> memref<1x8x1x8x128xf32, #tpu.memory_space<hbm>>
        %dma_wait3A_501 = tpu.memref_squeeze %dma_wait3A_500 : memref<1x8x1x8x128xf32, #tpu.memory_space<hbm>> -> memref<8x8x128xf32, #tpu.memory_space<hbm>>
        %dma_wait3A_502 = arith.constant 0 : i32
        %dma_wait3A_503 = arith.constant 0 : i32
        %dma_wait3A_504 = arith.constant 0 : i32
        %dma_wait3A_505 = tpu.memref_slice %arg12[%dma_wait3A_502, %dma_wait3A_503, %dma_wait3A_504] : memref<8x8x129xf32, #tpu.memory_space<vmem>> -> memref<8x8x128xf32, #tpu.memory_space<vmem>>
        tpu.wait_dma2 semaphore(%arg20 : memref<!tpu.dma_semaphore, #tpu.memory_space<semaphore_mem>>) src(%dma_wait3A_505 : memref<8x8x128xf32, #tpu.memory_space<vmem>>) dst(%dma_wait3A_501 : memref<8x8x128xf32, #tpu.memory_space<hbm>>)
      } else {
      }
      %dma_wait3A_421 = arith.constant 0 : i32
      %dma_wait3A_422 = arith.constant 0 : i32
      %dma_wait3A_423 = tpu.memref_slice %arg3[%dma_wait3A_421, %dma_wait3A_422] : memref<1003520x64xf32, #tpu.memory_space<hbm>> -> memref<1003520x64xf32, #tpu.memory_space<hbm>>
      tpu.wait_indirect_dma semaphore(%arg18 : memref<!tpu.dma_semaphore, #tpu.memory_space<semaphore_mem>>) src(%dma_wait3A_423 : memref<1003520x64xf32, #tpu.memory_space<hbm>>) dst(%arg10 : memref<128x64xf32, #tpu.memory_space<vmem>>)
      %parallel_loop3A_424 = arith.constant 0 : i32
      %parallel_loop3A_425 = arith.constant 128 : i32
      %parallel_loop3A_426 = arith.constant 1 : i32
      scf.for %parallel_loop3A_486 = %parallel_loop3A_424 to %parallel_loop3A_425 step %parallel_loop3A_426  : i32 {
        %parallel_loop3A_487 = arith.constant 0 : i32
        %parallel_loop3A_488 = vector.broadcast %parallel_loop3A_487 : i32 to vector<16xi32>
        %parallel_loop3A_489 = arith.muli %iota3A, %parallel_loop3A_488 : vector<16xi32>
        %parallel_loop3A_490 = vector.broadcast %parallel_loop3A_486 : i32 to vector<16xi32>
        %parallel_loop3A_491 = arith.addi %parallel_loop3A_489, %parallel_loop3A_490 : vector<16xi32>
        %parallel_loop3A_492 = arith.constant 0 : i32
        %parallel_loop3A_493 = vector.broadcast %parallel_loop3A_492 : i32 to vector<16xi32>
        %parallel_loop3A_494 = arith.addi %iota3A, %parallel_loop3A_493 : vector<16xi32>
        %parallel_loop3A_495 = arith.constant 3 : i32
        %parallel_loop3A_496 = vector.broadcast %parallel_loop3A_495 : i32 to vector<16xi32>
        %parallel_loop3A_497 = arith.shrui %parallel_loop3A_494, %parallel_loop3A_496 : vector<16xi32>
        %parallel_loop3A_498 = arith.constant 7 : i32
        %parallel_loop3A_499 = vector.broadcast %parallel_loop3A_498 : i32 to vector<16xi32>
        %parallel_loop3A_500 = arith.andi %parallel_loop3A_494, %parallel_loop3A_499 : vector<16xi32>
        %parallel_loop3A_501 = arith.index_cast %parallel_loop3A_486 : i32 to index
        %parallel_loop3A_502 = arith.constant 0 : index
        %parallel_loop3A_503 = tpu.vector_load %arg10[%parallel_loop3A_501, %parallel_loop3A_502] {strides = array<i32>} : memref<128x64xf32, #tpu.memory_space<vmem>>, vector<16xf32>,
        tpu.vector_store_idx %arg12[%parallel_loop3A_497, %parallel_loop3A_500, %parallel_loop3A_491], %parallel_loop3A_503 : memref<8x8x129xf32, #tpu.memory_space<vmem>>[vector<16xi32>, vector<16xi32>, vector<16xi32>], vector<16xf32>,
        %parallel_loop3A_504 = arith.constant 16 : i32
        %parallel_loop3A_505 = vector.broadcast %parallel_loop3A_504 : i32 to vector<16xi32>
        %parallel_loop3A_506 = arith.addi %iota3A, %parallel_loop3A_505 : vector<16xi32>
        %parallel_loop3A_507 = arith.constant 3 : i32
        %parallel_loop3A_508 = vector.broadcast %parallel_loop3A_507 : i32 to vector<16xi32>
        %parallel_loop3A_509 = arith.shrui %parallel_loop3A_506, %parallel_loop3A_508 : vector<16xi32>
        %parallel_loop3A_510 = arith.constant 7 : i32
        %parallel_loop3A_511 = vector.broadcast %parallel_loop3A_510 : i32 to vector<16xi32>
        %parallel_loop3A_512 = arith.andi %parallel_loop3A_506, %parallel_loop3A_511 : vector<16xi32>
        %parallel_loop3A_513 = arith.index_cast %parallel_loop3A_486 : i32 to index
        %parallel_loop3A_514 = arith.constant 16 : index
        %parallel_loop3A_515 = tpu.vector_load %arg10[%parallel_loop3A_513, %parallel_loop3A_514] {strides = array<i32>} : memref<128x64xf32, #tpu.memory_space<vmem>>, vector<16xf32>,
        tpu.vector_store_idx %arg12[%parallel_loop3A_509, %parallel_loop3A_512, %parallel_loop3A_491], %parallel_loop3A_515 : memref<8x8x129xf32, #tpu.memory_space<vmem>>[vector<16xi32>, vector<16xi32>, vector<16xi32>], vector<16xf32>,
        %parallel_loop3A_516 = arith.constant 32 : i32
        %parallel_loop3A_517 = vector.broadcast %parallel_loop3A_516 : i32 to vector<16xi32>
        %parallel_loop3A_518 = arith.addi %iota3A, %parallel_loop3A_517 : vector<16xi32>
        %parallel_loop3A_519 = arith.constant 3 : i32
        %parallel_loop3A_520 = vector.broadcast %parallel_loop3A_519 : i32 to vector<16xi32>
        %parallel_loop3A_521 = arith.shrui %parallel_loop3A_518, %parallel_loop3A_520 : vector<16xi32>
        %parallel_loop3A_522 = arith.constant 7 : i32
        %parallel_loop3A_523 = vector.broadcast %parallel_loop3A_522 : i32 to vector<16xi32>
        %parallel_loop3A_524 = arith.andi %parallel_loop3A_518, %parallel_loop3A_523 : vector<16xi32>
        %parallel_loop3A_525 = arith.index_cast %parallel_loop3A_486 : i32 to index
        %parallel_loop3A_526 = arith.constant 32 : index
        %parallel_loop3A_527 = tpu.vector_load %arg10[%parallel_loop3A_525, %parallel_loop3A_526] {strides = array<i32>} : memref<128x64xf32, #tpu.memory_space<vmem>>, vector<16xf32>,
        tpu.vector_store_idx %arg12[%parallel_loop3A_521, %parallel_loop3A_524, %parallel_loop3A_491], %parallel_loop3A_527 : memref<8x8x129xf32, #tpu.memory_space<vmem>>[vector<16xi32>, vector<16xi32>, vector<16xi32>], vector<16xf32>,
        %parallel_loop3A_528 = arith.constant 48 : i32
        %parallel_loop3A_529 = vector.broadcast %parallel_loop3A_528 : i32 to vector<16xi32>
        %parallel_loop3A_530 = arith.addi %iota3A, %parallel_loop3A_529 : vector<16xi32>
        %parallel_loop3A_531 = arith.constant 3 : i32
        %parallel_loop3A_532 = vector.broadcast %parallel_loop3A_531 : i32 to vector<16xi32>
        %parallel_loop3A_533 = arith.shrui %parallel_loop3A_530, %parallel_loop3A_532 : vector<16xi32>
        %parallel_loop3A_534 = arith.constant 7 : i32
        %parallel_loop3A_535 = vector.broadcast %parallel_loop3A_534 : i32 to vector<16xi32>
        %parallel_loop3A_536 = arith.andi %parallel_loop3A_530, %parallel_loop3A_535 : vector<16xi32>
        %parallel_loop3A_537 = arith.index_cast %parallel_loop3A_486 : i32 to index
        %parallel_loop3A_538 = arith.constant 48 : index
        %parallel_loop3A_539 = tpu.vector_load %arg10[%parallel_loop3A_537, %parallel_loop3A_538] {strides = array<i32>} : memref<128x64xf32, #tpu.memory_space<vmem>>, vector<16xf32>,
        tpu.vector_store_idx %arg12[%parallel_loop3A_533, %parallel_loop3A_536, %parallel_loop3A_491], %parallel_loop3A_539 : memref<8x8x129xf32, #tpu.memory_space<vmem>>[vector<16xi32>, vector<16xi32>, vector<16xi32>], vector<16xf32>,
      } {sc.loop_unroll_factor = 8 : i64, sc.parallel_access}
      %add3A_427 = arith.constant 4 : i32
      %add3A_428 = arith.addi %add3A_415, %add3A_427 : i32
      %lt3A_429 = arith.constant 200 : i32
      %lt3A_430 = arith.cmpi slt, %add3A_428, %lt3A_429 : i32
      %convert_element_type3A_431 = arith.extui %lt3A_430 : i1 to i32
      %cond3A_432 = arith.constant 0 : i32
      %cond3A_433 = arith.cmpi ne, %convert_element_type3A_431, %cond3A_432 : i32
      scf.if %cond3A_433 {
        %add3A_486 = arith.constant 4 : i32
        %add3A_487 = arith.addi %add3A_415, %add3A_486 : i32
        %add3A_488 = arith.addi %mul3A_2, %add3A_487 : i32
        %jit3A_489 = arith.constant 32 : i32
        %div3A_490 = arith.divsi %add3A_488, %jit3A_489 : i32
        %sign3A_491 = arith.constant 0 : i32
        %sign3A_492 = arith.cmpi sgt, %add3A_488, %sign3A_491 : i32
        %sign3A_493 = arith.extui %sign3A_492 : i1 to i32
        %sign3A_494 = arith.constant 0 : i32
        %sign3A_495 = arith.cmpi slt, %add3A_488, %sign3A_494 : i32
        %sign3A_496 = arith.extui %sign3A_495 : i1 to i32
        %sign3A_497 = arith.subi %sign3A_493, %sign3A_496 : i32
        %sign3A_498 = arith.constant 0 : i32
        %sign3A_499 = arith.cmpi sgt, %jit3A_489, %sign3A_498 : i32
        %sign3A_500 = arith.extui %sign3A_499 : i1 to i32
        %sign3A_501 = arith.constant 0 : i32
        %sign3A_502 = arith.cmpi slt, %jit3A_489, %sign3A_501 : i32
        %sign3A_503 = arith.extui %sign3A_502 : i1 to i32
        %sign3A_504 = arith.subi %sign3A_500, %sign3A_503 : i32
        %ne3A_505 = arith.cmpi ne, %sign3A_497, %sign3A_504 : i32
        %rem3A_506 = arith.remsi %add3A_488, %jit3A_489 : i32
        %ne3A_507 = arith.constant 0 : i32
        %ne3A_508 = arith.cmpi ne, %rem3A_506, %ne3A_507 : i32
        %and3A_509 = arith.andi %ne3A_505, %ne3A_508 : i1
        %sub3A_510 = arith.constant 1 : i32
        %sub3A_511 = arith.subi %div3A_490, %sub3A_510 : i32
        %select_n3A_512 = arith.select %and3A_509, %sub3A_511, %div3A_490 : i32
        %rem3A_513 = arith.constant 32 : i32
        %rem3A_514 = arith.remsi %add3A_488, %rem3A_513 : i32
        %mul3A_515 = arith.constant 128 : i32
        %mul3A_516 = arith.muli %rem3A_514, %mul3A_515 : i32
        %dma_start3A_517 = tpu.memref_slice %arg2[%select_n3A_512, %mul3A_516] : memref<200x4096xi32, #tpu.memory_space<hbm>> -> memref<1x128xi32, #tpu.memory_space<hbm>>
        %dma_start3A_518 = tpu.memref_squeeze %dma_start3A_517 : memref<1x128xi32, #tpu.memory_space<hbm>> -> memref<128xi32, #tpu.memory_space<hbm>>
        %dma_start3A_519 = tpu.memref_slice %arg2[%select_n3A_512, %mul3A_516] : memref<200x4096xi32, #tpu.memory_space<hbm>> -> memref<1x128xi32, #tpu.memory_space<hbm>>
        %dma_start3A_520 = tpu.memref_squeeze %dma_start3A_519 : memref<1x128xi32, #tpu.memory_space<hbm>> -> memref<128xi32, #tpu.memory_space<hbm>>
        tpu.enqueue_dma source(%dma_start3A_520 : memref<128xi32, #tpu.memory_space<hbm>>) target(%arg8 : memref<128xi32, #tpu.memory_space<vmem>>) target_semaphore(%arg16 : memref<!tpu.dma_semaphore, #tpu.memory_space<semaphore_mem>>)
      } else {
      }
      %add3A_434 = arith.addi %mul3A_2, %add3A_415 : i32
      %jit3A_435 = arith.constant 32 : i32
      %div3A_436 = arith.divsi %add3A_434, %jit3A_435 : i32
      %sign3A_437 = arith.constant 0 : i32
      %sign3A_438 = arith.cmpi sgt, %add3A_434, %sign3A_437 : i32
      %sign3A_439 = arith.extui %sign3A_438 : i1 to i32
      %sign3A_440 = arith.constant 0 : i32
      %sign3A_441 = arith.cmpi slt, %add3A_434, %sign3A_440 : i32
      %sign3A_442 = arith.extui %sign3A_441 : i1 to i32
      %sign3A_443 = arith.subi %sign3A_439, %sign3A_442 : i32
      %sign3A_444 = arith.constant 0 : i32
      %sign3A_445 = arith.cmpi sgt, %jit3A_435, %sign3A_444 : i32
      %sign3A_446 = arith.extui %sign3A_445 : i1 to i32
      %sign3A_447 = arith.constant 0 : i32
      %sign3A_448 = arith.cmpi slt, %jit3A_435, %sign3A_447 : i32
      %sign3A_449 = arith.extui %sign3A_448 : i1 to i32
      %sign3A_450 = arith.subi %sign3A_446, %sign3A_449 : i32
      %ne3A_451 = arith.cmpi ne, %sign3A_443, %sign3A_450 : i32
      %rem3A_452 = arith.remsi %add3A_434, %jit3A_435 : i32
      %ne3A_453 = arith.constant 0 : i32
      %ne3A_454 = arith.cmpi ne, %rem3A_452, %ne3A_453 : i32
      %and3A_455 = arith.andi %ne3A_451, %ne3A_454 : i1
      %sub3A_456 = arith.constant 1 : i32
      %sub3A_457 = arith.subi %div3A_436, %sub3A_456 : i32
      %select_n3A_458 = arith.select %and3A_455, %sub3A_457, %div3A_436 : i32
      %rem3A_459 = arith.constant 32 : i32
      %rem3A_460 = arith.remsi %add3A_434, %rem3A_459 : i32
      %dma_start3A_461 = arith.constant 0 : i32
      %dma_start3A_462 = arith.constant 0 : i32
      %dma_start3A_463 = arith.constant 0 : i32
      %dma_start3A_464 = tpu.memref_slice %arg12[%dma_start3A_461, %dma_start3A_462, %dma_start3A_463] : memref<8x8x129xf32, #tpu.memory_space<vmem>> -> memref<8x8x128xf32, #tpu.memory_space<vmem>>
      %dma_start3A_465 = arith.constant 0 : i32
      %dma_start3A_466 = arith.constant 0 : i32
      %dma_start3A_467 = arith.constant 0 : i32
      %dma_start3A_468 = tpu.memref_slice %arg4[%select_n3A_458, %dma_start3A_465, %rem3A_460, %dma_start3A_466, %dma_start3A_467] : memref<200x8x32x8x128xf32, #tpu.memory_space<hbm>> -> memref<1x8x1x8x128xf32, #tpu.memory_space<hbm>>
      %dma_start3A_469 = tpu.memref_squeeze %dma_start3A_468 : memref<1x8x1x8x128xf32, #tpu.memory_space<hbm>> -> memref<8x8x128xf32, #tpu.memory_space<hbm>>
      %dma_start3A_470 = arith.constant 0 : i32
      %dma_start3A_471 = arith.constant 0 : i32
      %dma_start3A_472 = arith.constant 0 : i32
      %dma_start3A_473 = tpu.memref_slice %arg4[%select_n3A_458, %dma_start3A_470, %rem3A_460, %dma_start3A_471, %dma_start3A_472] : memref<200x8x32x8x128xf32, #tpu.memory_space<hbm>> -> memref<1x8x1x8x128xf32, #tpu.memory_space<hbm>>
      %dma_start3A_474 = tpu.memref_squeeze %dma_start3A_473 : memref<1x8x1x8x128xf32, #tpu.memory_space<hbm>> -> memref<8x8x128xf32, #tpu.memory_space<hbm>>
      %dma_start3A_475 = arith.constant 0 : i32
      %dma_start3A_476 = arith.constant 0 : i32
      %dma_start3A_477 = arith.constant 0 : i32
      %dma_start3A_478 = tpu.memref_slice %arg12[%dma_start3A_475, %dma_start3A_476, %dma_start3A_477] : memref<8x8x129xf32, #tpu.memory_space<vmem>> -> memref<8x8x128xf32, #tpu.memory_space<vmem>>
      tpu.enqueue_dma source(%dma_start3A_478 : memref<8x8x128xf32, #tpu.memory_space<vmem>>) target(%dma_start3A_474 : memref<8x8x128xf32, #tpu.memory_space<hbm>>) target_semaphore(%arg20 : memref<!tpu.dma_semaphore, #tpu.memory_space<semaphore_mem>>)
      %add3A_479 = arith.constant 2 : i32
      %add3A_480 = arith.addi %add3A_415, %add3A_479 : i32
      %lt3A_481 = arith.constant 200 : i32
      %lt3A_482 = arith.cmpi slt, %add3A_480, %lt3A_481 : i32
      %convert_element_type3A_483 = arith.extui %lt3A_482 : i1 to i32
      %cond3A_484 = arith.constant 0 : i32
      %cond3A_485 = arith.cmpi ne, %convert_element_type3A_483, %cond3A_484 : i32
      scf.if %cond3A_485 {
        %dma_wait3A_486 = arith.constant 0 : i32
        %dma_wait3A_487 = arith.constant 0 : i32
        %dma_wait3A_488 = tpu.memref_slice %arg2[%dma_wait3A_486, %dma_wait3A_487] : memref<200x4096xi32, #tpu.memory_space<hbm>> -> memref<1x128xi32, #tpu.memory_space<hbm>>
        %dma_wait3A_489 = tpu.memref_squeeze %dma_wait3A_488 : memref<1x128xi32, #tpu.memory_space<hbm>> -> memref<128xi32, #tpu.memory_space<hbm>>
        %dma_wait3A_490 = arith.constant 0 : i32
        %dma_wait3A_491 = tpu.memref_slice %arg2[%dma_wait3A_486, %dma_wait3A_490] : memref<200x4096xi32, #tpu.memory_space<hbm>> -> memref<1x128xi32, #tpu.memory_space<hbm>>
        %dma_wait3A_492 = tpu.memref_squeeze %dma_wait3A_491 : memref<1x128xi32, #tpu.memory_space<hbm>> -> memref<128xi32, #tpu.memory_space<hbm>>
        tpu.wait_dma2 semaphore(%arg14 : memref<!tpu.dma_semaphore, #tpu.memory_space<semaphore_mem>>) src(%dma_wait3A_492 : memref<128xi32, #tpu.memory_space<hbm>>) dst(%arg6 : memref<128xi32, #tpu.memory_space<vmem>>)
        %dma_start3A_493 = arith.constant 0 : i32
        %dma_start3A_494 = arith.constant 0 : i32
        %dma_start3A_495 = tpu.memref_slice %arg3[%dma_start3A_493, %dma_start3A_494] : memref<1003520x64xf32, #tpu.memory_space<hbm>> -> memref<1003520x64xf32, #tpu.memory_space<hbm>>
        tpu.enqueue_indirect_dma source(%dma_start3A_495 : memref<1003520x64xf32, #tpu.memory_space<hbm>>) target(%arg10 : memref<128x64xf32, #tpu.memory_space<vmem>>) offsets(%arg6 : memref<128xi32, #tpu.memory_space<vmem>>) semaphore(%arg18 : memref<!tpu.dma_semaphore, #tpu.memory_space<semaphore_mem>>)
      } else {
      }
    }
    %scan3A_153 = arith.constant 50 : i32
    %dma_wait3A_154 = arith.constant 0 : i32
    %dma_wait3A_155 = arith.constant 0 : i32
    %dma_wait3A_156 = arith.constant 0 : i32
    %dma_wait3A_157 = arith.constant 0 : i32
    %dma_wait3A_158 = arith.constant 0 : i32
    %dma_wait3A_159 = tpu.memref_slice %arg11[%dma_wait3A_156, %dma_wait3A_157, %dma_wait3A_158] : memref<8x8x129xf32, #tpu.memory_space<vmem>> -> memref<8x8x128xf32, #tpu.memory_space<vmem>>
    %dma_wait3A_160 = arith.constant 0 : i32
    %dma_wait3A_161 = arith.constant 0 : i32
    %dma_wait3A_162 = arith.constant 0 : i32
    %dma_wait3A_163 = tpu.memref_slice %arg4[%dma_wait3A_154, %dma_wait3A_160, %dma_wait3A_155, %dma_wait3A_161, %dma_wait3A_162] : memref<200x8x32x8x128xf32, #tpu.memory_space<hbm>> -> memref<1x8x1x8x128xf32, #tpu.memory_space<hbm>>
    %dma_wait3A_164 = tpu.memref_squeeze %dma_wait3A_163 : memref<1x8x1x8x128xf32, #tpu.memory_space<hbm>> -> memref<8x8x128xf32, #tpu.memory_space<hbm>>
    %dma_wait3A_165 = arith.constant 0 : i32
    %dma_wait3A_166 = arith.constant 0 : i32
    %dma_wait3A_167 = arith.constant 0 : i32
    %dma_wait3A_168 = tpu.memref_slice %arg4[%dma_wait3A_154, %dma_wait3A_165, %dma_wait3A_155, %dma_wait3A_166, %dma_wait3A_167] : memref<200x8x32x8x128xf32, #tpu.memory_space<hbm>> -> memref<1x8x1x8x128xf32, #tpu.memory_space<hbm>>
    %dma_wait3A_169 = tpu.memref_squeeze %dma_wait3A_168 : memref<1x8x1x8x128xf32, #tpu.memory_space<hbm>> -> memref<8x8x128xf32, #tpu.memory_space<hbm>>
    %dma_wait3A_170 = arith.constant 0 : i32
    %dma_wait3A_171 = arith.constant 0 : i32
    %dma_wait3A_172 = arith.constant 0 : i32
    %dma_wait3A_173 = tpu.memref_slice %arg11[%dma_wait3A_170, %dma_wait3A_171, %dma_wait3A_172] : memref<8x8x129xf32, #tpu.memory_space<vmem>> -> memref<8x8x128xf32, #tpu.memory_space<vmem>>
    tpu.wait_dma2 semaphore(%arg19 : memref<!tpu.dma_semaphore, #tpu.memory_space<semaphore_mem>>) src(%dma_wait3A_173 : memref<8x8x128xf32, #tpu.memory_space<vmem>>) dst(%dma_wait3A_169 : memref<8x8x128xf32, #tpu.memory_space<hbm>>)
    %dma_wait3A_174 = arith.constant 0 : i32
    %dma_wait3A_175 = arith.constant 0 : i32
    %dma_wait3A_176 = arith.constant 0 : i32
    %dma_wait3A_177 = arith.constant 0 : i32
    %dma_wait3A_178 = arith.constant 0 : i32
    %dma_wait3A_179 = tpu.memref_slice %arg12[%dma_wait3A_176, %dma_wait3A_177, %dma_wait3A_178] : memref<8x8x129xf32, #tpu.memory_space<vmem>> -> memref<8x8x128xf32, #tpu.memory_space<vmem>>
    %dma_wait3A_180 = arith.constant 0 : i32
    %dma_wait3A_181 = arith.constant 0 : i32
    %dma_wait3A_182 = arith.constant 0 : i32
    %dma_wait3A_183 = tpu.memref_slice %arg4[%dma_wait3A_174, %dma_wait3A_180, %dma_wait3A_175, %dma_wait3A_181, %dma_wait3A_182] : memref<200x8x32x8x128xf32, #tpu.memory_space<hbm>> -> memref<1x8x1x8x128xf32, #tpu.memory_space<hbm>>
    %dma_wait3A_184 = tpu.memref_squeeze %dma_wait3A_183 : memref<1x8x1x8x128xf32, #tpu.memory_space<hbm>> -> memref<8x8x128xf32, #tpu.memory_space<hbm>>
    %dma_wait3A_185 = arith.constant 0 : i32
    %dma_wait3A_186 = arith.constant 0 : i32
    %dma_wait3A_187 = arith.constant 0 : i32
    %dma_wait3A_188 = tpu.memref_slice %arg4[%dma_wait3A_174, %dma_wait3A_185, %dma_wait3A_175, %dma_wait3A_186, %dma_wait3A_187] : memref<200x8x32x8x128xf32, #tpu.memory_space<hbm>> -> memref<1x8x1x8x128xf32, #tpu.memory_space<hbm>>
    %dma_wait3A_189 = tpu.memref_squeeze %dma_wait3A_188 : memref<1x8x1x8x128xf32, #tpu.memory_space<hbm>> -> memref<8x8x128xf32, #tpu.memory_space<hbm>>
    %dma_wait3A_190 = arith.constant 0 : i32
    %dma_wait3A_191 = arith.constant 0 : i32
    %dma_wait3A_192 = arith.constant 0 : i32
    %dma_wait3A_193 = tpu.memref_slice %arg12[%dma_wait3A_190, %dma_wait3A_191, %dma_wait3A_192] : memref<8x8x129xf32, #tpu.memory_space<vmem>> -> memref<8x8x128xf32, #tpu.memory_space<vmem>>
    tpu.wait_dma2 semaphore(%arg20 : memref<!tpu.dma_semaphore, #tpu.memory_space<semaphore_mem>>) src(%dma_wait3A_193 : memref<8x8x128xf32, #tpu.memory_space<vmem>>) dst(%dma_wait3A_189 : memref<8x8x128xf32, #tpu.memory_space<hbm>>)
    return
  }
}

module attributes {stable_mosaic.version = 14 : i64} {
  func.func @body(%arg0: i32, %arg1: memref<64x4096xf32, #tpu.memory_space<vmem>>, %arg2: memref<2048x128xf32, #tpu.memory_space<vmem>>) attributes {dimension_semantics = [#tpu.dimension_semantics<arbitrary>], iteration_bounds = array<i64: 245>, scalar_prefetch = 0 : i64, scratch_operands = 0 : i64, tpu.core_type = #tpu.core_type<tc>, window_params = [{transform_indices = @transform_0, window_bounds = array<i64: 64, 4096>}, {transform_indices = @transform_1, window_bounds = array<i64: 2048, 128>}]} {
    %get3A = arith.constant 0 : index
    %get3A_0 = arith.constant 0 : index
    %get3A_1 = vector.load %arg1[%get3A, %get3A_0] : memref<64x4096xf32, #tpu.memory_space<vmem>>, vector<64x4096xf32>
    %slice3A = vector.extract_strided_slice %get3A_1 {offsets = [0, 0], sizes = [64, 2048], strides = [1, 1]} : vector<64x4096xf32> to vector<64x2048xf32>
    %slice3A_2 = vector.extract_strided_slice %get3A_1 {offsets = [0, 2048], sizes = [64, 2048], strides = [1, 1]} : vector<64x4096xf32> to vector<64x2048xf32>
    %transpose3A = tpu.transpose %slice3A, [1, 0] : vector<64x2048xf32> -> vector<2048x64xf32>
    %transpose3A_3 = tpu.transpose %slice3A_2, [1, 0] : vector<64x2048xf32> -> vector<2048x64xf32>
    %concatenate3A = tpu.concatenate %transpose3A, %transpose3A_3 in 1 : vector<2048x64xf32>, vector<2048x64xf32> -> vector<2048x128xf32>
    %mul3A = arith.constant 8.000000e+00 : f32
    %mul3A_4 = vector.broadcast %mul3A : f32 to vector<2048x128xf32>
    %mul3A_5 = arith.mulf %concatenate3A, %mul3A_4 : vector<2048x128xf32>
    %swap3A = arith.constant 0 : index
    %swap3A_6 = arith.constant 0 : index
    %swap3A_7 = vector.load %arg2[%swap3A, %swap3A_6] : memref<2048x128xf32, #tpu.memory_space<vmem>>, vector<2048x128xf32>
    tpu.vector_store %arg2[%swap3A, %swap3A_6], %mul3A_5 {strides = array<i32>} : memref<2048x128xf32, #tpu.memory_space<vmem>>, vector<2048x128xf32>,
    return
  }
  func.func @transform_0(%arg0: i32) -> (i32, i32) {
    %c0_i32 = arith.constant 0 : i32
    %c0_i32_0 = arith.constant 0 : i32
    return %c0_i32, %arg0 : i32, i32
  }
  func.func @transform_1(%arg0: i32) -> (i32, i32) {
    %c0_i32 = arith.constant 0 : i32
    %c0_i32_0 = arith.constant 0 : i32
    return %arg0, %c0_i32 : i32, i32
  }
}

</mosaic_0001>

<sc_bundles>
// kernel: kernel.4.cloned.1.call-start
scs
__scs_entry_jumppad:
0x0: {  	(pc) =	sbr.rel $0x88, $3  }
0x1: {  	(tag) =	ssettag $0x0;
	lr =	simm.s32 $0x1  }
0x2: {  	[smem:$0x3F9F] =	sst lr;
	_ =	strace $0xD0000000  }
0x3: {  	_ = 	snop  }
0x4: {  	_ = 	snop  }
0x5: {  	_ = 	snop  }
0x6: {  	_ = 	snop  }
0x7: {  	_ = 	snop  }
__scs_overlays_trampoline_lowered:
0x8: {  	[smem:$0x3FAE] =	sst s0  }
0x9: {  	[smem:$0x3FAF] =	sst s1  }
0xa: {  	[smem:$0x3FB0] =	sst s2  }
0xb: {  	[smem:$0x3FB1] =	sst s3  }
0xc: {  	[smem:$0x3FB2] =	sst s4  }
0xd: {  	[smem:$0x3FB3] =	sst s5  }
0xe: {  	[smem:$0x3FB4] =	sst s6  }
0xf: {  	[smem:$0x3FB5] =	sst s7  }
0x10: {  	[smem:$0x3FB6] =	sst s8  }
0x11: {  	[smem:$0x3FB7] =	sst s9;
	s0 =	simm.s32 @!p0 $0x0  }
0x12: {  	s1 =	sld [smem:$0x3F9D];
	s0 =	simm.s32 @p0 $0x1  }
0x13: {  	[smem:$0x3FB8] =	sst s0;
	s0 =	simm.s32 @!p1 $0x0  }
0x14: {  	s2 =	sld [smem:$0x3F9C];
	s0 =	simm.s32 @p1 $0x1  }
0x15: {  	[smem:$0x3FB9] =	sst s0;
	s0 =	simm.s32 @!p2 $0x0  }
0x16: {  	s3 =	sld [smem:$0x3FDB];
	s0 =	simm.s32 @p2 $0x1  }
0x17: {  	s4 =	simm.s32 $0x1BF5;
	[smem:$0x3FBB] =	sst s0  }
0x18: {  	s0 =	sld [smem:$0x3F9E];
	_ =	swait.ge [sflag:s4], $0x0  }
0x19: {  	s7 =	sld [smem:$0x3F9F]  }
0x1a: {  	s8 =	sadd.s32 $0xFFFFE003, lr  }
0x1b: {  	s9 =	sadd.s32 $0xFFFFFEF7, lr;
	s5 =	simm.s32 $0xFFFFFFFF;
	p2 =	slt.u32 s8, $0xFFFFF086  }
0x1c: {  	p1 =	slt.u32 s9, $0xF7A;
	s5 =	simm.s32 @!p2 $0x0  }
0x1d: {  	s5 =	simm.s32 @p1 $0x1;
	p0 =	seq.s32 s7, s2  }
0x1e: {  	s7 =	smul.u32 @!p0 $0xF7A, s2;
	p2 =	seq.s32 @!p0 s5, $0x0  }
0x1f: {  	s9 =	smul.u32 $0xF7A, s1;
	s8 =	simm.s32 @!p0 $0x1BF5;
	p2 =	por !p2, p0  }
0x20: {  	[sflag:s8] =	ssyncset.s32 @!p0 $0xFFFFF086;
	s6 =	sadd.s32 @!p0 s3, s7;
	s7 =	simm.s32 @!p0 $0x108  }
0x21: {  	s3 =	sadd.s32 s3, s9;
	s6 =	sadd.s32 @!p0 $0x88, s6;
	s7 =	simm.s32 @p2 $0x1082  }
0x22: {  	[simem:s7], [sflag:s8] =	dma.local @!p0 [hbm:s6], $0xF7A  }
0x23: {  	s9 =	sor.u32 $0xD0000000, s2;
	s6 =	simm.s32 $0x108;
	_ =	swait.ge @!p0 [sflag:s8], $0x0  }
0x24: {  	s3 =	sadd.s32 $0x88, s3;
	s6 =	simm.s32 @!p1 $0x1082;
	[sflag:s4] =	ssyncset.s32 $0xFFFFF086  }
0x25: {  	[simem:s6], [sflag:s4] =	dma.local [hbm:s3], $0xF7A  }
0x26: {  	[smem:$0x3F9F] =	sst s1;
	(tag) =	ssettag s2;
	_ =	strace s9  }
0x27: {  	s1 =	sld [smem:$0x3FAF]  }
0x28: {  	s2 =	sld [smem:$0x3FB0]  }
0x29: {  	s4 =	sld [smem:$0x3FB2]  }
0x2a: {  	p0 =	seq.s32 s5, $0x0;
	s5 =	sld [smem:$0x3FB3]  }
0x2b: {  	s6 =	sld [smem:$0x3FB4]  }
0x2c: {  	s7 =	sld [smem:$0x3FB5]  }
0x2d: {  	s3 =	simm.s32 $0x108;
	s8 =	sld [smem:$0x3FB6]  }
0x2e: {  	s3 =	simm.s32 @!p0 $0x1082;
	s9 =	sld [smem:$0x3FB7]  }
0x2f: {  	lr =	sadd.s32 s0, s3;
	s0 =	sld [smem:$0x3FAE]  }
0x30: {  	s3 =	sld [smem:$0x3FB1]  }
0x31: {  	[smem:$0x3FBA] =	sst s10  }
0x32: {  	s10 =	sld [smem:$0x3FB8];
	_ =	sdelay $0x3  }
0x33: {  	p0 =	seq.s32 s10, $0x1;
	s10 =	sld [smem:$0x3FBA];
	_ =	sdelay $0x3  }
0x34: {  	[smem:$0x3FBA] =	sst s10  }
0x35: {  	s10 =	sld [smem:$0x3FB9];
	_ =	sdelay $0x3  }
0x36: {  	p1 =	seq.s32 s10, $0x1;
	s10 =	sld [smem:$0x3FBA];
	_ =	sdelay $0x3  }
0x37: {  	[smem:$0x3FBA] =	sst s10  }
0x38: {  	s10 =	sld [smem:$0x3FBB]  }
0x39: {  	_ = 	snop;
	(pc) =	sbr.ind lr, $3  }
0x3a: {  	_ = 	snop  }
0x3b: {  	_ = 	snop  }
0x3c: {  	p2 =	seq.s32 s10, $0x1;
	s10 =	sld [smem:$0x3FBA]  }
0x3d: {  	_ =	shalt  }
0x3e: {  	_ =	shalt  }
0x3f: {  	_ =	shalt  }
0x40: {  	_ =	shalt  }
0x41: {  	_ =	shalt  }
0x42: {  	_ =	shalt  }
0x43: {  	_ =	shalt  }
0x44: {  	_ =	shalt  }
0x45: {  	_ =	shalt  }
0x46: {  	_ =	shalt  }
0x47: {  	_ =	shalt  }
0x48: {  	_ =	shalt  }
0x49: {  	_ =	shalt  }
0x4a: {  	_ =	shalt  }
0x4b: {  	_ =	shalt  }
0x4c: {  	_ =	shalt  }
0x4d: {  	_ =	shalt  }
0x4e: {  	_ =	shalt  }
0x4f: {  	_ =	shalt  }
0x50: {  	_ =	shalt  }
0x51: {  	_ =	shalt  }
0x52: {  	_ =	shalt  }
0x53: {  	_ =	shalt  }
0x54: {  	_ =	shalt  }
0x55: {  	_ =	shalt  }
0x56: {  	_ =	shalt  }
0x57: {  	_ =	shalt  }
0x58: {  	_ =	shalt  }
0x59: {  	_ =	shalt  }
0x5a: {  	_ =	shalt  }
0x5b: {  	_ =	shalt  }
0x5c: {  	_ =	shalt  }
0x5d: {  	_ =	shalt  }
0x5e: {  	_ =	shalt  }
0x5f: {  	_ =	shalt  }
0x60: {  	_ =	shalt  }
0x61: {  	_ =	shalt  }
0x62: {  	_ =	shalt  }
0x63: {  	_ =	shalt  }
0x64: {  	_ =	shalt  }
0x65: {  	_ =	shalt  }
0x66: {  	_ =	shalt  }
0x67: {  	_ =	shalt  }
0x68: {  	_ =	shalt  }
0x69: {  	_ =	shalt  }
0x6a: {  	_ =	shalt  }
0x6b: {  	_ =	shalt  }
0x6c: {  	_ =	shalt  }
0x6d: {  	_ =	shalt  }
0x6e: {  	_ =	shalt  }
0x6f: {  	_ =	shalt  }
0x70: {  	_ =	shalt  }
0x71: {  	_ =	shalt  }
0x72: {  	_ =	shalt  }
0x73: {  	_ =	shalt  }
0x74: {  	_ =	shalt  }
0x75: {  	_ =	shalt  }
0x76: {  	_ =	shalt  }
0x77: {  	_ =	shalt  }
0x78: {  	_ =	shalt  }
0x79: {  	_ =	shalt  }
0x7a: {  	_ =	shalt  }
0x7b: {  	_ =	shalt  }
0x7c: {  	_ =	shalt  }
0x7d: {  	_ =	shalt  }
0x7e: {  	_ =	shalt  }
0x7f: {  	_ =	shalt  }
0x80: {  	_ =	shalt  }
0x81: {  	_ =	shalt  }
0x82: {  	_ =	shalt  }
0x83: {  	_ =	shalt  }
0x84: {  	_ =	shalt  }
0x85: {  	_ =	shalt  }
0x86: {  	_ =	shalt  }
0x87: {  	_ =	shalt  }
.Lfunc_end0:
.L_simem_size_0:
called_computation_lowered:
.L_overlay_start_0:
0x88: {  	s2 =	sld [smem:$0x3FD9]  }
0x89: {  	s3 =	sld [smem:$0x3FFE];
	_ =	sdelay $0x1  }
0x8a: {  	s1 =	srdreg.scid  }
0x8b: {  	s0 =	sand.u32 $0x1, s1  }
0x8c: {  	s17 =	sshll.u32 s0, $0xA;
	s2 =	sadd.s32 s3, s2  }
0x8d: {  	s2 =	sadd.s32 s2, s17  }
0x8e: {  	[smem:$0x3FC6] =	sst s2  }
0x8f: {  	_ = 	snop  }
0x90: {  	s2 =	sld [smem:$0x3FD0];
	(tm) =	ssettm $0x1  }
0x91: {  	s18 =	sld [smem:$0x3FFB];
	_ =	sdelay $0x3  }
0x92: {  	_ =	strace s18  }
0x93: {  	s3 =	sld [smem:$0x3FFC];
	_ =	sdelay $0x3  }
0x94: {  	_ =	strace s3  }
0x95: {  	s3 =	sld [smem:$0x3FFD];
	_ =	sdelay $0x3  }
0x96: {  	_ =	strace s3  }
0x97: {  	_ =	strace $0x8FFFFFFF  }
0x98: {  	s19 =	sld [smem:$0x3FDB];
	_ =	sdelay $0x1  }
0x99: {  	s4 =	simm.s32 $_scs_section_size  }
0x9a: {  	s5 =	simm.s32 $_size__tile_overlayer_lowered;
	s6 =	simm.s32 $_tile_overlayer_lowered  }
0x9b: {  	s22 =	simm.s32 $0x1BFF;
	s21 =	sshll.u32 s6, $0x1;
	s3 =	sadd.s32 s4, s19  }
0x9c: {  	s7 =	simm.s32 $0x0;
	s20 =	sshll.u32 s5, $0x1;
	s5 =	sadd.s32 s21, s3  }
0x9d: {  	[timem:s7], [sflag:s22] =	dma.local [hbm:s5], s20  }
0x9e: {  	_ =	swait.ge [sflag:s22], s20  }
0x9f: {  	s4 =	ssub.s32 $0x0, s20;
	[sflag:s22] =	ssyncset.done $0x0  }
0xa0: {  	[sflag:s22] =	ssyncadd.s32 s4;
	_ =	sdelay $0x1  }
0xa1: {  	s23 =	simm.s32 $0x1B8B  }
0xa2: {  	_ =	swait.ge [sflag:s23], $0x1  }
0xa3: {  	[sflag:s23] =	ssyncset.done $0x0  }
0xa4: {  	s25 =	simm.s32 $0x1B8E;
	s24 =	sld [smem:$0x3FFE];
	[sflag:s23] =	ssyncadd.s32 $0xFFFFFFFF  }
0xa5: {  	s26 =	simm.s32 $execute0_lowered;
	[smem:$0x3FD2] =	sst s25  }
0xa6: {  	s5 =	sshll.u32 s26, $0x1;
	_ =	strace $0x80000046;
	[dreg:$0x1] =	wrdreg $0xFFFFFFFF  }
0xa7: {  	s28 =	simm.s32 $_size_execute0_lowered;
	s3 =	sadd.s32 s3, s5;
	[dreg:$0x0] =	wrdreg $0x0  }
0xa8: {  	s5 =	sshll.u32 s28, $0x1;
	[dreg:$0x2] =	wrdreg s3  }
0xa9: {  	[dreg:$0x3] =	wrdreg s5  }
0xaa: {  	[dreg:$0x4] =	wrdreg $0xC0  }
0xab: {  	_ =	task [dreg:s7], $0x5FFFF  }
0xac: {  	[dreg:$0x1] =	wrdreg $0xFFFFFFFF  }
0xad: {  	[dreg:$0x0] =	wrdreg $0x60  }
0xae: {  	[dreg:$0x2] =	wrdreg s24  }
0xaf: {  	[dreg:$0x3] =	wrdreg s2  }
0xb0: {  	[dreg:$0x4] =	wrdreg $0x9  }
0xb1: {  	_ =	task.clear_ibuf [dreg:s7], $0x5FFFF;
	_ =	strace $0x90000046  }
0xb2: {  	s29 =	simm.s32 $0x9;
	_ =	strace $0x80000048  }
0xb3: {  	_ =	swait.ge [sflag:s29], $0x1  }
0xb4: {  	[sflag:s29] =	ssyncadd.s32 $0xFFFFFFFF  }
0xb5: {  	_ =	strace $0x90000048  }
0xb6: {  	_ =	sfence  }
0xb7: {  	s30 =	sld [smem:$0x0];
	_ =	sdelay $0x2  }
0xb8: {  	s31 =	sshll.u32 s1, $0xD;
	s1 =	sshrl.u32 s1, $0x2  }
0xb9: {  	s3 =	sand.u32 $0x4000, s31;
	s1 =	sadd.s32 s1, s30  }
0xba: {  	s0 =	sor.u32 s3, s0;
	s1 =	sshll.u32 s1, $0x11  }
0xbb: {  	s0 =	sor.u32 s1, s0  }
0xbc: {  	s0 =	sadd.s32 $0x8F2B, s0  }
0xbd: {  	[sflag:s0] =	ssyncadd.remote.s32 $0x1  }
0xbe: {  	_ =	sfence.sel $0xFFFF  }
0xbf: {  	[dreg:$0x0] =	wrdreg $0xFFFFFFFF;
	(pc) =	sbr.abs _section_cstart, $3  }
0xc0: {  	[dreg:$0x1] =	wrdreg $0xFFFFFFFF  }
0xc1: {  	_ =	task.clear_ibuf [dreg:s7], $0x2FFFF;
	_ =	strace $0x9FFFFFFF  }
0xc2: {  	(tm) =	ssettm $0x7FFFFFFF  }
0xc3: {  	_ =	shalt  }
tec
execute0_lowered:
.L_overlay_start_1:
0x0: {  	(tag) =	ssettag $0x1  }
0x1: {  	s0 =	srdreg.scid  }
0x2: {  	s2 =	stileid.u32;
	s1 =	rddreg [dreg:$0x0]  }
0x3: {  	s16 =	simm.s32 $0x80;
	s18 =	simm.s32 $0x180;
	s20 =	simm.s32 $0x200  }
0x4: {  	s21 =	simm.s32 $0x2;
	s22 =	simm.s32 $0x2200;
	s23 =	simm.s32 $0x5  }
0x5: {  	v0 =	vlaneseq.u32;
	s28 =	simm.s32 $0x6400;
	s29 =	simm.s32 $0x4;
	s30 =	simm.s32 $0x7  }
0x6: {  	s31 =	simm.s32 $0x8;
	s0 =	sand.u32 $0x1, s0;
	s3 =	sshll.u32 s2, $0x1;
	v0 =	vmul.u32 $0x88, v0  }
0x7: {  	v1 =	vimm.s32 $0x0;
	vm0 =	vcmask $0x300;
	s2 =	rddreg [dreg:$0x1];
	s6 =	sor.u32 s0, s3;
	s3 =	simm.s32 $0x0  }
0x8: {  	v1 =	vsel vm0, $0x3, v1;
	s0 =	ssub.s32 $0x2, s0;
	s4 =	smul.u32 $0x6400, s6;
	[smem:$0x7FF] =	sst s3;
	v2 =	vadd.s32 $0x880, v0  }
0x9: {  	s5 =	sshll.u32 s6, $0xA;
	s24 =	sshrl.u32 s0, $0x1;
	v3 =	vadd.s32 $0x1100, v0;
	v4 =	vadd.s32 $0x1980, v0;
	v5 =	vor.u32 $0x1, v0;
	s6 =	smul.u32 $0xC8, s6  }
0xa: {  	v6 =	vadd.s32 $0x881, v0;
	v7 =	vadd.s32 $0x1101, v0;
	v8 =	vadd.s32 $0x1981, v0;
	_ =	strace $0x80000047;
	s5 =	sand.u32 $0xC00, s5;
	s0 =	ssub.s32 s0, s24  }
0xb: {  	v9 =	vor.u32 $0x2, v0;
	v10 =	vadd.s32 $0x882, v0;
	v11 =	vadd.s32 $0x1102, v0;
	s24 =	simm.s32 $0x4200;
	s7 =	sand.u32 $0xFF000, s4;
	s4 =	sadd.s32 $0x400, s1  }
0xc: {  	v12 =	vadd.s32 $0x1982, v0;
	v13 =	vor.u32 $0x3, v0;
	v14 =	vadd.s32 $0x883, v0;
	s11 =	sor.u32 $0x4, s6;
	s12 =	sor.u32 $0x5, s6;
	s7 =	sor.u32 s5, s7  }
0xd: {  	v15 =	vadd.s32 $0x1103, v0;
	v16 =	vadd.s32 $0x1983, v0;
	v17 =	vor.u32 $0x4, v0;
	s13 =	sor.u32 $0x6, s6;
	s0 =	smax.u32 s0, $0x1;
	s7 =	sshrl.u32 s7, $0x3  }
.Ltmp0:
0xe: {  	v18 =	vadd.s32 $0x884, v0;
	v19 =	vadd.s32 $0x1104, v0;
	v20 =	vadd.s32 $0x1984, v0;
	[dreg:$0x7] =	wrdreg s0;
	s25 =	sadd.s32 s4, s7;
	(pc) =	sbr.rel .LBB2_1-.Ltmp0, $4  }
0xf: {  	v21 =	vor.u32 $0x5, v0;
	v22 =	vadd.s32 $0x885, v0;
	v23 =	vadd.s32 $0x1105, v0;
	s14 =	sor.u32 $0x7, s6;
	s7 =	sadd.s32 $0x10, s25;
	[dreg:$0x3] =	wrdreg s25  }
0x10: {  	v24 =	vadd.s32 $0x1985, v0;
	v25 =	vor.u32 $0x6, v0;
	v26 =	vadd.s32 $0x886, v0;
	s5 =	sadd.s32 $0x19400, s1;
	s26 =	sadd.s32 $0x20, s25;
	[dreg:$0x4] =	wrdreg s7  }
0x11: {  	v27 =	vadd.s32 $0x1106, v0;
	v28 =	vadd.s32 $0x1986, v0;
	v29 =	vor.u32 $0x7, v0;
	s1 =	sadd.s32 $0x30, s25;
	s25 =	simm.s32 $0x3;
	[dreg:$0x5] =	wrdreg s26  }
0x12: {  	v30 =	vadd.s32 $0x887, v0;
	v31 =	vadd.s32 $0x1107, v0;
	v32 =	vadd.s32 $0x1987, v0;
	[dreg:$0x6] =	wrdreg s1;
	s26 =	simm.s32 $0x6;
	s1 =	simm.s32 $0x0  }
.LBB2_20:
0x13: {  	_ =	swait.ge [sflag:s30], $0x2000  }
0x14: {  	[sflag:s30] =	ssyncset.done $0x0  }
0x15: {  	[sflag:s30] =	ssyncadd.s32 $0xFFFFE000  }
0x16: {  	_ =	swait.ge [sflag:s31], $0x2000  }
0x17: {  	s1 =	rddreg [dreg:$0x8]  }
0x18: {  	s0 =	rddreg [dreg:$0x7];
	s1 =	sadd.s32 $0x1, s1  }
0x19: {  	p0 =	sne.s32 s1, s0  }
.Ltmp1:
0x1a: {  	_ = 	snop;
	(pc) =	sbr.rel @!p0 .LBB2_21-.Ltmp1, $3  }
0x1b: {  	_ =	sdelay $0x1  }
0x1c: {  	[sflag:s31] =	ssyncset.done $0x0  }
0x1d: {  	[sflag:s31] =	ssyncadd.s32 $0xFFFFE000  }
.LBB2_1:
0x1e: {  	[dreg:$0x8] =	wrdreg s1  }
0x1f: {  	s0 =	rddreg [dreg:$0x3]  }
0x20: {  	[tilespmem:s3], [sflag:$0x1] =	stream.linear.gather [hbm4b:s0+s3], $0x80, $0x38;
	[tilespmem:$0x8600] =	vst v63  }
0x21: {  	s9 =	rddreg [dreg:$0x4]  }
0x22: {  	[tilespmem:s16], [sflag:$0x2] =	stream.linear.gather [hbm4b:s9+s3], $0x80, $0x38;
	[tilespmem:$0x8600] =	vst v63  }
0x23: {  	s10 =	rddreg [dreg:$0x5];
	s15 =	simm.s32 $0x100  }
0x24: {  	[tilespmem:s15], [sflag:$0x3] =	stream.linear.gather [hbm4b:s10+s3], $0x80, $0x38;
	[tilespmem:$0x8600] =	vst v63  }
0x25: {  	s17 =	rddreg [dreg:$0x6];
	s19 =	simm.s32 $0x1  }
0x26: {  	[tilespmem:s18], [sflag:$0x4] =	stream.linear.gather [hbm4b:s17+s3], $0x80, $0x38;
	[tilespmem:$0x8600] =	vst v63  }
0x27: {  	_ =	swait.ge [sflag:s19], $0x80  }
0x28: {  	[sflag:s19] =	ssyncset.done $0x0  }
0x29: {  	[sflag:s19] =	ssyncadd.s32 $0xFFFFFF80  }
0x2a: {  	[tilespmem:s20], [sflag:$0x5] =	stream.indirect.gather [hbm4b:s5+s16], $0x40, s3, s16, $0xb8;
	[tilespmem:$0x8600] =	vst v63  }
0x2b: {  	_ =	swait.ge [sflag:s21], $0x80  }
0x2c: {  	[sflag:s21] =	ssyncset.done $0x0  }
0x2d: {  	s0 =	simm.s32 $0x0;
	[sflag:s21] =	ssyncadd.s32 $0xFFFFFF80  }
0x2e: {  	[tilespmem:s22], [sflag:$0x6] =	stream.indirect.gather [hbm4b:s5+s16], $0x40, s16, s16, $0xb8;
	[tilespmem:$0x8600] =	vst v63  }
.LBB2_2:
0x2f: {  	p1 =	seq.s32 s0, $0x0;
	s7 =	simm.s32 $0x0  }
0x30: {  	s17 =	simm.s32 $0x1;
	s8 =	simm.s32 $0x2;
	s19 =	simm.s32 $0x3  }
0x31: {  	s10 =	simm.s32 $0x4;
	s9 =	simm.s32 $0x7;
	s1 =	simm.s32 @!p1 $0x7;
	v33 =	vmov s7;
	v34 =	vmov s17;
	v35 =	vmov s8  }
0x32: {  	s15 =	simm.s32 $0x5;
	v36 =	vmov s19;
	v37 =	vmov s10;
	v38 =	vmov s9;
	_ =	swait.ge @!p1 [sflag:s1], $0x2000  }
0x33: {  	v39 =	vmov s15;
	s17 =	simm.s32 $0x6;
	v33 =	vshrl.u32 v33, $0x3;
	v38 =	vshrl.u32 v38, $0x3;
	[sflag:s1] =	ssyncset.done @!p1 $0x0  }
0x34: {  	v40 =	vmov s17;
	v34 =	vshrl.u32 v34, $0x3;
	v35 =	vshrl.u32 v35, $0x3;
	[sflag:s1] =	ssyncadd.s32 @!p1 $0xFFFFE000  }
0x35: {  	v36 =	vshrl.u32 v36, $0x3;
	v37 =	vshrl.u32 v37, $0x3;
	v38 =	vshll.u32 v38, v1;
	_ =	swait.ge [sflag:s23], $0x2000  }
0x36: {  	v55 =	vshrl.u32 v39, $0x3;
	v33 =	vshll.u32 v33, v1;
	v38 =	vbroadcast v38, $0x0;
	[sflag:s23] =	ssyncset.done $0x0  }
0x37: {  	s9 =	simm.s32 $0x300;
	v34 =	vshll.u32 v34, v1;
	v51 =	vshll.u32 v35, v1;
	v33 =	vbroadcast v33, $0x0;
	[sflag:s23] =	ssyncadd.s32 $0xFFFFE000  }
0x38: {  	v52 =	vshll.u32 v36, v1;
	v47 =	vbroadcast v34, $0x0;
	v42 =	vadd.s32 v29, v38;
	v41 =	vld [tilespmem:s9+$0xC0]  }
0x39: {  	v54 =	vshll.u32 v37, v1;
	v53 =	vbroadcast v51, $0x0;
	v44 =	vadd.s32 v0, v33;
	v43 =	vld [tilespmem:s9+$0xFFFFFF00]  }
0x3a: {  	v36 =	vshll.u32 v55, v1;
	v35 =	vbroadcast v52, $0x0;
	v46 =	vadd.s32 v5, v47;
	v45 =	vld [tilespmem:s9+$0xFFFFFF40]  }
0x3b: {  	v40 =	vshrl.u32 v40, $0x3;
	v34 =	vbroadcast v54, $0x0;
	v49 =	vadd.s32 v9, v53;
	v48 =	vld [tilespmem:s9+$0xFFFFFF80]  }
0x3c: {  	v37 =	vbroadcast v36, $0x0;
	v56 =	vshll.u32 v40, v1;
	v50 =	vadd.s32 v13, v35;
	v39 =	vld [tilespmem:s9+$0xFFFFFFC0]  }
0x3d: {  	v36 =	vbroadcast v56, $0x0;
	v52 =	vadd.s32 v17, v34;
	v51 =	vld [tilespmem:s9+$0x0];
	[tilespmem:v42+s24+$0x0] =	vst.idx.msk $0xffff, v41  }
0x3e: {  	v60 =	vadd.s32 v21, v37;
	v59 =	vld [tilespmem:s9+$0x40];
	[tilespmem:v44+s24+$0x0] =	vst.idx.msk $0xffff, v43  }
0x3f: {  	v62 =	vadd.s32 v25, v36;
	v61 =	vld [tilespmem:s9+$0x80];
	[tilespmem:v46+s24+$0x0] =	vst.idx.msk $0xffff, v45  }
0x40: {  	v58 =	vadd.s32 v30, v38;
	[tilespmem:v49+s24+$0x0] =	vst.idx.msk $0xffff, v48;
	v57 =	vld [tilespmem:s9+$0xD0]  }
0x41: {  	v63 =	vadd.s32 v6, v47;
	[tilespmem:v50+s24+$0x0] =	vst.idx.msk $0xffff, v39;
	v46 =	vld [tilespmem:s9+$0xFFFFFF50]  }
0x42: {  	v55 =	vadd.s32 v10, v53;
	[tilespmem:v52+s24+$0x0] =	vst.idx.msk $0xffff, v51;
	v54 =	vld [tilespmem:s9+$0xFFFFFF90]  }
0x43: {  	v56 =	vadd.s32 v14, v35;
	[tilespmem:v60+s24+$0x0] =	vst.idx.msk $0xffff, v59;
	v50 =	vld [tilespmem:s9+$0xFFFFFFD0]  }
0x44: {  	[tilespmem:v62+s24+$0x0] =	vst.idx.msk $0xffff, v61;
	v45 =	vadd.s32 v22, v37;
	v44 =	vld [tilespmem:s9+$0x50]  }
0x45: {  	v59 =	vadd.s32 v18, v34;
	[tilespmem:v58+s24+$0x0] =	vst.idx.msk $0xffff, v57;
	v58 =	vld [tilespmem:s9+$0x10]  }
0x46: {  	v57 =	vadd.s32 v31, v38;
	[tilespmem:v63+s24+$0x0] =	vst.idx.msk $0xffff, v46;
	v40 =	vld [tilespmem:s9+$0xE0]  }
0x47: {  	v60 =	vadd.s32 v26, v36;
	[tilespmem:v55+s24+$0x0] =	vst.idx.msk $0xffff, v54;
	v63 =	vld [tilespmem:s9+$0x90]  }
0x48: {  	v62 =	vadd.s32 v2, v33;
	v61 =	vld [tilespmem:s9+$0xFFFFFF10];
	[tilespmem:v56+s24+$0x0] =	vst.idx.msk $0xffff, v50  }
0x49: {  	v51 =	vadd.s32 v7, v47;
	[tilespmem:v45+s24+$0x0] =	vst.idx.msk $0xffff, v44;
	v50 =	vld [tilespmem:s9+$0xFFFFFF60]  }
0x4a: {  	v56 =	vadd.s32 v11, v53;
	v55 =	vld [tilespmem:s9+$0xFFFFFFA0];
	[tilespmem:v59+s24+$0x0] =	vst.idx.msk $0xffff, v58  }
0x4b: {  	v58 =	vadd.s32 v15, v35;
	[tilespmem:v57+s24+$0x0] =	vst.idx.msk $0xffff, v40;
	v57 =	vld [tilespmem:s9+$0xFFFFFFE0]  }
0x4c: {  	[tilespmem:v60+s24+$0x0] =	vst.idx.msk $0xffff, v63;
	v60 =	vadd.s32 v19, v34;
	v59 =	vld [tilespmem:s9+$0x20]  }
0x4d: {  	s7 =	simm.s32 $0x9;
	v38 =	vadd.s32 v32, v38;
	[tilespmem:v62+s24+$0x0] =	vst.idx.msk $0xffff, v61;
	v54 =	vld [tilespmem:s9+$0xF0]  }
0x4e: {  	s19 =	simm.s32 $0x8;
	v41 =	vadd.s32 v23, v37;
	v52 =	vmov s7;
	[tilespmem:v51+s24+$0x0] =	vst.idx.msk $0xffff, v50;
	v40 =	vld [tilespmem:s9+$0x60]  }
0x4f: {  	s10 =	simm.s32 $0xB;
	s15 =	simm.s32 $0xC;
	v43 =	vadd.s32 v27, v36;
	v48 =	vadd.s32 v3, v33;
	v63 =	vmov s19;
	v42 =	vld [tilespmem:s9+$0xA0];
	[tilespmem:v56+s24+$0x0] =	vst.idx.msk $0xffff, v55  }
0x50: {  	v44 =	vmov s10;
	v46 =	vmov s15;
	v45 =	vld [tilespmem:s9+$0xFFFFFF20];
	s19 =	simm.s32 $0xE;
	v39 =	vshrl.u32 v63, $0x3;
	[tilespmem:v58+s24+$0x0] =	vst.idx.msk $0xffff, v57  }
0x51: {  	s8 =	simm.s32 $0xA;
	s17 =	simm.s32 $0xD;
	v51 =	vadd.s32 v8, v47;
	v49 =	vld [tilespmem:s9+$0xFFFFFF70];
	v47 =	vshll.u32 v39, v1;
	v39 =	vmov s19;
	[tilespmem:v60+s24+$0x0] =	vst.idx.msk $0xffff, v59  }
0x52: {  	s7 =	simm.s32 $0xF;
	s10 =	simm.s32 $0x10;
	v53 =	vadd.s32 v12, v53;
	v50 =	vld [tilespmem:s9+$0xFFFFFFB0];
	[tilespmem:v38+s24+$0x0] =	vst.idx.msk $0xffff, v54;
	v54 =	vmov s8;
	v38 =	vmov s17;
	s8 =	sshll.u32 s0, $0x2  }
.LBB2_3:
0x53: {  	p0 =	slt.u32 s10, $0x78;
	v52 =	vshrl.u32 v52, $0x3;
	v55 =	vmov s7;
	v56 =	vld [tilespmem:s9+$0xFFFFFFF0];
	v35 =	vadd.s32 v16, v35;
	[tilespmem:v41+s24+$0x0] =	vst.idx.msk $0xffff, v40  }
0x54: {  	v40 =	vshrl.u32 v54, $0x3;
	v34 =	vadd.s32 v20, v34;
	v41 =	vshrl.u32 v55, $0x3;
	v54 =	vld [tilespmem:s9+$0x30];
	[tilespmem:v43+s24+$0x0] =	vst.idx.msk $0xffff, v42  }
0x55: {  	v37 =	vadd.s32 v24, v37;
	v42 =	vshrl.u32 v44, $0x3;
	v41 =	vshll.u32 v41, v1;
	[tilespmem:v48+s24+$0x0] =	vst.idx.msk $0xffff, v45;
	v43 =	vld [tilespmem:s9+$0x70]  }
0x56: {  	v36 =	vadd.s32 v28, v36;
	v44 =	vshrl.u32 v46, $0x3;
	v41 =	vbroadcast v41, $0x0;
	[tilespmem:v51+s24+$0x0] =	vst.idx.msk $0xffff, v49;
	v45 =	vld [tilespmem:s9+$0xB0]  }
0x57: {  	v46 =	vshll.u32 v52, v1;
	v49 =	vadd.s32 v4, v33;
	v33 =	vbroadcast v47, $0x0;
	v48 =	vld [tilespmem:s9+$0xFFFFFF30];
	[tilespmem:v53+s24+$0x0] =	vst.idx.msk $0xffff, v50;
	s9 =	sadd.s32 $0x200, s9  }
0x58: {  	v40 =	vshll.u32 v40, v1;
	v47 =	vbroadcast v46, $0x0;
	v46 =	vld [tilespmem:s9+$0xC0];
	v50 =	vadd.s32 v29, v41;
	[tilespmem:v35+s24+$0x0] =	vst.idx.msk $0xffff, v56  }
0x59: {  	v53 =	vbroadcast v40, $0x0;
	v52 =	vadd.s32 v0, v33;
	v35 =	vshll.u32 v42, v1;
	v51 =	vld [tilespmem:s9+$0xFFFFFF00];
	[tilespmem:v34+s24+$0x0] =	vst.idx.msk $0xffff, v54  }
0x5a: {  	v42 =	vadd.s32 v5, v47;
	v35 =	vbroadcast v35, $0x0;
	v34 =	vshll.u32 v44, v1;
	v40 =	vld [tilespmem:s9+$0xFFFFFF40];
	[tilespmem:v37+s24+$0x0] =	vst.idx.msk $0xffff, v43  }
0x5b: {  	v44 =	vadd.s32 v9, v53;
	v34 =	vbroadcast v34, $0x0;
	v37 =	vshrl.u32 v38, $0x3;
	v43 =	vld [tilespmem:s9+$0xFFFFFF80];
	[tilespmem:v36+s24+$0x0] =	vst.idx.msk $0xffff, v45  }
0x5c: {  	v39 =	vshrl.u32 v39, $0x3;
	v45 =	vadd.s32 v13, v35;
	v36 =	vshll.u32 v37, v1;
	v38 =	vld [tilespmem:s9+$0xFFFFFFC0];
	[tilespmem:v49+s24+$0x0] =	vst.idx.msk $0xffff, v48  }
0x5d: {  	v49 =	vadd.s32 v17, v34;
	v37 =	vbroadcast v36, $0x0;
	v36 =	vshll.u32 v39, v1;
	v48 =	vld [tilespmem:s9+$0x0];
	[tilespmem:v50+s24+$0x0] =	vst.idx.msk $0xffff, v46  }
0x5e: {  	v36 =	vbroadcast v36, $0x0;
	v46 =	vadd.s32 v30, v41;
	[tilespmem:v52+s24+$0x0] =	vst.idx.msk $0xffff, v51;
	v39 =	vld [tilespmem:s9+$0xD0]  }
0x5f: {  	[tilespmem:v42+s24+$0x0] =	vst.idx.msk $0xffff, v40;
	v40 =	vld [tilespmem:s9+$0x40];
	v42 =	vadd.s32 v21, v37  }
0x60: {  	[tilespmem:v44+s24+$0x0] =	vst.idx.msk $0xffff, v43;
	v43 =	vld [tilespmem:s9+$0x80];
	v44 =	vadd.s32 v25, v36  }
0x61: {  	v51 =	vadd.s32 v6, v47;
	v50 =	vld [tilespmem:s9+$0xFFFFFF50];
	[tilespmem:v45+s24+$0x0] =	vst.idx.msk $0xffff, v38  }
0x62: {  	v45 =	vadd.s32 v10, v53;
	v38 =	vld [tilespmem:s9+$0xFFFFFF90];
	[tilespmem:v49+s24+$0x0] =	vst.idx.msk $0xffff, v48  }
0x63: {  	v49 =	vadd.s32 v14, v35;
	v48 =	vld [tilespmem:s9+$0xFFFFFFD0];
	[tilespmem:v46+s24+$0x0] =	vst.idx.msk $0xffff, v39  }
0x64: {  	[tilespmem:v42+s24+$0x0] =	vst.idx.msk $0xffff, v40;
	v39 =	vld [tilespmem:s9+$0xE0];
	v40 =	vadd.s32 v31, v41  }
0x65: {  	v46 =	vadd.s32 v18, v34;
	v42 =	vld [tilespmem:s9+$0x10];
	[tilespmem:v44+s24+$0x0] =	vst.idx.msk $0xffff, v43  }
0x66: {  	v44 =	vadd.s32 v22, v37;
	[tilespmem:v51+s24+$0x0] =	vst.idx.msk $0xffff, v50;
	v43 =	vld [tilespmem:s9+$0x50]  }
0x67: {  	[tilespmem:v45+s24+$0x0] =	vst.idx.msk $0xffff, v38;
	v38 =	vld [tilespmem:s9+$0x90];
	v45 =	vadd.s32 v26, v36  }
0x68: {  	v51 =	vadd.s32 v2, v33;
	v50 =	vld [tilespmem:s9+$0xFFFFFF10];
	[tilespmem:v49+s24+$0x0] =	vst.idx.msk $0xffff, v48  }
0x69: {  	v49 =	vadd.s32 v7, v47;
	v48 =	vld [tilespmem:s9+$0xFFFFFF60];
	[tilespmem:v40+s24+$0x0] =	vst.idx.msk $0xffff, v39  }
0x6a: {  	[tilespmem:v46+s24+$0x0] =	vst.idx.msk $0xffff, v42;
	v39 =	vld [tilespmem:s9+$0xF0];
	v46 =	vadd.s32 v32, v41  }
0x6b: {  	v56 =	vadd.s32 v11, v53;
	v55 =	vld [tilespmem:s9+$0xFFFFFFA0];
	[tilespmem:v44+s24+$0x0] =	vst.idx.msk $0xffff, v43  }
0x6c: {  	v58 =	vadd.s32 v15, v35;
	v57 =	vld [tilespmem:s9+$0xFFFFFFE0];
	[tilespmem:v45+s24+$0x0] =	vst.idx.msk $0xffff, v38  }
0x6d: {  	v60 =	vadd.s32 v19, v34;
	[tilespmem:v51+s24+$0x0] =	vst.idx.msk $0xffff, v50;
	v59 =	vld [tilespmem:s9+$0x20]  }
.Ltmp2:
0x6e: {  	s1 =	sadd.s32 $0x1, s10;
	v41 =	vadd.s32 v23, v37;
	v38 =	vmov s10;
	[tilespmem:v49+s24+$0x0] =	vst.idx.msk $0xffff, v48;
	v40 =	vld [tilespmem:s9+$0x60];
	(pc) =	sbr.rel @p0 .LBB2_3-.Ltmp2, $4  }
0x6f: {  	s7 =	sadd.s32 $0x3, s10;
	v52 =	vmov s1;
	s1 =	sadd.s32 $0x2, s10;
	v43 =	vadd.s32 v27, v36;
	v50 =	vshrl.u32 v38, $0x3;
	v42 =	vld [tilespmem:s9+$0xA0];
	[tilespmem:v46+s24+$0x0] =	vst.idx.msk $0xffff, v39  }
0x70: {  	v54 =	vmov s1;
	s1 =	sadd.s32 $0x4, s10;
	v44 =	vmov s7;
	s7 =	sadd.s32 $0x5, s10;
	v48 =	vadd.s32 v3, v33;
	v45 =	vld [tilespmem:s9+$0xFFFFFF20];
	[tilespmem:v56+s24+$0x0] =	vst.idx.msk $0xffff, v55  }
0x71: {  	v38 =	vmov s7;
	v51 =	vadd.s32 v8, v47;
	v46 =	vmov s1;
	s1 =	sadd.s32 $0x6, s10;
	v49 =	vld [tilespmem:s9+$0xFFFFFF70];
	[tilespmem:v58+s24+$0x0] =	vst.idx.msk $0xffff, v57  }
0x72: {  	v53 =	vadd.s32 v12, v53;
	s7 =	sadd.s32 $0x7, s10;
	v47 =	vshll.u32 v50, v1;
	s10 =	sadd.s32 $0x8, s10;
	v39 =	vmov s1;
	v50 =	vld [tilespmem:s9+$0xFFFFFFB0];
	[tilespmem:v60+s24+$0x0] =	vst.idx.msk $0xffff, v59  }
0x73: {  	_ =	sdelay $0x2  }
0x74: {  	v52 =	vshrl.u32 v52, $0x3  }
0x75: {  	v55 =	vmov s7;
	v56 =	vld [tilespmem:s9+$0xFFFFFFF0];
	v35 =	vadd.s32 v16, v35;
	[tilespmem:v41+s24+$0x0] =	vst.idx.msk $0xffff, v40;
	v57 =	vshrl.u32 v54, $0x3  }
0x76: {  	v59 =	vld [tilespmem:s9+$0x30];
	v34 =	vadd.s32 v20, v34;
	v60 =	vshrl.u32 v44, $0x3;
	v58 =	vshrl.u32 v55, $0x3;
	[tilespmem:v43+s24+$0x0] =	vst.idx.msk $0xffff, v42  }
0x77: {  	v37 =	vadd.s32 v24, v37;
	v62 =	vshrl.u32 v46, $0x3;
	v61 =	vld [tilespmem:s9+$0x70];
	v41 =	vshll.u32 v58, v1;
	[tilespmem:v48+s24+$0x0] =	vst.idx.msk $0xffff, v45  }
0x78: {  	v36 =	vadd.s32 v28, v36;
	v46 =	vbroadcast v47, $0x0;
	v63 =	vld [tilespmem:s9+$0xB0];
	v41 =	vbroadcast v41, $0x0;
	[tilespmem:v51+s24+$0x0] =	vst.idx.msk $0xffff, v49  }
0x79: {  	v33 =	vadd.s32 v4, v33;
	s15 =	sadd.s32 $0x200, s9;
	v38 =	vshrl.u32 v38, $0x3;
	v55 =	vshll.u32 v52, v1;
	v48 =	vld [tilespmem:s9+$0xFFFFFF30];
	[tilespmem:v53+s24+$0x0] =	vst.idx.msk $0xffff, v50  }
0x7a: {  	v40 =	vshll.u32 v57, v1;
	v47 =	vbroadcast v55, $0x0;
	v49 =	vld [tilespmem:s15+$0xC0];
	v50 =	vadd.s32 v29, v41;
	[tilespmem:v35+s24+$0x0] =	vst.idx.msk $0xffff, v56  }
0x7b: {  	v42 =	vshll.u32 v60, v1;
	v40 =	vbroadcast v40, $0x0;
	v35 =	vld [tilespmem:s15+$0xFFFFFF00];
	v56 =	vadd.s32 v0, v46;
	[tilespmem:v34+s24+$0x0] =	vst.idx.msk $0xffff, v59  }
0x7c: {  	v57 =	vld [tilespmem:s15+$0xFFFFFF40];
	v44 =	vshll.u32 v62, v1;
	v42 =	vbroadcast v42, $0x0;
	v58 =	vadd.s32 v5, v47;
	[tilespmem:v37+s24+$0x0] =	vst.idx.msk $0xffff, v61  }
0x7d: {  	v38 =	vshll.u32 v38, v1;
	v44 =	vbroadcast v44, $0x0;
	v60 =	vadd.s32 v9, v40;
	v59 =	vld [tilespmem:s15+$0xFFFFFF80];
	[tilespmem:v36+s24+$0x0] =	vst.idx.msk $0xffff, v63  }
0x7e: {  	v38 =	vbroadcast v38, $0x0;
	v62 =	vadd.s32 v13, v42;
	v61 =	vld [tilespmem:s15+$0xFFFFFFC0];
	[tilespmem:v33+s24+$0x0] =	vst.idx.msk $0xffff, v48  }
0x7f: {  	v39 =	vshrl.u32 v39, $0x3;
	v63 =	vadd.s32 v17, v44;
	v33 =	vld [tilespmem:s15+$0x0];
	[tilespmem:v50+s24+$0x0] =	vst.idx.msk $0xffff, v49  }
0x80: {  	v39 =	vshll.u32 v39, v1;
	v34 =	vld [tilespmem:s15+$0x40];
	[tilespmem:v56+s24+$0x0] =	vst.idx.msk $0xffff, v35;
	v56 =	vadd.s32 v21, v38  }
0x81: {  	[tilespmem:v58+s24+$0x0] =	vst.idx.msk $0xffff, v57;
	v35 =	vbroadcast v39, $0x0;
	v49 =	vadd.s32 v30, v41;
	v39 =	vld [tilespmem:s15+$0xD0]  }
0x82: {  	[tilespmem:v60+s24+$0x0] =	vst.idx.msk $0xffff, v59;
	v59 =	vld [tilespmem:s15+$0xFFFFFF50];
	v60 =	vadd.s32 v6, v47  }
0x83: {  	v57 =	vld [tilespmem:s15+$0x80];
	[tilespmem:v62+s24+$0x0] =	vst.idx.msk $0xffff, v61;
	v58 =	vadd.s32 v25, v35  }
0x84: {  	v61 =	vld [tilespmem:s15+$0xFFFFFF90];
	v62 =	vadd.s32 v10, v40;
	[tilespmem:v63+s24+$0x0] =	vst.idx.msk $0xffff, v33  }
0x85: {  	v33 =	vld [tilespmem:s15+$0xFFFFFFD0];
	v63 =	vadd.s32 v14, v42;
	[tilespmem:v56+s24+$0x0] =	vst.idx.msk $0xffff, v34  }
0x86: {  	v56 =	vadd.s32 v18, v44;
	[tilespmem:v49+s24+$0x0] =	vst.idx.msk $0xffff, v39;
	v49 =	vld [tilespmem:s15+$0x10]  }
0x87: {  	[tilespmem:v60+s24+$0x0] =	vst.idx.msk $0xffff, v59;
	v39 =	vadd.s32 v31, v41;
	v34 =	vld [tilespmem:s15+$0xE0]  }
0x88: {  	[tilespmem:v58+s24+$0x0] =	vst.idx.msk $0xffff, v57;
	v57 =	vld [tilespmem:s15+$0x50];
	v58 =	vadd.s32 v22, v38  }
0x89: {  	[tilespmem:v62+s24+$0x0] =	vst.idx.msk $0xffff, v61;
	v61 =	vld [tilespmem:s15+$0xFFFFFF10];
	v62 =	vadd.s32 v2, v46  }
0x8a: {  	v60 =	vadd.s32 v26, v35;
	v59 =	vld [tilespmem:s15+$0x90];
	[tilespmem:v63+s24+$0x0] =	vst.idx.msk $0xffff, v33  }
0x8b: {  	v55 =	vadd.s32 v11, v40;
	v54 =	vadd.s32 v32, v41;
	v41 =	vld [tilespmem:s15+$0xFFFFFFA0];
	[tilespmem:v56+s24+$0x0] =	vst.idx.msk $0xffff, v49  }
0x8c: {  	v53 =	vadd.s32 v7, v47;
	v63 =	vld [tilespmem:s15+$0xFFFFFF60];
	[tilespmem:v39+s24+$0x0] =	vst.idx.msk $0xffff, v34  }
0x8d: {  	v56 =	vld [tilespmem:s15+$0xFFFFFFE0];
	[tilespmem:v58+s24+$0x0] =	vst.idx.msk $0xffff, v57;
	v57 =	vadd.s32 v15, v42  }
0x8e: {  	[tilespmem:v62+s24+$0x0] =	vst.idx.msk $0xffff, v61;
	v34 =	vld [tilespmem:s15+$0xF0]  }
0x8f: {  	v58 =	vld [tilespmem:s15+$0x20];
	[tilespmem:v60+s24+$0x0] =	vst.idx.msk $0xffff, v59;
	v59 =	vadd.s32 v19, v44  }
0x90: {  	v61 =	vadd.s32 v23, v38;
	[tilespmem:v55+s24+$0x0] =	vst.idx.msk $0xffff, v41;
	v60 =	vld [tilespmem:s15+$0x60]  }
0x91: {  	[tilespmem:v53+s24+$0x0] =	vst.idx.msk $0xffff, v63;
	v63 =	vadd.s32 v27, v35;
	v62 =	vld [tilespmem:s15+$0xA0]  }
0x92: {  	v47 =	vadd.s32 v8, v47;
	v55 =	vld [tilespmem:s15+$0xFFFFFF70];
	[tilespmem:v57+s24+$0x0] =	vst.idx.msk $0xffff, v56  }
0x93: {  	v53 =	vld [tilespmem:s15+$0xFFFFFF20];
	[tilespmem:v54+s24+$0x0] =	vst.idx.msk $0xffff, v34;
	v54 =	vadd.s32 v3, v46  }
0x94: {  	v40 =	vadd.s32 v12, v40;
	v56 =	vld [tilespmem:s15+$0xFFFFFFB0];
	[tilespmem:v59+s24+$0x0] =	vst.idx.msk $0xffff, v58  }
0x95: {  	v42 =	vadd.s32 v16, v42;
	v57 =	vld [tilespmem:s15+$0xFFFFFFF0];
	[tilespmem:v61+s24+$0x0] =	vst.idx.msk $0xffff, v60  }
0x96: {  	v59 =	vadd.s32 v20, v44;
	v58 =	vld [tilespmem:s15+$0x30];
	[tilespmem:v63+s24+$0x0] =	vst.idx.msk $0xffff, v62  }
0x97: {  	v38 =	vadd.s32 v24, v38;
	v60 =	vld [tilespmem:s15+$0x70];
	[tilespmem:v47+s24+$0x0] =	vst.idx.msk $0xffff, v55  }
0x98: {  	v35 =	vadd.s32 v28, v35;
	v61 =	vld [tilespmem:s15+$0xB0];
	[tilespmem:v54+s24+$0x0] =	vst.idx.msk $0xffff, v53  }
0x99: {  	v63 =	vadd.s32 v4, v46;
	[tilespmem:v40+s24+$0x0] =	vst.idx.msk $0xffff, v56;
	v62 =	vld [tilespmem:s15+$0xFFFFFF30]  }
0x9a: {  	p0 =	seq.s32 s0, $0x31;
	[tilespmem:v42+s24+$0x0] =	vst.idx.msk $0xffff, v57  }
0x9b: {  	s1 =	sadd.s32 @!p0 s8, s11;
	[tilespmem:v59+s24+$0x0] =	vst.idx.msk $0xffff, v58  }
0x9c: {  	s1 =	sshll.u32 @!p0 s1, $0x4;
	[tilespmem:v38+s24+$0x0] =	vst.idx.msk $0xffff, v60  }
0x9d: {  	s17 =	sadd.s32 s6, s8;
	s1 =	sand.u32 @!p0 $0xFFFFFC0, s1;
	[tilespmem:v35+s24+$0x0] =	vst.idx.msk $0xffff, v61  }
0x9e: {  	s7 =	simm.s32 @!p0 $0x0;
	s19 =	sshll.u32 s17, $0x7;
	s1 =	sadd.s32 @!p0 s4, s1;
	[tilespmem:v63+s24+$0x0] =	vst.idx.msk $0xffff, v62  }
0x9f: {  	[tilespmem:s7], [sflag:$0x1] =	stream.linear.gather @!p0 [hbm4b:s1+s7], $0x80, $0x38;
	[tilespmem:$0x8600] =	vst v63  }
0xa0: {  	s1 =	sshll.u32 s17, $0xA;
	s7 =	sand.u32 $0xE00, s19  }
0xa1: {  	s1 =	sand.u32 $0xFFF8000, s1;
	s7 =	sadd.s32 s2, s7  }
0xa2: {  	s9 =	simm.s32 $0x4200;
	s1 =	sadd.s32 s1, s7  }
0xa3: {  	[hbm4b:s1+s3] =	stream.linear.scatter [tilespmem:s9], [sflag:$0x7], $0x80, $0x38;
	[tilespmem:$0x8600] =	vst v63  }
0xa4: {  	s10 =	simm.s32 $0x4288;
	s15 =	sadd.s32 $0x10, s1  }
0xa5: {  	[hbm4b:s15+s3] =	stream.linear.scatter [tilespmem:s10], [sflag:$0x7], $0x80, $0x38;
	[tilespmem:$0x8600] =	vst v63  }
0xa6: {  	s17 =	simm.s32 $0x4310;
	s19 =	sadd.s32 $0x20, s1  }
0xa7: {  	[hbm4b:s19+s3] =	stream.linear.scatter [tilespmem:s17], [sflag:$0x7], $0x80, $0x38;
	[tilespmem:$0x8600] =	vst v63  }
0xa8: {  	s10 =	simm.s32 $0x4398;
	s15 =	sadd.s32 $0x30, s1  }
0xa9: {  	[hbm4b:s15+s3] =	stream.linear.scatter [tilespmem:s10], [sflag:$0x7], $0x80, $0x38;
	[tilespmem:$0x8600] =	vst v63  }
0xaa: {  	s17 =	simm.s32 $0x4420;
	s19 =	sadd.s32 $0x40, s1  }
0xab: {  	[hbm4b:s19+s3] =	stream.linear.scatter [tilespmem:s17], [sflag:$0x7], $0x80, $0x38;
	[tilespmem:$0x8600] =	vst v63  }
0xac: {  	s7 =	simm.s32 $0x440;
	s10 =	simm.s32 $0x44A8;
	s15 =	sadd.s32 $0x50, s1  }
0xad: {  	[hbm4b:s15+s3] =	stream.linear.scatter [tilespmem:s10], [sflag:$0x7], $0x80, $0x38;
	[tilespmem:$0x8600] =	vst v63  }
0xae: {  	s9 =	sadd.s32 $0x1000, s1;
	s17 =	simm.s32 $0x4530;
	s19 =	sadd.s32 $0x60, s1  }
0xaf: {  	[hbm4b:s19+s3] =	stream.linear.scatter [tilespmem:s17], [sflag:$0x7], $0x80, $0x38;
	[tilespmem:$0x8600] =	vst v63  }
0xb0: {  	s10 =	simm.s32 $0x2200;
	s15 =	simm.s32 $0x45B8;
	s19 =	sadd.s32 $0x70, s1  }
.LBB2_5:
0xb1: {  	[hbm4b:s19+s3] =	stream.linear.scatter [tilespmem:s15], [sflag:$0x7], $0x80, $0x38;
	[tilespmem:$0x8600] =	vst v63  }
0xb2: {  	s1 =	smov.u32 s7;
	s7 =	smov.u32 s10  }
0xb3: {  	s17 =	sadd.s32 $0x1100, s10;
	s7 =	sshra.s32 s7, $0x2;
	s15 =	sadd.s32 $0x4200, s1  }
0xb4: {  	[hbm4b:s9+s3] =	stream.linear.scatter [tilespmem:s15], [sflag:$0x7], $0x80, $0x38;
	[tilespmem:$0x8600] =	vst v63  }
0xb5: {  	p2 =	sne.s32 s10, $0x7700;
	s10 =	sadd.s32 $0x4288, s1;
	s15 =	sadd.s32 $0x10, s9  }
0xb6: {  	[hbm4b:s15+s3] =	stream.linear.scatter [tilespmem:s10], [sflag:$0x7], $0x80, $0x38;
	[tilespmem:$0x8600] =	vst v63  }
0xb7: {  	s10 =	sadd.s32 $0x4310, s1;
	s15 =	sadd.s32 $0x20, s9  }
0xb8: {  	[hbm4b:s15+s3] =	stream.linear.scatter [tilespmem:s10], [sflag:$0x7], $0x80, $0x38;
	[tilespmem:$0x8600] =	vst v63  }
0xb9: {  	s10 =	sadd.s32 $0x4398, s1;
	s15 =	sadd.s32 $0x30, s9  }
0xba: {  	[hbm4b:s15+s3] =	stream.linear.scatter [tilespmem:s10], [sflag:$0x7], $0x80, $0x38;
	[tilespmem:$0x8600] =	vst v63  }
0xbb: {  	s10 =	sadd.s32 $0x4420, s1;
	s15 =	sadd.s32 $0x40, s9  }
0xbc: {  	[hbm4b:s15+s3] =	stream.linear.scatter [tilespmem:s10], [sflag:$0x7], $0x80, $0x38;
	[tilespmem:$0x8600] =	vst v63  }
.Ltmp3:
0xbd: {  	s10 =	sadd.s32 $0x44A8, s1;
	s15 =	sadd.s32 $0x50, s9;
	(pc) =	sbr.rel @p2 .LBB2_5-.Ltmp3, $4  }
0xbe: {  	[hbm4b:s15+s3] =	stream.linear.scatter [tilespmem:s10], [sflag:$0x7], $0x80, $0x38;
	[tilespmem:$0x8600] =	vst v63  }
0xbf: {  	s19 =	sadd.s32 $0x70, s9;
	s10 =	sadd.s32 $0x4530, s1;
	s15 =	sadd.s32 $0x60, s9  }
0xc0: {  	[hbm4b:s15+s3] =	stream.linear.scatter [tilespmem:s10], [sflag:$0x7], $0x80, $0x38;
	[tilespmem:$0x8600] =	vst v63  }
0xc1: {  	s9 =	sadd.s32 $0x1000, s9;
	s15 =	sadd.s32 $0x45B8, s1;
	s10 =	smov.u32 s17  }
0xc2: {  	[hbm4b:s19+s3] =	stream.linear.scatter [tilespmem:s15], [sflag:$0x7], $0x80, $0x38;
	[tilespmem:$0x8600] =	vst v63  }
0xc3: {  	s1 =	sadd.s32 $0x4200, s7  }
0xc4: {  	[hbm4b:s9+s3] =	stream.linear.scatter [tilespmem:s1], [sflag:$0x7], $0x80, $0x38;
	[tilespmem:$0x8600] =	vst v63  }
0xc5: {  	s15 =	sadd.s32 $0x4288, s7;
	s10 =	sadd.s32 $0x10, s9  }
0xc6: {  	[hbm4b:s10+s3] =	stream.linear.scatter [tilespmem:s15], [sflag:$0x7], $0x80, $0x38;
	[tilespmem:$0x8600] =	vst v63  }
0xc7: {  	s17 =	sadd.s32 $0x4310, s7;
	s19 =	sadd.s32 $0x20, s9  }
0xc8: {  	[hbm4b:s19+s3] =	stream.linear.scatter [tilespmem:s17], [sflag:$0x7], $0x80, $0x38;
	[tilespmem:$0x8600] =	vst v63  }
0xc9: {  	s10 =	sadd.s32 $0x4398, s7;
	s15 =	sadd.s32 $0x30, s9  }
0xca: {  	[hbm4b:s15+s3] =	stream.linear.scatter [tilespmem:s10], [sflag:$0x7], $0x80, $0x38;
	[tilespmem:$0x8600] =	vst v63  }
0xcb: {  	s17 =	sadd.s32 $0x4420, s7;
	s19 =	sadd.s32 $0x40, s9  }
0xcc: {  	[hbm4b:s19+s3] =	stream.linear.scatter [tilespmem:s17], [sflag:$0x7], $0x80, $0x38;
	[tilespmem:$0x8600] =	vst v63  }
0xcd: {  	s10 =	sadd.s32 $0x44A8, s7;
	s15 =	sadd.s32 $0x50, s9  }
0xce: {  	[hbm4b:s15+s3] =	stream.linear.scatter [tilespmem:s10], [sflag:$0x7], $0x80, $0x38;
	[tilespmem:$0x8600] =	vst v63  }
0xcf: {  	s17 =	sadd.s32 $0x4530, s7;
	s19 =	sadd.s32 $0x60, s9  }
0xd0: {  	[hbm4b:s19+s3] =	stream.linear.scatter [tilespmem:s17], [sflag:$0x7], $0x80, $0x38;
	[tilespmem:$0x8600] =	vst v63  }
0xd1: {  	s7 =	sadd.s32 $0x45B8, s7;
	s9 =	sadd.s32 $0x70, s9  }
0xd2: {  	[hbm4b:s9+s3] =	stream.linear.scatter [tilespmem:s7], [sflag:$0x7], $0x80, $0x38;
	[tilespmem:$0x8600] =	vst v63  }
0xd3: {  	s1 =	simm.s32 @!p1 $0x8;
	s15 =	simm.s32 $0x0;
	_ =	swait.ge [sflag:s25], $0x80  }
0xd4: {  	s10 =	simm.s32 $0x100;
	v33 =	vmov s15;
	s15 =	simm.s32 $0x4;
	[sflag:s25] =	ssyncset.done $0x0  }
0xd5: {  	s17 =	simm.s32 $0x1;
	s19 =	simm.s32 $0x2;
	[sflag:s25] =	ssyncadd.s32 $0xFFFFFF80  }
0xd6: {  	v33 =	vshrl.u32 v33, $0x3;
	v37 =	vmov s15;
	[tilespmem:s20], [sflag:$0x5] =	stream.indirect.gather [hbm4b:s5+s16], $0x40, s10, s16, $0xb8;
	[tilespmem:$0x8600] =	vst v63  }
0xd7: {  	s15 =	simm.s32 $0x6;
	v34 =	vmov s17;
	v35 =	vmov s19;
	s17 =	simm.s32 $0x7;
	v33 =	vshll.u32 v33, v1;
	_ =	swait.ge @!p1 [sflag:s1], $0x2000  }
0xd8: {  	s19 =	simm.s32 $0x5;
	v40 =	vmov s15;
	v37 =	vshrl.u32 v37, $0x3;
	v38 =	vmov s17;
	[sflag:s1] =	ssyncset.done @!p1 $0x0  }
0xd9: {  	v39 =	vmov s19;
	v34 =	vshrl.u32 v34, $0x3;
	v38 =	vshrl.u32 v38, $0x3;
	[sflag:s1] =	ssyncadd.s32 @!p1 $0xFFFFE000  }
0xda: {  	v35 =	vshrl.u32 v35, $0x3;
	v33 =	vbroadcast v33, $0x0;
	v38 =	vshll.u32 v38, v1;
	_ =	swait.ge [sflag:s26], $0x2000  }
0xdb: {  	v54 =	vshll.u32 v37, v1;
	v40 =	vshrl.u32 v40, $0x3;
	v38 =	vbroadcast v38, $0x0;
	s10 =	simm.s32 $0x3;
	[sflag:s26] =	ssyncset.done $0x0  }
0xdc: {  	s15 =	simm.s32 $0x2300;
	v34 =	vshll.u32 v34, v1;
	v51 =	vshll.u32 v35, v1;
	v36 =	vmov s10;
	[sflag:s26] =	ssyncadd.s32 $0xFFFFE000  }
0xdd: {  	v47 =	vbroadcast v34, $0x0;
	v42 =	vadd.s32 v29, v38;
	v36 =	vshrl.u32 v36, $0x3;
	v41 =	vld [tilespmem:s15+$0xC0]  }
0xde: {  	v44 =	vadd.s32 v0, v33;
	v53 =	vbroadcast v51, $0x0;
	v52 =	vshll.u32 v36, v1;
	v43 =	vld [tilespmem:s15+$0xFFFFFF00]  }
0xdf: {  	v55 =	vshrl.u32 v39, $0x3;
	v46 =	vadd.s32 v5, v47;
	v35 =	vbroadcast v52, $0x0;
	v45 =	vld [tilespmem:s15+$0xFFFFFF40]  }
0xe0: {  	v34 =	vbroadcast v54, $0x0;
	v49 =	vadd.s32 v9, v53;
	v36 =	vshll.u32 v55, v1;
	v48 =	vld [tilespmem:s15+$0xFFFFFF80]  }
0xe1: {  	v56 =	vshll.u32 v40, v1;
	v37 =	vbroadcast v36, $0x0;
	v50 =	vadd.s32 v13, v35;
	v39 =	vld [tilespmem:s15+$0xFFFFFFC0]  }
0xe2: {  	v52 =	vadd.s32 v17, v34;
	v36 =	vbroadcast v56, $0x0;
	v51 =	vld [tilespmem:s15+$0x0];
	[tilespmem:v42+s28+$0x0] =	vst.idx.msk $0xffff, v41  }
0xe3: {  	v60 =	vadd.s32 v21, v37;
	v59 =	vld [tilespmem:s15+$0x40];
	[tilespmem:v44+s28+$0x0] =	vst.idx.msk $0xffff, v43  }
0xe4: {  	v62 =	vadd.s32 v25, v36;
	v61 =	vld [tilespmem:s15+$0x80];
	[tilespmem:v46+s28+$0x0] =	vst.idx.msk $0xffff, v45  }
0xe5: {  	v58 =	vadd.s32 v30, v38;
	[tilespmem:v49+s28+$0x0] =	vst.idx.msk $0xffff, v48;
	v57 =	vld [tilespmem:s15+$0xD0]  }
0xe6: {  	v63 =	vadd.s32 v6, v47;
	[tilespmem:v50+s28+$0x0] =	vst.idx.msk $0xffff, v39;
	v46 =	vld [tilespmem:s15+$0xFFFFFF50]  }
0xe7: {  	v55 =	vadd.s32 v10, v53;
	[tilespmem:v52+s28+$0x0] =	vst.idx.msk $0xffff, v51;
	v54 =	vld [tilespmem:s15+$0xFFFFFF90]  }
0xe8: {  	v56 =	vadd.s32 v14, v35;
	[tilespmem:v60+s28+$0x0] =	vst.idx.msk $0xffff, v59;
	v50 =	vld [tilespmem:s15+$0xFFFFFFD0]  }
0xe9: {  	[tilespmem:v62+s28+$0x0] =	vst.idx.msk $0xffff, v61;
	v45 =	vadd.s32 v22, v37;
	v44 =	vld [tilespmem:s15+$0x50]  }
0xea: {  	v59 =	vadd.s32 v18, v34;
	[tilespmem:v58+s28+$0x0] =	vst.idx.msk $0xffff, v57;
	v58 =	vld [tilespmem:s15+$0x10]  }
0xeb: {  	v57 =	vadd.s32 v31, v38;
	[tilespmem:v63+s28+$0x0] =	vst.idx.msk $0xffff, v46;
	v40 =	vld [tilespmem:s15+$0xE0]  }
0xec: {  	v62 =	vadd.s32 v2, v33;
	v61 =	vld [tilespmem:s15+$0xFFFFFF10];
	[tilespmem:v55+s28+$0x0] =	vst.idx.msk $0xffff, v54  }
0xed: {  	v60 =	vadd.s32 v26, v36;
	v63 =	vld [tilespmem:s15+$0x90];
	[tilespmem:v56+s28+$0x0] =	vst.idx.msk $0xffff, v50  }
0xee: {  	v51 =	vadd.s32 v7, v47;
	[tilespmem:v45+s28+$0x0] =	vst.idx.msk $0xffff, v44;
	v50 =	vld [tilespmem:s15+$0xFFFFFF60]  }
0xef: {  	v56 =	vadd.s32 v11, v53;
	v55 =	vld [tilespmem:s15+$0xFFFFFFA0];
	[tilespmem:v59+s28+$0x0] =	vst.idx.msk $0xffff, v58  }
0xf0: {  	v58 =	vadd.s32 v15, v35;
	[tilespmem:v57+s28+$0x0] =	vst.idx.msk $0xffff, v40;
	v57 =	vld [tilespmem:s15+$0xFFFFFFE0]  }
0xf1: {  	v38 =	vadd.s32 v32, v38;
	[tilespmem:v62+s28+$0x0] =	vst.idx.msk $0xffff, v61;
	v52 =	vld [tilespmem:s15+$0xF0]  }
0xf2: {  	[tilespmem:v60+s28+$0x0] =	vst.idx.msk $0xffff, v63;
	v60 =	vadd.s32 v19, v34;
	v59 =	vld [tilespmem:s15+$0x20]  }
0xf3: {  	s7 =	simm.s32 $0xA;
	s9 =	simm.s32 $0xB;
	v41 =	vadd.s32 v23, v37;
	v43 =	vadd.s32 v27, v36;
	[tilespmem:v51+s28+$0x0] =	vst.idx.msk $0xffff, v50;
	v40 =	vld [tilespmem:s15+$0x60]  }
0xf4: {  	s17 =	simm.s32 $0x8;
	s10 =	simm.s32 $0xC;
	v48 =	vadd.s32 v3, v33;
	v54 =	vmov s7;
	v44 =	vmov s9;
	v42 =	vld [tilespmem:s15+$0xA0];
	[tilespmem:v56+s28+$0x0] =	vst.idx.msk $0xffff, v55  }
0xf5: {  	s19 =	simm.s32 $0x9;
	v46 =	vmov s10;
	v53 =	vadd.s32 v12, v53;
	v45 =	vld [tilespmem:s15+$0xFFFFFF20];
	v63 =	vmov s17;
	[tilespmem:v58+s28+$0x0] =	vst.idx.msk $0xffff, v57  }
0xf6: {  	s9 =	sor.u32 $0x2, s8;
	s17 =	simm.s32 $0xD;
	v39 =	vshrl.u32 v63, $0x3;
	v51 =	vmov s19;
	s19 =	simm.s32 $0xE;
	v49 =	vld [tilespmem:s15+$0xFFFFFF70];
	[tilespmem:v38+s28+$0x0] =	vst.idx.msk $0xffff, v52;
	v52 =	vadd.s32 v8, v47  }
0xf7: {  	s10 =	sor.u32 $0x1, s8;
	s7 =	simm.s32 $0x10;
	v50 =	vld [tilespmem:s15+$0xFFFFFFB0];
	[tilespmem:v60+s28+$0x0] =	vst.idx.msk $0xffff, v59;
	v38 =	vmov s17;
	v47 =	vshll.u32 v39, v1;
	v39 =	vmov s19;
	s19 =	simm.s32 $0xF  }
.LBB2_7:
0xf8: {  	p1 =	slt.u32 s7, $0x78;
	v51 =	vshrl.u32 v51, $0x3;
	v55 =	vmov s19;
	v56 =	vld [tilespmem:s15+$0xFFFFFFF0];
	v35 =	vadd.s32 v16, v35;
	[tilespmem:v41+s28+$0x0] =	vst.idx.msk $0xffff, v40  }
0xf9: {  	v40 =	vshrl.u32 v54, $0x3;
	v34 =	vadd.s32 v20, v34;
	v41 =	vshrl.u32 v55, $0x3;
	v54 =	vld [tilespmem:s15+$0x30];
	[tilespmem:v43+s28+$0x0] =	vst.idx.msk $0xffff, v42  }
0xfa: {  	v37 =	vadd.s32 v24, v37;
	v42 =	vshrl.u32 v44, $0x3;
	v41 =	vshll.u32 v41, v1;
	[tilespmem:v48+s28+$0x0] =	vst.idx.msk $0xffff, v45;
	v43 =	vld [tilespmem:s15+$0x70]  }
0xfb: {  	v36 =	vadd.s32 v28, v36;
	v44 =	vshrl.u32 v46, $0x3;
	v41 =	vbroadcast v41, $0x0;
	[tilespmem:v52+s28+$0x0] =	vst.idx.msk $0xffff, v49;
	v45 =	vld [tilespmem:s15+$0xB0]  }
0xfc: {  	v46 =	vshll.u32 v51, v1;
	v49 =	vadd.s32 v4, v33;
	v33 =	vbroadcast v47, $0x0;
	v48 =	vld [tilespmem:s15+$0xFFFFFF30];
	[tilespmem:v53+s28+$0x0] =	vst.idx.msk $0xffff, v50;
	s15 =	sadd.s32 $0x200, s15  }
0xfd: {  	v40 =	vshll.u32 v40, v1;
	v47 =	vbroadcast v46, $0x0;
	v46 =	vld [tilespmem:s15+$0xC0];
	v50 =	vadd.s32 v29, v41;
	[tilespmem:v35+s28+$0x0] =	vst.idx.msk $0xffff, v56  }
0xfe: {  	v53 =	vbroadcast v40, $0x0;
	v52 =	vadd.s32 v0, v33;
	v35 =	vshll.u32 v42, v1;
	v51 =	vld [tilespmem:s15+$0xFFFFFF00];
	[tilespmem:v34+s28+$0x0] =	vst.idx.msk $0xffff, v54  }
0xff: {  	v42 =	vadd.s32 v5, v47;
	v35 =	vbroadcast v35, $0x0;
	v34 =	vshll.u32 v44, v1;
	v40 =	vld [tilespmem:s15+$0xFFFFFF40];
	[tilespmem:v37+s28+$0x0] =	vst.idx.msk $0xffff, v43  }
0x100: {  	v44 =	vadd.s32 v9, v53;
	v34 =	vbroadcast v34, $0x0;
	v37 =	vshrl.u32 v38, $0x3;
	v43 =	vld [tilespmem:s15+$0xFFFFFF80];
	[tilespmem:v36+s28+$0x0] =	vst.idx.msk $0xffff, v45  }
0x101: {  	v39 =	vshrl.u32 v39, $0x3;
	v45 =	vadd.s32 v13, v35;
	v36 =	vshll.u32 v37, v1;
	v38 =	vld [tilespmem:s15+$0xFFFFFFC0];
	[tilespmem:v49+s28+$0x0] =	vst.idx.msk $0xffff, v48  }
0x102: {  	v49 =	vadd.s32 v17, v34;
	v37 =	vbroadcast v36, $0x0;
	v36 =	vshll.u32 v39, v1;
	v48 =	vld [tilespmem:s15+$0x0];
	[tilespmem:v50+s28+$0x0] =	vst.idx.msk $0xffff, v46  }
0x103: {  	v36 =	vbroadcast v36, $0x0;
	v46 =	vadd.s32 v30, v41;
	[tilespmem:v52+s28+$0x0] =	vst.idx.msk $0xffff, v51;
	v39 =	vld [tilespmem:s15+$0xD0]  }
0x104: {  	[tilespmem:v42+s28+$0x0] =	vst.idx.msk $0xffff, v40;
	v40 =	vld [tilespmem:s15+$0x40];
	v42 =	vadd.s32 v21, v37  }
0x105: {  	[tilespmem:v44+s28+$0x0] =	vst.idx.msk $0xffff, v43;
	v43 =	vld [tilespmem:s15+$0x80];
	v44 =	vadd.s32 v25, v36  }
0x106: {  	v51 =	vadd.s32 v6, v47;
	v50 =	vld [tilespmem:s15+$0xFFFFFF50];
	[tilespmem:v45+s28+$0x0] =	vst.idx.msk $0xffff, v38  }
0x107: {  	v45 =	vadd.s32 v10, v53;
	v38 =	vld [tilespmem:s15+$0xFFFFFF90];
	[tilespmem:v49+s28+$0x0] =	vst.idx.msk $0xffff, v48  }
0x108: {  	v49 =	vadd.s32 v14, v35;
	v48 =	vld [tilespmem:s15+$0xFFFFFFD0];
	[tilespmem:v46+s28+$0x0] =	vst.idx.msk $0xffff, v39  }
0x109: {  	[tilespmem:v42+s28+$0x0] =	vst.idx.msk $0xffff, v40;
	v39 =	vld [tilespmem:s15+$0xE0];
	v40 =	vadd.s32 v31, v41  }
0x10a: {  	v46 =	vadd.s32 v18, v34;
	v42 =	vld [tilespmem:s15+$0x10];
	[tilespmem:v44+s28+$0x0] =	vst.idx.msk $0xffff, v43  }
0x10b: {  	v44 =	vadd.s32 v22, v37;
	[tilespmem:v51+s28+$0x0] =	vst.idx.msk $0xffff, v50;
	v43 =	vld [tilespmem:s15+$0x50]  }
0x10c: {  	[tilespmem:v45+s28+$0x0] =	vst.idx.msk $0xffff, v38;
	v38 =	vld [tilespmem:s15+$0x90];
	v45 =	vadd.s32 v26, v36  }
0x10d: {  	v51 =	vadd.s32 v2, v33;
	v50 =	vld [tilespmem:s15+$0xFFFFFF10];
	[tilespmem:v49+s28+$0x0] =	vst.idx.msk $0xffff, v48  }
0x10e: {  	v49 =	vadd.s32 v7, v47;
	v48 =	vld [tilespmem:s15+$0xFFFFFF60];
	[tilespmem:v40+s28+$0x0] =	vst.idx.msk $0xffff, v39  }
0x10f: {  	[tilespmem:v46+s28+$0x0] =	vst.idx.msk $0xffff, v42;
	v39 =	vld [tilespmem:s15+$0xF0];
	v46 =	vadd.s32 v32, v41  }
0x110: {  	v55 =	vadd.s32 v11, v53;
	v52 =	vld [tilespmem:s15+$0xFFFFFFA0];
	[tilespmem:v44+s28+$0x0] =	vst.idx.msk $0xffff, v43  }
0x111: {  	v57 =	vadd.s32 v15, v35;
	v56 =	vld [tilespmem:s15+$0xFFFFFFE0];
	[tilespmem:v45+s28+$0x0] =	vst.idx.msk $0xffff, v38  }
0x112: {  	v59 =	vadd.s32 v19, v34;
	[tilespmem:v51+s28+$0x0] =	vst.idx.msk $0xffff, v50;
	v58 =	vld [tilespmem:s15+$0x20]  }
.Ltmp4:
0x113: {  	s1 =	sadd.s32 $0x1, s7;
	v41 =	vadd.s32 v23, v37;
	v38 =	vmov s7;
	[tilespmem:v49+s28+$0x0] =	vst.idx.msk $0xffff, v48;
	v40 =	vld [tilespmem:s15+$0x60];
	(pc) =	sbr.rel @p1 .LBB2_7-.Ltmp4, $4  }
0x114: {  	s17 =	sadd.s32 $0x3, s7;
	v43 =	vadd.s32 v27, v36;
	v50 =	vshrl.u32 v38, $0x3;
	v51 =	vmov s1;
	s1 =	sadd.s32 $0x2, s7;
	v42 =	vld [tilespmem:s15+$0xA0];
	[tilespmem:v46+s28+$0x0] =	vst.idx.msk $0xffff, v39  }
0x115: {  	v44 =	vmov s17;
	s17 =	sadd.s32 $0x5, s7;
	v54 =	vmov s1;
	s1 =	sadd.s32 $0x4, s7;
	v48 =	vadd.s32 v3, v33;
	v45 =	vld [tilespmem:s15+$0xFFFFFF20];
	[tilespmem:v55+s28+$0x0] =	vst.idx.msk $0xffff, v52  }
0x116: {  	v38 =	vmov s17;
	v46 =	vmov s1;
	s1 =	sadd.s32 $0x6, s7;
	v52 =	vadd.s32 v8, v47;
	v49 =	vld [tilespmem:s15+$0xFFFFFF70];
	[tilespmem:v57+s28+$0x0] =	vst.idx.msk $0xffff, v56  }
0x117: {  	s19 =	sadd.s32 $0x7, s7;
	v53 =	vadd.s32 v12, v53;
	s7 =	sadd.s32 $0x8, s7;
	v47 =	vshll.u32 v50, v1;
	v39 =	vmov s1;
	v50 =	vld [tilespmem:s15+$0xFFFFFFB0];
	[tilespmem:v59+s28+$0x0] =	vst.idx.msk $0xffff, v58  }
0x118: {  	_ =	sdelay $0x2  }
0x119: {  	v51 =	vshrl.u32 v51, $0x3  }
0x11a: {  	v55 =	vmov s19;
	v56 =	vld [tilespmem:s15+$0xFFFFFFF0];
	v35 =	vadd.s32 v16, v35;
	[tilespmem:v41+s28+$0x0] =	vst.idx.msk $0xffff, v40;
	v57 =	vshrl.u32 v54, $0x3  }
0x11b: {  	v59 =	vld [tilespmem:s15+$0x30];
	v34 =	vadd.s32 v20, v34;
	v60 =	vshrl.u32 v44, $0x3;
	v58 =	vshrl.u32 v55, $0x3;
	[tilespmem:v43+s28+$0x0] =	vst.idx.msk $0xffff, v42  }
0x11c: {  	v37 =	vadd.s32 v24, v37;
	v62 =	vshrl.u32 v46, $0x3;
	v61 =	vld [tilespmem:s15+$0x70];
	v41 =	vshll.u32 v58, v1;
	[tilespmem:v48+s28+$0x0] =	vst.idx.msk $0xffff, v45  }
0x11d: {  	v36 =	vadd.s32 v28, v36;
	v46 =	vbroadcast v47, $0x0;
	v63 =	vld [tilespmem:s15+$0xB0];
	v41 =	vbroadcast v41, $0x0;
	[tilespmem:v52+s28+$0x0] =	vst.idx.msk $0xffff, v49  }
0x11e: {  	v33 =	vadd.s32 v4, v33;
	s7 =	sadd.s32 $0x200, s15;
	v38 =	vshrl.u32 v38, $0x3;
	v55 =	vshll.u32 v51, v1;
	v48 =	vld [tilespmem:s15+$0xFFFFFF30];
	[tilespmem:v53+s28+$0x0] =	vst.idx.msk $0xffff, v50  }
0x11f: {  	v40 =	vshll.u32 v57, v1;
	v47 =	vbroadcast v55, $0x0;
	v49 =	vld [tilespmem:s7+$0xC0];
	v50 =	vadd.s32 v29, v41;
	[tilespmem:v35+s28+$0x0] =	vst.idx.msk $0xffff, v56  }
0x120: {  	v42 =	vshll.u32 v60, v1;
	v40 =	vbroadcast v40, $0x0;
	v35 =	vld [tilespmem:s7+$0xFFFFFF00];
	v56 =	vadd.s32 v0, v46;
	[tilespmem:v34+s28+$0x0] =	vst.idx.msk $0xffff, v59  }
0x121: {  	v57 =	vld [tilespmem:s7+$0xFFFFFF40];
	v44 =	vshll.u32 v62, v1;
	v42 =	vbroadcast v42, $0x0;
	v58 =	vadd.s32 v5, v47;
	[tilespmem:v37+s28+$0x0] =	vst.idx.msk $0xffff, v61  }
0x122: {  	v38 =	vshll.u32 v38, v1;
	v44 =	vbroadcast v44, $0x0;
	v60 =	vadd.s32 v9, v40;
	v59 =	vld [tilespmem:s7+$0xFFFFFF80];
	[tilespmem:v36+s28+$0x0] =	vst.idx.msk $0xffff, v63  }
0x123: {  	v38 =	vbroadcast v38, $0x0;
	v62 =	vadd.s32 v13, v42;
	v61 =	vld [tilespmem:s7+$0xFFFFFFC0];
	[tilespmem:v33+s28+$0x0] =	vst.idx.msk $0xffff, v48  }
0x124: {  	v39 =	vshrl.u32 v39, $0x3;
	v63 =	vadd.s32 v17, v44;
	v33 =	vld [tilespmem:s7+$0x0];
	[tilespmem:v50+s28+$0x0] =	vst.idx.msk $0xffff, v49  }
0x125: {  	v39 =	vshll.u32 v39, v1;
	v34 =	vld [tilespmem:s7+$0x40];
	[tilespmem:v56+s28+$0x0] =	vst.idx.msk $0xffff, v35;
	v56 =	vadd.s32 v21, v38  }
0x126: {  	[tilespmem:v58+s28+$0x0] =	vst.idx.msk $0xffff, v57;
	v35 =	vbroadcast v39, $0x0;
	v49 =	vadd.s32 v30, v41;
	v39 =	vld [tilespmem:s7+$0xD0]  }
0x127: {  	[tilespmem:v60+s28+$0x0] =	vst.idx.msk $0xffff, v59;
	v59 =	vld [tilespmem:s7+$0xFFFFFF50];
	v60 =	vadd.s32 v6, v47  }
0x128: {  	v57 =	vld [tilespmem:s7+$0x80];
	[tilespmem:v62+s28+$0x0] =	vst.idx.msk $0xffff, v61;
	v58 =	vadd.s32 v25, v35  }
0x129: {  	v61 =	vld [tilespmem:s7+$0xFFFFFF90];
	v62 =	vadd.s32 v10, v40;
	[tilespmem:v63+s28+$0x0] =	vst.idx.msk $0xffff, v33  }
0x12a: {  	v33 =	vld [tilespmem:s7+$0xFFFFFFD0];
	v63 =	vadd.s32 v14, v42;
	[tilespmem:v56+s28+$0x0] =	vst.idx.msk $0xffff, v34  }
0x12b: {  	v56 =	vadd.s32 v18, v44;
	[tilespmem:v49+s28+$0x0] =	vst.idx.msk $0xffff, v39;
	v49 =	vld [tilespmem:s7+$0x10]  }
0x12c: {  	[tilespmem:v60+s28+$0x0] =	vst.idx.msk $0xffff, v59;
	v39 =	vadd.s32 v31, v41;
	v34 =	vld [tilespmem:s7+$0xE0]  }
0x12d: {  	[tilespmem:v58+s28+$0x0] =	vst.idx.msk $0xffff, v57;
	v57 =	vld [tilespmem:s7+$0x50];
	v58 =	vadd.s32 v22, v38  }
0x12e: {  	[tilespmem:v62+s28+$0x0] =	vst.idx.msk $0xffff, v61;
	v61 =	vld [tilespmem:s7+$0xFFFFFF10];
	v62 =	vadd.s32 v2, v46  }
0x12f: {  	v60 =	vadd.s32 v26, v35;
	v59 =	vld [tilespmem:s7+$0x90];
	[tilespmem:v63+s28+$0x0] =	vst.idx.msk $0xffff, v33  }
0x130: {  	v55 =	vadd.s32 v11, v40;
	v54 =	vadd.s32 v32, v41;
	v41 =	vld [tilespmem:s7+$0xFFFFFFA0];
	[tilespmem:v56+s28+$0x0] =	vst.idx.msk $0xffff, v49  }
0x131: {  	v53 =	vadd.s32 v7, v47;
	v63 =	vld [tilespmem:s7+$0xFFFFFF60];
	[tilespmem:v39+s28+$0x0] =	vst.idx.msk $0xffff, v34  }
0x132: {  	v56 =	vld [tilespmem:s7+$0xFFFFFFE0];
	[tilespmem:v58+s28+$0x0] =	vst.idx.msk $0xffff, v57;
	v57 =	vadd.s32 v15, v42  }
0x133: {  	[tilespmem:v62+s28+$0x0] =	vst.idx.msk $0xffff, v61;
	v34 =	vld [tilespmem:s7+$0xF0]  }
0x134: {  	v58 =	vld [tilespmem:s7+$0x20];
	[tilespmem:v60+s28+$0x0] =	vst.idx.msk $0xffff, v59;
	v59 =	vadd.s32 v19, v44  }
0x135: {  	v61 =	vadd.s32 v23, v38;
	[tilespmem:v55+s28+$0x0] =	vst.idx.msk $0xffff, v41;
	v60 =	vld [tilespmem:s7+$0x60]  }
0x136: {  	[tilespmem:v53+s28+$0x0] =	vst.idx.msk $0xffff, v63;
	v63 =	vadd.s32 v27, v35;
	v62 =	vld [tilespmem:s7+$0xA0]  }
0x137: {  	v47 =	vadd.s32 v8, v47;
	v55 =	vld [tilespmem:s7+$0xFFFFFF70];
	[tilespmem:v57+s28+$0x0] =	vst.idx.msk $0xffff, v56  }
0x138: {  	v53 =	vld [tilespmem:s7+$0xFFFFFF20];
	[tilespmem:v54+s28+$0x0] =	vst.idx.msk $0xffff, v34;
	v54 =	vadd.s32 v3, v46  }
0x139: {  	v40 =	vadd.s32 v12, v40;
	v56 =	vld [tilespmem:s7+$0xFFFFFFB0];
	[tilespmem:v59+s28+$0x0] =	vst.idx.msk $0xffff, v58  }
0x13a: {  	v42 =	vadd.s32 v16, v42;
	v57 =	vld [tilespmem:s7+$0xFFFFFFF0];
	[tilespmem:v61+s28+$0x0] =	vst.idx.msk $0xffff, v60  }
0x13b: {  	v59 =	vadd.s32 v20, v44;
	v58 =	vld [tilespmem:s7+$0x30];
	[tilespmem:v63+s28+$0x0] =	vst.idx.msk $0xffff, v62  }
0x13c: {  	v38 =	vadd.s32 v24, v38;
	v60 =	vld [tilespmem:s7+$0x70];
	[tilespmem:v47+s28+$0x0] =	vst.idx.msk $0xffff, v55  }
0x13d: {  	v35 =	vadd.s32 v28, v35;
	v61 =	vld [tilespmem:s7+$0xB0];
	[tilespmem:v54+s28+$0x0] =	vst.idx.msk $0xffff, v53  }
0x13e: {  	v63 =	vadd.s32 v4, v46;
	[tilespmem:v40+s28+$0x0] =	vst.idx.msk $0xffff, v56;
	v62 =	vld [tilespmem:s7+$0xFFFFFF30]  }
0x13f: {  	[tilespmem:v42+s28+$0x0] =	vst.idx.msk $0xffff, v57  }
0x140: {  	s1 =	sadd.s32 @!p0 s8, s12;
	[tilespmem:v59+s28+$0x0] =	vst.idx.msk $0xffff, v58  }
0x141: {  	s17 =	sadd.s32 s6, s10;
	s1 =	sshll.u32 @!p0 s1, $0x4;
	[tilespmem:v38+s28+$0x0] =	vst.idx.msk $0xffff, v60  }
0x142: {  	s19 =	sshll.u32 s17, $0x7;
	s1 =	sand.u32 @!p0 $0xFFFFFD0, s1;
	[tilespmem:v35+s28+$0x0] =	vst.idx.msk $0xffff, v61  }
0x143: {  	s1 =	sadd.s32 @!p0 s4, s1;
	s15 =	simm.s32 @!p0 $0x80;
	s7 =	simm.s32 @!p0 $0x0;
	[tilespmem:v63+s28+$0x0] =	vst.idx.msk $0xffff, v62  }
0x144: {  	[tilespmem:s15], [sflag:$0x2] =	stream.linear.gather @!p0 [hbm4b:s1+s7], $0x80, $0x38;
	[tilespmem:$0x8600] =	vst v63  }
0x145: {  	s1 =	sshll.u32 s17, $0xA;
	s7 =	sand.u32 $0xE80, s19  }
0x146: {  	s1 =	sand.u32 $0xFFF8000, s1;
	s7 =	sadd.s32 s2, s7  }
0x147: {  	s10 =	sadd.s32 s1, s7;
	s7 =	simm.s32 $0x6400  }
0x148: {  	[hbm4b:s10+s3] =	stream.linear.scatter [tilespmem:s7], [sflag:$0x8], $0x80, $0x38;
	[tilespmem:$0x8600] =	vst v63  }
0x149: {  	s15 =	simm.s32 $0x6488;
	s7 =	sadd.s32 $0x10, s10  }
0x14a: {  	[hbm4b:s7+s3] =	stream.linear.scatter [tilespmem:s15], [sflag:$0x8], $0x80, $0x38;
	[tilespmem:$0x8600] =	vst v63  }
0x14b: {  	s17 =	simm.s32 $0x6510;
	s19 =	sadd.s32 $0x20, s10  }
0x14c: {  	[hbm4b:s19+s3] =	stream.linear.scatter [tilespmem:s17], [sflag:$0x8], $0x80, $0x38;
	[tilespmem:$0x8600] =	vst v63  }
0x14d: {  	s7 =	simm.s32 $0x6598;
	s15 =	sadd.s32 $0x30, s10  }
0x14e: {  	[hbm4b:s15+s3] =	stream.linear.scatter [tilespmem:s7], [sflag:$0x8], $0x80, $0x38;
	[tilespmem:$0x8600] =	vst v63  }
0x14f: {  	s17 =	simm.s32 $0x6620;
	s19 =	sadd.s32 $0x40, s10  }
0x150: {  	[hbm4b:s19+s3] =	stream.linear.scatter [tilespmem:s17], [sflag:$0x8], $0x80, $0x38;
	[tilespmem:$0x8600] =	vst v63  }
0x151: {  	s1 =	sadd.s32 $0x70, s10;
	s7 =	simm.s32 $0x66A8;
	s15 =	sadd.s32 $0x50, s10  }
0x152: {  	[hbm4b:s15+s3] =	stream.linear.scatter [tilespmem:s7], [sflag:$0x8], $0x80, $0x38;
	[tilespmem:$0x8600] =	vst v63  }
0x153: {  	s17 =	simm.s32 $0x6730;
	s19 =	sadd.s32 $0x60, s10;
	s10 =	sadd.s32 $0x1000, s10  }
0x154: {  	[hbm4b:s19+s3] =	stream.linear.scatter [tilespmem:s17], [sflag:$0x8], $0x80, $0x38;
	[tilespmem:$0x8600] =	vst v63  }
0x155: {  	s7 =	simm.s32 $0x440;
	s15 =	simm.s32 $0x2200;
	s19 =	simm.s32 $0x67B8  }
.LBB2_9:
0x156: {  	[hbm4b:s1+s3] =	stream.linear.scatter [tilespmem:s19], [sflag:$0x8], $0x80, $0x38;
	[tilespmem:$0x8600] =	vst v63  }
0x157: {  	s1 =	smov.u32 s7;
	s7 =	smov.u32 s15  }
0x158: {  	s17 =	sadd.s32 $0x1100, s15;
	s7 =	sshra.s32 s7, $0x2;
	s19 =	sadd.s32 $0x6400, s1  }
0x159: {  	[hbm4b:s10+s3] =	stream.linear.scatter [tilespmem:s19], [sflag:$0x8], $0x80, $0x38;
	[tilespmem:$0x8600] =	vst v63  }
0x15a: {  	p1 =	sne.s32 s15, $0x7700;
	s15 =	sadd.s32 $0x6488, s1;
	s19 =	sadd.s32 $0x10, s10  }
0x15b: {  	[hbm4b:s19+s3] =	stream.linear.scatter [tilespmem:s15], [sflag:$0x8], $0x80, $0x38;
	[tilespmem:$0x8600] =	vst v63  }
0x15c: {  	s15 =	sadd.s32 $0x6510, s1;
	s19 =	sadd.s32 $0x20, s10  }
0x15d: {  	[hbm4b:s19+s3] =	stream.linear.scatter [tilespmem:s15], [sflag:$0x8], $0x80, $0x38;
	[tilespmem:$0x8600] =	vst v63  }
0x15e: {  	s15 =	sadd.s32 $0x6598, s1;
	s19 =	sadd.s32 $0x30, s10  }
0x15f: {  	[hbm4b:s19+s3] =	stream.linear.scatter [tilespmem:s15], [sflag:$0x8], $0x80, $0x38;
	[tilespmem:$0x8600] =	vst v63  }
0x160: {  	s15 =	sadd.s32 $0x6620, s1;
	s19 =	sadd.s32 $0x40, s10  }
0x161: {  	[hbm4b:s19+s3] =	stream.linear.scatter [tilespmem:s15], [sflag:$0x8], $0x80, $0x38;
	[tilespmem:$0x8600] =	vst v63  }
0x162: {  	s15 =	sadd.s32 $0x66A8, s1;
	s19 =	sadd.s32 $0x50, s10  }
0x163: {  	[hbm4b:s19+s3] =	stream.linear.scatter [tilespmem:s15], [sflag:$0x8], $0x80, $0x38;
	[tilespmem:$0x8600] =	vst v63  }
.Ltmp5:
0x164: {  	_ = 	snop;
	(pc) =	sbr.rel @p1 .LBB2_9-.Ltmp5, $4  }
0x165: {  	s15 =	sadd.s32 $0x6730, s1;
	s19 =	sadd.s32 $0x60, s10  }
0x166: {  	[hbm4b:s19+s3] =	stream.linear.scatter [tilespmem:s15], [sflag:$0x8], $0x80, $0x38;
	[tilespmem:$0x8600] =	vst v63  }
0x167: {  	s19 =	sadd.s32 $0x67B8, s1  }
0x168: {  	s1 =	sadd.s32 $0x70, s10;
	s10 =	sadd.s32 $0x1000, s10;
	s15 =	smov.u32 s17  }
0x169: {  	[hbm4b:s1+s3] =	stream.linear.scatter [tilespmem:s19], [sflag:$0x8], $0x80, $0x38;
	[tilespmem:$0x8600] =	vst v63  }
0x16a: {  	s17 =	sadd.s32 $0x6400, s7  }
0x16b: {  	[hbm4b:s10+s3] =	stream.linear.scatter [tilespmem:s17], [sflag:$0x8], $0x80, $0x38;
	[tilespmem:$0x8600] =	vst v63  }
0x16c: {  	s19 =	sadd.s32 $0x6488, s7;
	s15 =	sadd.s32 $0x10, s10  }
0x16d: {  	[hbm4b:s15+s3] =	stream.linear.scatter [tilespmem:s19], [sflag:$0x8], $0x80, $0x38;
	[tilespmem:$0x8600] =	vst v63  }
0x16e: {  	s17 =	sadd.s32 $0x6510, s7;
	s19 =	sadd.s32 $0x20, s10  }
0x16f: {  	[hbm4b:s19+s3] =	stream.linear.scatter [tilespmem:s17], [sflag:$0x8], $0x80, $0x38;
	[tilespmem:$0x8600] =	vst v63  }
0x170: {  	s17 =	sadd.s32 $0x6598, s7;
	s19 =	sadd.s32 $0x30, s10  }
0x171: {  	[hbm4b:s19+s3] =	stream.linear.scatter [tilespmem:s17], [sflag:$0x8], $0x80, $0x38;
	[tilespmem:$0x8600] =	vst v63  }
0x172: {  	s17 =	sadd.s32 $0x6620, s7;
	s19 =	sadd.s32 $0x40, s10  }
0x173: {  	[hbm4b:s19+s3] =	stream.linear.scatter [tilespmem:s17], [sflag:$0x8], $0x80, $0x38;
	[tilespmem:$0x8600] =	vst v63  }
0x174: {  	s17 =	sadd.s32 $0x66A8, s7;
	s19 =	sadd.s32 $0x50, s10  }
0x175: {  	[hbm4b:s19+s3] =	stream.linear.scatter [tilespmem:s17], [sflag:$0x8], $0x80, $0x38;
	[tilespmem:$0x8600] =	vst v63  }
0x176: {  	s17 =	sadd.s32 $0x6730, s7;
	s19 =	sadd.s32 $0x60, s10  }
0x177: {  	[hbm4b:s19+s3] =	stream.linear.scatter [tilespmem:s17], [sflag:$0x8], $0x80, $0x38;
	[tilespmem:$0x8600] =	vst v63  }
0x178: {  	s15 =	simm.s32 $0x1;
	s17 =	sadd.s32 $0x67B8, s7;
	s19 =	sadd.s32 $0x70, s10  }
0x179: {  	[hbm4b:s19+s3] =	stream.linear.scatter [tilespmem:s17], [sflag:$0x8], $0x80, $0x38;
	[tilespmem:$0x8600] =	vst v63  }
0x17a: {  	v34 =	vmov s15;
	s15 =	simm.s32 $0x7;
	_ =	swait.ge [sflag:s29], $0x80  }
0x17b: {  	v38 =	vmov s15;
	[sflag:s29] =	ssyncset.done $0x0  }
0x17c: {  	v34 =	vshrl.u32 v34, $0x3;
	v38 =	vshrl.u32 v38, $0x3;
	[sflag:s29] =	ssyncadd.s32 $0xFFFFFF80  }
0x17d: {  	v34 =	vshll.u32 v34, v1;
	v38 =	vshll.u32 v38, v1;
	[tilespmem:s22], [sflag:$0x6] =	stream.indirect.gather [hbm4b:s5+s16], $0x40, s18, s16, $0xb8;
	[tilespmem:$0x8600] =	vst v63  }
0x17e: {  	v45 =	vbroadcast v34, $0x0;
	v38 =	vbroadcast v38, $0x0;
	s10 =	simm.s32 $0x0;
	_ =	swait.ge [sflag:s30], $0x2000  }
0x17f: {  	v33 =	vmov s10;
	s10 =	simm.s32 $0x4;
	[sflag:s30] =	ssyncset.done $0x0  }
0x180: {  	v47 =	vadd.s32 v5, v45;
	v42 =	vadd.s32 v29, v38;
	s17 =	simm.s32 $0x2;
	v33 =	vshrl.u32 v33, $0x3;
	s19 =	simm.s32 $0x3;
	[sflag:s30] =	ssyncadd.s32 $0xFFFFE000  }
0x181: {  	v37 =	vmov s10;
	v35 =	vmov s17;
	v36 =	vmov s19;
	s17 =	simm.s32 $0x5;
	_ =	swait.ge [sflag:s23], $0x2000  }
0x182: {  	s19 =	simm.s32 $0x6;
	v33 =	vshll.u32 v33, v1;
	v37 =	vshrl.u32 v37, $0x3;
	v39 =	vmov s17;
	[sflag:s23] =	ssyncset.done $0x0  }
0x183: {  	s10 =	simm.s32 $0x300;
	v40 =	vmov s19;
	v35 =	vshrl.u32 v35, $0x3;
	v33 =	vbroadcast v33, $0x0;
	[sflag:s23] =	ssyncadd.s32 $0xFFFFE000  }
0x184: {  	v36 =	vshrl.u32 v36, $0x3;
	v54 =	vshll.u32 v37, v1;
	v52 =	vshll.u32 v35, v1;
	v41 =	vld [tilespmem:s10+$0xC0]  }
0x185: {  	v53 =	vshll.u32 v36, v1;
	v44 =	vadd.s32 v0, v33;
	v52 =	vbroadcast v52, $0x0;
	v43 =	vld [tilespmem:s10+$0xFFFFFF00]  }
0x186: {  	v34 =	vbroadcast v54, $0x0;
	v55 =	vshrl.u32 v39, $0x3;
	v35 =	vbroadcast v53, $0x0;
	v46 =	vld [tilespmem:s10+$0xFFFFFF40]  }
0x187: {  	v40 =	vshrl.u32 v40, $0x3;
	v36 =	vshll.u32 v55, v1;
	v49 =	vadd.s32 v9, v52;
	v48 =	vld [tilespmem:s10+$0xFFFFFF80]  }
0x188: {  	v56 =	vshll.u32 v40, v1;
	v37 =	vbroadcast v36, $0x0;
	v50 =	vadd.s32 v13, v35;
	v39 =	vld [tilespmem:s10+$0xFFFFFFC0]  }
0x189: {  	v53 =	vadd.s32 v17, v34;
	v36 =	vbroadcast v56, $0x0;
	v51 =	vld [tilespmem:s10+$0x0];
	[tilespmem:v42+s24+$0x0] =	vst.idx.msk $0xffff, v41  }
0x18a: {  	v60 =	vadd.s32 v21, v37;
	v59 =	vld [tilespmem:s10+$0x40];
	[tilespmem:v44+s24+$0x0] =	vst.idx.msk $0xffff, v43  }
0x18b: {  	v62 =	vadd.s32 v25, v36;
	v61 =	vld [tilespmem:s10+$0x80];
	[tilespmem:v47+s24+$0x0] =	vst.idx.msk $0xffff, v46  }
0x18c: {  	v58 =	vadd.s32 v30, v38;
	[tilespmem:v49+s24+$0x0] =	vst.idx.msk $0xffff, v48;
	v57 =	vld [tilespmem:s10+$0xD0]  }
0x18d: {  	v63 =	vadd.s32 v6, v45;
	[tilespmem:v50+s24+$0x0] =	vst.idx.msk $0xffff, v39;
	v47 =	vld [tilespmem:s10+$0xFFFFFF50]  }
0x18e: {  	v55 =	vadd.s32 v10, v52;
	[tilespmem:v53+s24+$0x0] =	vst.idx.msk $0xffff, v51;
	v54 =	vld [tilespmem:s10+$0xFFFFFF90]  }
0x18f: {  	v56 =	vadd.s32 v14, v35;
	[tilespmem:v60+s24+$0x0] =	vst.idx.msk $0xffff, v59;
	v50 =	vld [tilespmem:s10+$0xFFFFFFD0]  }
0x190: {  	[tilespmem:v62+s24+$0x0] =	vst.idx.msk $0xffff, v61;
	v46 =	vadd.s32 v22, v37;
	v44 =	vld [tilespmem:s10+$0x50]  }
0x191: {  	v59 =	vadd.s32 v18, v34;
	[tilespmem:v58+s24+$0x0] =	vst.idx.msk $0xffff, v57;
	v58 =	vld [tilespmem:s10+$0x10]  }
0x192: {  	v57 =	vadd.s32 v31, v38;
	[tilespmem:v63+s24+$0x0] =	vst.idx.msk $0xffff, v47;
	v40 =	vld [tilespmem:s10+$0xE0]  }
0x193: {  	v62 =	vadd.s32 v2, v33;
	v61 =	vld [tilespmem:s10+$0xFFFFFF10];
	[tilespmem:v55+s24+$0x0] =	vst.idx.msk $0xffff, v54  }
0x194: {  	v60 =	vadd.s32 v26, v36;
	v63 =	vld [tilespmem:s10+$0x90];
	[tilespmem:v56+s24+$0x0] =	vst.idx.msk $0xffff, v50  }
0x195: {  	v51 =	vadd.s32 v7, v45;
	[tilespmem:v46+s24+$0x0] =	vst.idx.msk $0xffff, v44;
	v50 =	vld [tilespmem:s10+$0xFFFFFF60]  }
0x196: {  	v56 =	vadd.s32 v11, v52;
	v55 =	vld [tilespmem:s10+$0xFFFFFFA0];
	[tilespmem:v59+s24+$0x0] =	vst.idx.msk $0xffff, v58  }
0x197: {  	v58 =	vadd.s32 v15, v35;
	[tilespmem:v57+s24+$0x0] =	vst.idx.msk $0xffff, v40;
	v57 =	vld [tilespmem:s10+$0xFFFFFFE0]  }
0x198: {  	v38 =	vadd.s32 v32, v38;
	[tilespmem:v62+s24+$0x0] =	vst.idx.msk $0xffff, v61;
	v54 =	vld [tilespmem:s10+$0xF0]  }
0x199: {  	s15 =	simm.s32 $0x9;
	[tilespmem:v60+s24+$0x0] =	vst.idx.msk $0xffff, v63;
	v60 =	vadd.s32 v19, v34;
	v59 =	vld [tilespmem:s10+$0x20]  }
0x19a: {  	s19 =	simm.s32 $0xB;
	v41 =	vadd.s32 v23, v37;
	v53 =	vmov s15;
	[tilespmem:v51+s24+$0x0] =	vst.idx.msk $0xffff, v50;
	v40 =	vld [tilespmem:s10+$0x60]  }
0x19b: {  	s7 =	simm.s32 $0x8;
	v43 =	vadd.s32 v27, v36;
	s15 =	simm.s32 $0xC;
	v48 =	vadd.s32 v3, v33;
	v44 =	vmov s19;
	v42 =	vld [tilespmem:s10+$0xA0];
	[tilespmem:v56+s24+$0x0] =	vst.idx.msk $0xffff, v55  }
0x19c: {  	s17 =	simm.s32 $0xA;
	v47 =	vmov s15;
	v52 =	vadd.s32 v12, v52;
	v46 =	vld [tilespmem:s10+$0xFFFFFF20];
	v63 =	vmov s7;
	[tilespmem:v58+s24+$0x0] =	vst.idx.msk $0xffff, v57  }
0x19d: {  	s19 =	simm.s32 $0xE;
	v39 =	vshrl.u32 v63, $0x3;
	v51 =	vadd.s32 v8, v45;
	v49 =	vld [tilespmem:s10+$0xFFFFFF70];
	[tilespmem:v38+s24+$0x0] =	vst.idx.msk $0xffff, v54;
	v54 =	vmov s17;
	s17 =	simm.s32 $0xD  }
0x19e: {  	s15 =	simm.s32 $0xF;
	s7 =	simm.s32 $0x10;
	v45 =	vshll.u32 v39, v1;
	v39 =	vmov s19;
	v50 =	vld [tilespmem:s10+$0xFFFFFFB0];
	[tilespmem:v60+s24+$0x0] =	vst.idx.msk $0xffff, v59;
	v38 =	vmov s17  }
.LBB2_11:
0x19f: {  	p1 =	slt.u32 s7, $0x78;
	v53 =	vshrl.u32 v53, $0x3;
	v55 =	vmov s15;
	v56 =	vld [tilespmem:s10+$0xFFFFFFF0];
	v35 =	vadd.s32 v16, v35;
	[tilespmem:v41+s24+$0x0] =	vst.idx.msk $0xffff, v40  }
0x1a0: {  	v40 =	vshrl.u32 v54, $0x3;
	v34 =	vadd.s32 v20, v34;
	v41 =	vshrl.u32 v55, $0x3;
	v54 =	vld [tilespmem:s10+$0x30];
	[tilespmem:v43+s24+$0x0] =	vst.idx.msk $0xffff, v42  }
0x1a1: {  	v37 =	vadd.s32 v24, v37;
	v42 =	vshrl.u32 v44, $0x3;
	v41 =	vshll.u32 v41, v1;
	[tilespmem:v48+s24+$0x0] =	vst.idx.msk $0xffff, v46;
	v43 =	vld [tilespmem:s10+$0x70]  }
0x1a2: {  	v36 =	vadd.s32 v28, v36;
	v44 =	vshrl.u32 v47, $0x3;
	v41 =	vbroadcast v41, $0x0;
	[tilespmem:v51+s24+$0x0] =	vst.idx.msk $0xffff, v49;
	v46 =	vld [tilespmem:s10+$0xB0]  }
0x1a3: {  	v47 =	vshll.u32 v53, v1;
	v49 =	vadd.s32 v4, v33;
	v33 =	vbroadcast v45, $0x0;
	v48 =	vld [tilespmem:s10+$0xFFFFFF30];
	[tilespmem:v52+s24+$0x0] =	vst.idx.msk $0xffff, v50;
	s10 =	sadd.s32 $0x200, s10  }
0x1a4: {  	v40 =	vshll.u32 v40, v1;
	v45 =	vbroadcast v47, $0x0;
	v47 =	vld [tilespmem:s10+$0xC0];
	v50 =	vadd.s32 v29, v41;
	[tilespmem:v35+s24+$0x0] =	vst.idx.msk $0xffff, v56  }
0x1a5: {  	v55 =	vbroadcast v40, $0x0;
	v52 =	vadd.s32 v0, v33;
	v35 =	vshll.u32 v42, v1;
	v51 =	vld [tilespmem:s10+$0xFFFFFF00];
	[tilespmem:v34+s24+$0x0] =	vst.idx.msk $0xffff, v54  }
0x1a6: {  	v42 =	vadd.s32 v5, v45;
	v35 =	vbroadcast v35, $0x0;
	v34 =	vshll.u32 v44, v1;
	v40 =	vld [tilespmem:s10+$0xFFFFFF40];
	[tilespmem:v37+s24+$0x0] =	vst.idx.msk $0xffff, v43  }
0x1a7: {  	v44 =	vadd.s32 v9, v55;
	v34 =	vbroadcast v34, $0x0;
	v37 =	vshrl.u32 v38, $0x3;
	v43 =	vld [tilespmem:s10+$0xFFFFFF80];
	[tilespmem:v36+s24+$0x0] =	vst.idx.msk $0xffff, v46  }
0x1a8: {  	v39 =	vshrl.u32 v39, $0x3;
	v46 =	vadd.s32 v13, v35;
	v36 =	vshll.u32 v37, v1;
	v38 =	vld [tilespmem:s10+$0xFFFFFFC0];
	[tilespmem:v49+s24+$0x0] =	vst.idx.msk $0xffff, v48  }
0x1a9: {  	v49 =	vadd.s32 v17, v34;
	v37 =	vbroadcast v36, $0x0;
	v36 =	vshll.u32 v39, v1;
	v48 =	vld [tilespmem:s10+$0x0];
	[tilespmem:v50+s24+$0x0] =	vst.idx.msk $0xffff, v47  }
0x1aa: {  	v36 =	vbroadcast v36, $0x0;
	v47 =	vadd.s32 v30, v41;
	[tilespmem:v52+s24+$0x0] =	vst.idx.msk $0xffff, v51;
	v39 =	vld [tilespmem:s10+$0xD0]  }
0x1ab: {  	[tilespmem:v42+s24+$0x0] =	vst.idx.msk $0xffff, v40;
	v40 =	vld [tilespmem:s10+$0x40];
	v42 =	vadd.s32 v21, v37  }
0x1ac: {  	[tilespmem:v44+s24+$0x0] =	vst.idx.msk $0xffff, v43;
	v43 =	vld [tilespmem:s10+$0x80];
	v44 =	vadd.s32 v25, v36  }
0x1ad: {  	v51 =	vadd.s32 v6, v45;
	v50 =	vld [tilespmem:s10+$0xFFFFFF50];
	[tilespmem:v46+s24+$0x0] =	vst.idx.msk $0xffff, v38  }
0x1ae: {  	v46 =	vadd.s32 v10, v55;
	v38 =	vld [tilespmem:s10+$0xFFFFFF90];
	[tilespmem:v49+s24+$0x0] =	vst.idx.msk $0xffff, v48  }
0x1af: {  	v49 =	vadd.s32 v14, v35;
	v48 =	vld [tilespmem:s10+$0xFFFFFFD0];
	[tilespmem:v47+s24+$0x0] =	vst.idx.msk $0xffff, v39  }
0x1b0: {  	[tilespmem:v42+s24+$0x0] =	vst.idx.msk $0xffff, v40;
	v39 =	vld [tilespmem:s10+$0xE0];
	v40 =	vadd.s32 v31, v41  }
0x1b1: {  	v47 =	vadd.s32 v18, v34;
	v42 =	vld [tilespmem:s10+$0x10];
	[tilespmem:v44+s24+$0x0] =	vst.idx.msk $0xffff, v43  }
0x1b2: {  	v44 =	vadd.s32 v22, v37;
	[tilespmem:v51+s24+$0x0] =	vst.idx.msk $0xffff, v50;
	v43 =	vld [tilespmem:s10+$0x50]  }
0x1b3: {  	[tilespmem:v46+s24+$0x0] =	vst.idx.msk $0xffff, v38;
	v38 =	vld [tilespmem:s10+$0x90];
	v46 =	vadd.s32 v26, v36  }
0x1b4: {  	v51 =	vadd.s32 v2, v33;
	v50 =	vld [tilespmem:s10+$0xFFFFFF10];
	[tilespmem:v49+s24+$0x0] =	vst.idx.msk $0xffff, v48  }
0x1b5: {  	v49 =	vadd.s32 v7, v45;
	v48 =	vld [tilespmem:s10+$0xFFFFFF60];
	[tilespmem:v40+s24+$0x0] =	vst.idx.msk $0xffff, v39  }
0x1b6: {  	[tilespmem:v47+s24+$0x0] =	vst.idx.msk $0xffff, v42;
	v39 =	vld [tilespmem:s10+$0xF0];
	v47 =	vadd.s32 v32, v41  }
0x1b7: {  	v56 =	vadd.s32 v11, v55;
	v52 =	vld [tilespmem:s10+$0xFFFFFFA0];
	[tilespmem:v44+s24+$0x0] =	vst.idx.msk $0xffff, v43  }
0x1b8: {  	v58 =	vadd.s32 v15, v35;
	v57 =	vld [tilespmem:s10+$0xFFFFFFE0];
	[tilespmem:v46+s24+$0x0] =	vst.idx.msk $0xffff, v38  }
0x1b9: {  	v60 =	vadd.s32 v19, v34;
	[tilespmem:v51+s24+$0x0] =	vst.idx.msk $0xffff, v50;
	v59 =	vld [tilespmem:s10+$0x20]  }
.Ltmp6:
0x1ba: {  	s1 =	sadd.s32 $0x1, s7;
	v41 =	vadd.s32 v23, v37;
	v38 =	vmov s7;
	[tilespmem:v49+s24+$0x0] =	vst.idx.msk $0xffff, v48;
	v40 =	vld [tilespmem:s10+$0x60];
	(pc) =	sbr.rel @p1 .LBB2_11-.Ltmp6, $4  }
0x1bb: {  	s15 =	sadd.s32 $0x3, s7;
	v53 =	vmov s1;
	s1 =	sadd.s32 $0x2, s7;
	v43 =	vadd.s32 v27, v36;
	v50 =	vshrl.u32 v38, $0x3;
	v42 =	vld [tilespmem:s10+$0xA0];
	[tilespmem:v47+s24+$0x0] =	vst.idx.msk $0xffff, v39  }
0x1bc: {  	v54 =	vmov s1;
	s1 =	sadd.s32 $0x4, s7;
	v44 =	vmov s15;
	s15 =	sadd.s32 $0x5, s7;
	v48 =	vadd.s32 v3, v33;
	v46 =	vld [tilespmem:s10+$0xFFFFFF20];
	[tilespmem:v56+s24+$0x0] =	vst.idx.msk $0xffff, v52  }
0x1bd: {  	v38 =	vmov s15;
	v51 =	vadd.s32 v8, v45;
	v47 =	vmov s1;
	s1 =	sadd.s32 $0x6, s7;
	v49 =	vld [tilespmem:s10+$0xFFFFFF70];
	[tilespmem:v58+s24+$0x0] =	vst.idx.msk $0xffff, v57  }
0x1be: {  	s15 =	sadd.s32 $0x7, s7;
	v45 =	vshll.u32 v50, v1;
	s7 =	sadd.s32 $0x8, s7;
	v39 =	vmov s1;
	v52 =	vadd.s32 v12, v55;
	v50 =	vld [tilespmem:s10+$0xFFFFFFB0];
	[tilespmem:v60+s24+$0x0] =	vst.idx.msk $0xffff, v59  }
0x1bf: {  	_ =	sdelay $0x2  }
0x1c0: {  	v53 =	vshrl.u32 v53, $0x3  }
0x1c1: {  	v55 =	vmov s15;
	v56 =	vld [tilespmem:s10+$0xFFFFFFF0];
	v35 =	vadd.s32 v16, v35;
	[tilespmem:v41+s24+$0x0] =	vst.idx.msk $0xffff, v40;
	v57 =	vshrl.u32 v54, $0x3  }
0x1c2: {  	v59 =	vld [tilespmem:s10+$0x30];
	v34 =	vadd.s32 v20, v34;
	v60 =	vshrl.u32 v44, $0x3;
	v58 =	vshrl.u32 v55, $0x3;
	[tilespmem:v43+s24+$0x0] =	vst.idx.msk $0xffff, v42  }
0x1c3: {  	v37 =	vadd.s32 v24, v37;
	v62 =	vshrl.u32 v47, $0x3;
	v61 =	vld [tilespmem:s10+$0x70];
	v41 =	vshll.u32 v58, v1;
	[tilespmem:v48+s24+$0x0] =	vst.idx.msk $0xffff, v46  }
0x1c4: {  	v36 =	vadd.s32 v28, v36;
	v45 =	vbroadcast v45, $0x0;
	v63 =	vld [tilespmem:s10+$0xB0];
	v41 =	vbroadcast v41, $0x0;
	[tilespmem:v51+s24+$0x0] =	vst.idx.msk $0xffff, v49  }
0x1c5: {  	v33 =	vadd.s32 v4, v33;
	s7 =	sadd.s32 $0x200, s10;
	v38 =	vshrl.u32 v38, $0x3;
	v55 =	vshll.u32 v53, v1;
	v48 =	vld [tilespmem:s10+$0xFFFFFF30];
	[tilespmem:v52+s24+$0x0] =	vst.idx.msk $0xffff, v50  }
0x1c6: {  	v40 =	vshll.u32 v57, v1;
	v47 =	vbroadcast v55, $0x0;
	v49 =	vld [tilespmem:s7+$0xC0];
	v50 =	vadd.s32 v29, v41;
	[tilespmem:v35+s24+$0x0] =	vst.idx.msk $0xffff, v56  }
0x1c7: {  	v42 =	vshll.u32 v60, v1;
	v40 =	vbroadcast v40, $0x0;
	v35 =	vld [tilespmem:s7+$0xFFFFFF00];
	v56 =	vadd.s32 v0, v45;
	[tilespmem:v34+s24+$0x0] =	vst.idx.msk $0xffff, v59  }
0x1c8: {  	v57 =	vld [tilespmem:s7+$0xFFFFFF40];
	v44 =	vshll.u32 v62, v1;
	v42 =	vbroadcast v42, $0x0;
	v58 =	vadd.s32 v5, v47;
	[tilespmem:v37+s24+$0x0] =	vst.idx.msk $0xffff, v61  }
0x1c9: {  	v38 =	vshll.u32 v38, v1;
	v44 =	vbroadcast v44, $0x0;
	v60 =	vadd.s32 v9, v40;
	v59 =	vld [tilespmem:s7+$0xFFFFFF80];
	[tilespmem:v36+s24+$0x0] =	vst.idx.msk $0xffff, v63  }
0x1ca: {  	v38 =	vbroadcast v38, $0x0;
	v62 =	vadd.s32 v13, v42;
	v61 =	vld [tilespmem:s7+$0xFFFFFFC0];
	[tilespmem:v33+s24+$0x0] =	vst.idx.msk $0xffff, v48  }
0x1cb: {  	v39 =	vshrl.u32 v39, $0x3;
	v63 =	vadd.s32 v17, v44;
	v33 =	vld [tilespmem:s7+$0x0];
	[tilespmem:v50+s24+$0x0] =	vst.idx.msk $0xffff, v49  }
0x1cc: {  	v39 =	vshll.u32 v39, v1;
	v34 =	vld [tilespmem:s7+$0x40];
	[tilespmem:v56+s24+$0x0] =	vst.idx.msk $0xffff, v35;
	v56 =	vadd.s32 v21, v38  }
0x1cd: {  	[tilespmem:v58+s24+$0x0] =	vst.idx.msk $0xffff, v57;
	v35 =	vbroadcast v39, $0x0;
	v49 =	vadd.s32 v30, v41;
	v39 =	vld [tilespmem:s7+$0xD0]  }
0x1ce: {  	[tilespmem:v60+s24+$0x0] =	vst.idx.msk $0xffff, v59;
	v59 =	vld [tilespmem:s7+$0xFFFFFF50];
	v60 =	vadd.s32 v6, v47  }
0x1cf: {  	v57 =	vld [tilespmem:s7+$0x80];
	[tilespmem:v62+s24+$0x0] =	vst.idx.msk $0xffff, v61;
	v58 =	vadd.s32 v25, v35  }
0x1d0: {  	v61 =	vld [tilespmem:s7+$0xFFFFFF90];
	v62 =	vadd.s32 v10, v40;
	[tilespmem:v63+s24+$0x0] =	vst.idx.msk $0xffff, v33  }
0x1d1: {  	v33 =	vld [tilespmem:s7+$0xFFFFFFD0];
	v63 =	vadd.s32 v14, v42;
	[tilespmem:v56+s24+$0x0] =	vst.idx.msk $0xffff, v34  }
0x1d2: {  	v56 =	vadd.s32 v18, v44;
	[tilespmem:v49+s24+$0x0] =	vst.idx.msk $0xffff, v39;
	v49 =	vld [tilespmem:s7+$0x10]  }
0x1d3: {  	[tilespmem:v60+s24+$0x0] =	vst.idx.msk $0xffff, v59;
	v39 =	vadd.s32 v31, v41;
	v34 =	vld [tilespmem:s7+$0xE0]  }
0x1d4: {  	[tilespmem:v58+s24+$0x0] =	vst.idx.msk $0xffff, v57;
	v57 =	vld [tilespmem:s7+$0x50];
	v58 =	vadd.s32 v22, v38  }
0x1d5: {  	[tilespmem:v62+s24+$0x0] =	vst.idx.msk $0xffff, v61;
	v61 =	vld [tilespmem:s7+$0xFFFFFF10];
	v62 =	vadd.s32 v2, v45  }
0x1d6: {  	v60 =	vadd.s32 v26, v35;
	v59 =	vld [tilespmem:s7+$0x90];
	[tilespmem:v63+s24+$0x0] =	vst.idx.msk $0xffff, v33  }
0x1d7: {  	v55 =	vadd.s32 v11, v40;
	v54 =	vadd.s32 v32, v41;
	v41 =	vld [tilespmem:s7+$0xFFFFFFA0];
	[tilespmem:v56+s24+$0x0] =	vst.idx.msk $0xffff, v49  }
0x1d8: {  	v53 =	vadd.s32 v7, v47;
	v63 =	vld [tilespmem:s7+$0xFFFFFF60];
	[tilespmem:v39+s24+$0x0] =	vst.idx.msk $0xffff, v34  }
0x1d9: {  	v56 =	vld [tilespmem:s7+$0xFFFFFFE0];
	[tilespmem:v58+s24+$0x0] =	vst.idx.msk $0xffff, v57;
	v57 =	vadd.s32 v15, v42  }
0x1da: {  	[tilespmem:v62+s24+$0x0] =	vst.idx.msk $0xffff, v61;
	v34 =	vld [tilespmem:s7+$0xF0]  }
0x1db: {  	v58 =	vld [tilespmem:s7+$0x20];
	[tilespmem:v60+s24+$0x0] =	vst.idx.msk $0xffff, v59;
	v59 =	vadd.s32 v19, v44  }
0x1dc: {  	v61 =	vadd.s32 v23, v38;
	[tilespmem:v55+s24+$0x0] =	vst.idx.msk $0xffff, v41;
	v60 =	vld [tilespmem:s7+$0x60]  }
0x1dd: {  	[tilespmem:v53+s24+$0x0] =	vst.idx.msk $0xffff, v63;
	v63 =	vadd.s32 v27, v35;
	v62 =	vld [tilespmem:s7+$0xA0]  }
0x1de: {  	v47 =	vadd.s32 v8, v47;
	v55 =	vld [tilespmem:s7+$0xFFFFFF70];
	[tilespmem:v57+s24+$0x0] =	vst.idx.msk $0xffff, v56  }
0x1df: {  	v53 =	vld [tilespmem:s7+$0xFFFFFF20];
	[tilespmem:v54+s24+$0x0] =	vst.idx.msk $0xffff, v34;
	v54 =	vadd.s32 v3, v45  }
0x1e0: {  	v40 =	vadd.s32 v12, v40;
	v56 =	vld [tilespmem:s7+$0xFFFFFFB0];
	[tilespmem:v59+s24+$0x0] =	vst.idx.msk $0xffff, v58  }
0x1e1: {  	v42 =	vadd.s32 v16, v42;
	v57 =	vld [tilespmem:s7+$0xFFFFFFF0];
	[tilespmem:v61+s24+$0x0] =	vst.idx.msk $0xffff, v60  }
0x1e2: {  	v59 =	vadd.s32 v20, v44;
	v58 =	vld [tilespmem:s7+$0x30];
	[tilespmem:v63+s24+$0x0] =	vst.idx.msk $0xffff, v62  }
0x1e3: {  	v38 =	vadd.s32 v24, v38;
	v60 =	vld [tilespmem:s7+$0x70];
	[tilespmem:v47+s24+$0x0] =	vst.idx.msk $0xffff, v55  }
0x1e4: {  	v35 =	vadd.s32 v28, v35;
	v61 =	vld [tilespmem:s7+$0xB0];
	[tilespmem:v54+s24+$0x0] =	vst.idx.msk $0xffff, v53  }
0x1e5: {  	v63 =	vadd.s32 v4, v45;
	[tilespmem:v40+s24+$0x0] =	vst.idx.msk $0xffff, v56;
	v62 =	vld [tilespmem:s7+$0xFFFFFF30]  }
0x1e6: {  	[tilespmem:v42+s24+$0x0] =	vst.idx.msk $0xffff, v57  }
0x1e7: {  	s1 =	sadd.s32 @!p0 s8, s13;
	[tilespmem:v59+s24+$0x0] =	vst.idx.msk $0xffff, v58  }
0x1e8: {  	s17 =	sadd.s32 s6, s9;
	s1 =	sshll.u32 @!p0 s1, $0x4;
	[tilespmem:v38+s24+$0x0] =	vst.idx.msk $0xffff, v60  }
0x1e9: {  	s19 =	sshll.u32 s17, $0x7;
	s1 =	sand.u32 @!p0 $0xFFFFFE0, s1;
	[tilespmem:v35+s24+$0x0] =	vst.idx.msk $0xffff, v61  }
0x1ea: {  	s1 =	sadd.s32 @!p0 s4, s1;
	s10 =	simm.s32 @!p0 $0x100;
	s7 =	simm.s32 @!p0 $0x0;
	[tilespmem:v63+s24+$0x0] =	vst.idx.msk $0xffff, v62  }
0x1eb: {  	[tilespmem:s10], [sflag:$0x3] =	stream.linear.gather @!p0 [hbm4b:s1+s7], $0x80, $0x38;
	[tilespmem:$0x8600] =	vst v63  }
0x1ec: {  	s1 =	sshll.u32 s17, $0xA;
	s7 =	sand.u32 $0xF00, s19  }
0x1ed: {  	s1 =	sand.u32 $0xFFF8000, s1;
	s7 =	sadd.s32 s2, s7  }
0x1ee: {  	s9 =	simm.s32 $0x4200;
	s10 =	sadd.s32 s1, s7  }
0x1ef: {  	[hbm4b:s10+s3] =	stream.linear.scatter [tilespmem:s9], [sflag:$0x7], $0x80, $0x38;
	[tilespmem:$0x8600] =	vst v63  }
0x1f0: {  	s15 =	simm.s32 $0x4288;
	s7 =	sadd.s32 $0x10, s10  }
0x1f1: {  	[hbm4b:s7+s3] =	stream.linear.scatter [tilespmem:s15], [sflag:$0x7], $0x80, $0x38;
	[tilespmem:$0x8600] =	vst v63  }
0x1f2: {  	s17 =	simm.s32 $0x4310;
	s19 =	sadd.s32 $0x20, s10  }
0x1f3: {  	[hbm4b:s19+s3] =	stream.linear.scatter [tilespmem:s17], [sflag:$0x7], $0x80, $0x38;
	[tilespmem:$0x8600] =	vst v63  }
0x1f4: {  	s9 =	simm.s32 $0x4398;
	s15 =	sadd.s32 $0x30, s10  }
0x1f5: {  	[hbm4b:s15+s3] =	stream.linear.scatter [tilespmem:s9], [sflag:$0x7], $0x80, $0x38;
	[tilespmem:$0x8600] =	vst v63  }
0x1f6: {  	s1 =	sadd.s32 $0x70, s10;
	s17 =	simm.s32 $0x4420;
	s19 =	sadd.s32 $0x40, s10  }
0x1f7: {  	[hbm4b:s19+s3] =	stream.linear.scatter [tilespmem:s17], [sflag:$0x7], $0x80, $0x38;
	[tilespmem:$0x8600] =	vst v63  }
0x1f8: {  	s7 =	simm.s32 $0x440;
	s9 =	simm.s32 $0x44A8;
	s15 =	sadd.s32 $0x50, s10  }
0x1f9: {  	[hbm4b:s15+s3] =	stream.linear.scatter [tilespmem:s9], [sflag:$0x7], $0x80, $0x38;
	[tilespmem:$0x8600] =	vst v63  }
0x1fa: {  	s17 =	simm.s32 $0x4530;
	s19 =	sadd.s32 $0x60, s10;
	s10 =	sadd.s32 $0x1000, s10  }
0x1fb: {  	[hbm4b:s19+s3] =	stream.linear.scatter [tilespmem:s17], [sflag:$0x7], $0x80, $0x38;
	[tilespmem:$0x8600] =	vst v63  }
0x1fc: {  	s9 =	sor.u32 $0x3, s8;
	s15 =	simm.s32 $0x2200;
	s19 =	simm.s32 $0x45B8  }
.LBB2_13:
0x1fd: {  	[hbm4b:s1+s3] =	stream.linear.scatter [tilespmem:s19], [sflag:$0x7], $0x80, $0x38;
	[tilespmem:$0x8600] =	vst v63  }
0x1fe: {  	s1 =	smov.u32 s7;
	s7 =	smov.u32 s15  }
0x1ff: {  	s17 =	sadd.s32 $0x1100, s15;
	s7 =	sshra.s32 s7, $0x2;
	s19 =	sadd.s32 $0x4200, s1  }
0x200: {  	[hbm4b:s10+s3] =	stream.linear.scatter [tilespmem:s19], [sflag:$0x7], $0x80, $0x38;
	[tilespmem:$0x8600] =	vst v63  }
0x201: {  	p1 =	sne.s32 s15, $0x7700;
	s15 =	sadd.s32 $0x4288, s1;
	s19 =	sadd.s32 $0x10, s10  }
0x202: {  	[hbm4b:s19+s3] =	stream.linear.scatter [tilespmem:s15], [sflag:$0x7], $0x80, $0x38;
	[tilespmem:$0x8600] =	vst v63  }
0x203: {  	s15 =	sadd.s32 $0x4310, s1;
	s19 =	sadd.s32 $0x20, s10  }
0x204: {  	[hbm4b:s19+s3] =	stream.linear.scatter [tilespmem:s15], [sflag:$0x7], $0x80, $0x38;
	[tilespmem:$0x8600] =	vst v63  }
0x205: {  	s15 =	sadd.s32 $0x4398, s1;
	s19 =	sadd.s32 $0x30, s10  }
0x206: {  	[hbm4b:s19+s3] =	stream.linear.scatter [tilespmem:s15], [sflag:$0x7], $0x80, $0x38;
	[tilespmem:$0x8600] =	vst v63  }
0x207: {  	s15 =	sadd.s32 $0x4420, s1;
	s19 =	sadd.s32 $0x40, s10  }
0x208: {  	[hbm4b:s19+s3] =	stream.linear.scatter [tilespmem:s15], [sflag:$0x7], $0x80, $0x38;
	[tilespmem:$0x8600] =	vst v63  }
0x209: {  	s15 =	sadd.s32 $0x44A8, s1;
	s19 =	sadd.s32 $0x50, s10  }
0x20a: {  	[hbm4b:s19+s3] =	stream.linear.scatter [tilespmem:s15], [sflag:$0x7], $0x80, $0x38;
	[tilespmem:$0x8600] =	vst v63  }
.Ltmp7:
0x20b: {  	_ = 	snop;
	(pc) =	sbr.rel @p1 .LBB2_13-.Ltmp7, $4  }
0x20c: {  	s15 =	sadd.s32 $0x4530, s1;
	s19 =	sadd.s32 $0x60, s10  }
0x20d: {  	[hbm4b:s19+s3] =	stream.linear.scatter [tilespmem:s15], [sflag:$0x7], $0x80, $0x38;
	[tilespmem:$0x8600] =	vst v63  }
0x20e: {  	s19 =	sadd.s32 $0x45B8, s1  }
0x20f: {  	s1 =	sadd.s32 $0x70, s10;
	s10 =	sadd.s32 $0x1000, s10;
	s15 =	smov.u32 s17  }
0x210: {  	[hbm4b:s1+s3] =	stream.linear.scatter [tilespmem:s19], [sflag:$0x7], $0x80, $0x38;
	[tilespmem:$0x8600] =	vst v63  }
0x211: {  	s17 =	sadd.s32 $0x4200, s7  }
0x212: {  	[hbm4b:s10+s3] =	stream.linear.scatter [tilespmem:s17], [sflag:$0x7], $0x80, $0x38;
	[tilespmem:$0x8600] =	vst v63  }
0x213: {  	s19 =	sadd.s32 $0x4288, s7;
	s15 =	sadd.s32 $0x10, s10  }
0x214: {  	[hbm4b:s15+s3] =	stream.linear.scatter [tilespmem:s19], [sflag:$0x7], $0x80, $0x38;
	[tilespmem:$0x8600] =	vst v63  }
0x215: {  	s17 =	sadd.s32 $0x4310, s7;
	s19 =	sadd.s32 $0x20, s10  }
0x216: {  	[hbm4b:s19+s3] =	stream.linear.scatter [tilespmem:s17], [sflag:$0x7], $0x80, $0x38;
	[tilespmem:$0x8600] =	vst v63  }
0x217: {  	s17 =	sadd.s32 $0x4398, s7;
	s19 =	sadd.s32 $0x30, s10  }
0x218: {  	[hbm4b:s19+s3] =	stream.linear.scatter [tilespmem:s17], [sflag:$0x7], $0x80, $0x38;
	[tilespmem:$0x8600] =	vst v63  }
0x219: {  	s17 =	sadd.s32 $0x4420, s7;
	s19 =	sadd.s32 $0x40, s10  }
0x21a: {  	[hbm4b:s19+s3] =	stream.linear.scatter [tilespmem:s17], [sflag:$0x7], $0x80, $0x38;
	[tilespmem:$0x8600] =	vst v63  }
0x21b: {  	s17 =	sadd.s32 $0x44A8, s7;
	s19 =	sadd.s32 $0x50, s10  }
0x21c: {  	[hbm4b:s19+s3] =	stream.linear.scatter [tilespmem:s17], [sflag:$0x7], $0x80, $0x38;
	[tilespmem:$0x8600] =	vst v63  }
0x21d: {  	s1 =	simm.s32 @!p0 $0x1;
	s17 =	sadd.s32 $0x4530, s7;
	s19 =	sadd.s32 $0x60, s10  }
0x21e: {  	[hbm4b:s19+s3] =	stream.linear.scatter [tilespmem:s17], [sflag:$0x7], $0x80, $0x38;
	[tilespmem:$0x8600] =	vst v63  }
0x21f: {  	s15 =	simm.s32 $0x1;
	s17 =	sadd.s32 $0x45B8, s7;
	s19 =	sadd.s32 $0x70, s10  }
0x220: {  	[hbm4b:s19+s3] =	stream.linear.scatter [tilespmem:s17], [sflag:$0x7], $0x80, $0x38;
	[tilespmem:$0x8600] =	vst v63  }
0x221: {  	v34 =	vmov s15;
	s15 =	simm.s32 $0x7;
	_ =	swait.ge @!p0 [sflag:s1], $0x80  }
0x222: {  	v38 =	vmov s15;
	v34 =	vshrl.u32 v34, $0x3;
	s7 =	simm.s32 @!p0 $0x0;
	[sflag:s1] =	ssyncset.done @!p0 $0x0  }
0x223: {  	v38 =	vshrl.u32 v38, $0x3;
	v34 =	vshll.u32 v34, v1;
	s10 =	simm.s32 @!p0 $0x200;
	[sflag:s1] =	ssyncadd.s32 @!p0 $0xFFFFFF80;
	s1 =	simm.s32 @!p0 $0x80  }
0x224: {  	v38 =	vshll.u32 v38, v1;
	v45 =	vbroadcast v34, $0x0;
	[tilespmem:s10], [sflag:$0x5] =	stream.indirect.gather @!p0 [hbm4b:s5+s1], $0x40, s7, s1, $0xb8;
	[tilespmem:$0x8600] =	vst v63  }
0x225: {  	v38 =	vbroadcast v38, $0x0;
	_ =	swait.ge [sflag:s31], $0x2000  }
0x226: {  	v47 =	vadd.s32 v5, v45;
	s17 =	simm.s32 $0x2;
	s10 =	simm.s32 $0x0;
	[sflag:s31] =	ssyncset.done $0x0  }
0x227: {  	v42 =	vadd.s32 v29, v38;
	s19 =	simm.s32 $0x3;
	v35 =	vmov s17;
	s17 =	simm.s32 $0x5;
	v33 =	vmov s10;
	[sflag:s31] =	ssyncadd.s32 $0xFFFFE000  }
0x228: {  	v36 =	vmov s19;
	s19 =	simm.s32 $0x6;
	v39 =	vmov s17;
	v33 =	vshrl.u32 v33, $0x3;
	_ =	swait.ge [sflag:s26], $0x2000  }
0x229: {  	v40 =	vmov s19;
	v35 =	vshrl.u32 v35, $0x3;
	s10 =	simm.s32 $0x4;
	v33 =	vshll.u32 v33, v1;
	[sflag:s26] =	ssyncset.done $0x0  }
0x22a: {  	v36 =	vshrl.u32 v36, $0x3;
	v37 =	vmov s10;
	s10 =	simm.s32 $0x2300;
	v33 =	vbroadcast v33, $0x0;
	[sflag:s26] =	ssyncadd.s32 $0xFFFFE000  }
0x22b: {  	v52 =	vshll.u32 v35, v1;
	v53 =	vshll.u32 v36, v1;
	v55 =	vshrl.u32 v39, $0x3;
	v41 =	vld [tilespmem:s10+$0xC0]  }
0x22c: {  	v52 =	vbroadcast v52, $0x0;
	v37 =	vshrl.u32 v37, $0x3;
	v44 =	vadd.s32 v0, v33;
	v43 =	vld [tilespmem:s10+$0xFFFFFF00]  }
0x22d: {  	v40 =	vshrl.u32 v40, $0x3;
	v35 =	vbroadcast v53, $0x0;
	v54 =	vshll.u32 v37, v1;
	v46 =	vld [tilespmem:s10+$0xFFFFFF40]  }
0x22e: {  	v36 =	vshll.u32 v55, v1;
	v49 =	vadd.s32 v9, v52;
	v34 =	vbroadcast v54, $0x0;
	v48 =	vld [tilespmem:s10+$0xFFFFFF80]  }
0x22f: {  	v56 =	vshll.u32 v40, v1;
	v50 =	vadd.s32 v13, v35;
	v37 =	vbroadcast v36, $0x0;
	v39 =	vld [tilespmem:s10+$0xFFFFFFC0]  }
0x230: {  	v36 =	vbroadcast v56, $0x0;
	v51 =	vld [tilespmem:s10+$0x0];
	v53 =	vadd.s32 v17, v34;
	[tilespmem:v42+s28+$0x0] =	vst.idx.msk $0xffff, v41  }
0x231: {  	v60 =	vadd.s32 v21, v37;
	v59 =	vld [tilespmem:s10+$0x40];
	[tilespmem:v44+s28+$0x0] =	vst.idx.msk $0xffff, v43  }
0x232: {  	v62 =	vadd.s32 v25, v36;
	v61 =	vld [tilespmem:s10+$0x80];
	[tilespmem:v47+s28+$0x0] =	vst.idx.msk $0xffff, v46  }
0x233: {  	v58 =	vadd.s32 v30, v38;
	[tilespmem:v49+s28+$0x0] =	vst.idx.msk $0xffff, v48;
	v57 =	vld [tilespmem:s10+$0xD0]  }
0x234: {  	v63 =	vadd.s32 v6, v45;
	[tilespmem:v50+s28+$0x0] =	vst.idx.msk $0xffff, v39;
	v47 =	vld [tilespmem:s10+$0xFFFFFF50]  }
0x235: {  	v55 =	vadd.s32 v10, v52;
	[tilespmem:v53+s28+$0x0] =	vst.idx.msk $0xffff, v51;
	v54 =	vld [tilespmem:s10+$0xFFFFFF90]  }
0x236: {  	v56 =	vadd.s32 v14, v35;
	[tilespmem:v60+s28+$0x0] =	vst.idx.msk $0xffff, v59;
	v50 =	vld [tilespmem:s10+$0xFFFFFFD0]  }
0x237: {  	[tilespmem:v62+s28+$0x0] =	vst.idx.msk $0xffff, v61;
	v46 =	vadd.s32 v22, v37;
	v44 =	vld [tilespmem:s10+$0x50]  }
0x238: {  	v59 =	vadd.s32 v18, v34;
	[tilespmem:v58+s28+$0x0] =	vst.idx.msk $0xffff, v57;
	v58 =	vld [tilespmem:s10+$0x10]  }
0x239: {  	v57 =	vadd.s32 v31, v38;
	[tilespmem:v63+s28+$0x0] =	vst.idx.msk $0xffff, v47;
	v40 =	vld [tilespmem:s10+$0xE0]  }
0x23a: {  	v62 =	vadd.s32 v2, v33;
	v61 =	vld [tilespmem:s10+$0xFFFFFF10];
	[tilespmem:v55+s28+$0x0] =	vst.idx.msk $0xffff, v54  }
0x23b: {  	v60 =	vadd.s32 v26, v36;
	v63 =	vld [tilespmem:s10+$0x90];
	[tilespmem:v56+s28+$0x0] =	vst.idx.msk $0xffff, v50  }
0x23c: {  	v51 =	vadd.s32 v7, v45;
	[tilespmem:v46+s28+$0x0] =	vst.idx.msk $0xffff, v44;
	v50 =	vld [tilespmem:s10+$0xFFFFFF60]  }
0x23d: {  	v56 =	vadd.s32 v11, v52;
	v55 =	vld [tilespmem:s10+$0xFFFFFFA0];
	[tilespmem:v59+s28+$0x0] =	vst.idx.msk $0xffff, v58  }
0x23e: {  	v58 =	vadd.s32 v15, v35;
	[tilespmem:v57+s28+$0x0] =	vst.idx.msk $0xffff, v40;
	v57 =	vld [tilespmem:s10+$0xFFFFFFE0]  }
0x23f: {  	v38 =	vadd.s32 v32, v38;
	[tilespmem:v62+s28+$0x0] =	vst.idx.msk $0xffff, v61;
	v54 =	vld [tilespmem:s10+$0xF0]  }
0x240: {  	s15 =	simm.s32 $0x9;
	[tilespmem:v60+s28+$0x0] =	vst.idx.msk $0xffff, v63;
	v60 =	vadd.s32 v19, v34;
	v59 =	vld [tilespmem:s10+$0x20]  }
0x241: {  	s19 =	simm.s32 $0xB;
	v41 =	vadd.s32 v23, v37;
	v53 =	vmov s15;
	[tilespmem:v51+s28+$0x0] =	vst.idx.msk $0xffff, v50;
	v40 =	vld [tilespmem:s10+$0x60]  }
0x242: {  	s7 =	simm.s32 $0x8;
	v43 =	vadd.s32 v27, v36;
	s15 =	simm.s32 $0xC;
	v48 =	vadd.s32 v3, v33;
	v44 =	vmov s19;
	v42 =	vld [tilespmem:s10+$0xA0];
	[tilespmem:v56+s28+$0x0] =	vst.idx.msk $0xffff, v55  }
0x243: {  	s17 =	simm.s32 $0xA;
	v47 =	vmov s15;
	v52 =	vadd.s32 v12, v52;
	v46 =	vld [tilespmem:s10+$0xFFFFFF20];
	v63 =	vmov s7;
	[tilespmem:v58+s28+$0x0] =	vst.idx.msk $0xffff, v57  }
0x244: {  	s19 =	simm.s32 $0xE;
	v39 =	vshrl.u32 v63, $0x3;
	v51 =	vadd.s32 v8, v45;
	v49 =	vld [tilespmem:s10+$0xFFFFFF70];
	[tilespmem:v38+s28+$0x0] =	vst.idx.msk $0xffff, v54;
	v54 =	vmov s17;
	s17 =	simm.s32 $0xD  }
0x245: {  	s15 =	simm.s32 $0xF;
	s7 =	simm.s32 $0x10;
	v45 =	vshll.u32 v39, v1;
	v39 =	vmov s19;
	v50 =	vld [tilespmem:s10+$0xFFFFFFB0];
	[tilespmem:v60+s28+$0x0] =	vst.idx.msk $0xffff, v59;
	v38 =	vmov s17  }
.LBB2_15:
0x246: {  	p1 =	slt.u32 s7, $0x78;
	v53 =	vshrl.u32 v53, $0x3;
	v55 =	vmov s15;
	v56 =	vld [tilespmem:s10+$0xFFFFFFF0];
	v35 =	vadd.s32 v16, v35;
	[tilespmem:v41+s28+$0x0] =	vst.idx.msk $0xffff, v40  }
0x247: {  	v40 =	vshrl.u32 v54, $0x3;
	v34 =	vadd.s32 v20, v34;
	v41 =	vshrl.u32 v55, $0x3;
	v54 =	vld [tilespmem:s10+$0x30];
	[tilespmem:v43+s28+$0x0] =	vst.idx.msk $0xffff, v42  }
0x248: {  	v37 =	vadd.s32 v24, v37;
	v42 =	vshrl.u32 v44, $0x3;
	v41 =	vshll.u32 v41, v1;
	[tilespmem:v48+s28+$0x0] =	vst.idx.msk $0xffff, v46;
	v43 =	vld [tilespmem:s10+$0x70]  }
0x249: {  	v36 =	vadd.s32 v28, v36;
	v44 =	vshrl.u32 v47, $0x3;
	v41 =	vbroadcast v41, $0x0;
	[tilespmem:v51+s28+$0x0] =	vst.idx.msk $0xffff, v49;
	v46 =	vld [tilespmem:s10+$0xB0]  }
0x24a: {  	v47 =	vshll.u32 v53, v1;
	v49 =	vadd.s32 v4, v33;
	v33 =	vbroadcast v45, $0x0;
	v48 =	vld [tilespmem:s10+$0xFFFFFF30];
	[tilespmem:v52+s28+$0x0] =	vst.idx.msk $0xffff, v50;
	s10 =	sadd.s32 $0x200, s10  }
0x24b: {  	v40 =	vshll.u32 v40, v1;
	v45 =	vbroadcast v47, $0x0;
	v47 =	vld [tilespmem:s10+$0xC0];
	v50 =	vadd.s32 v29, v41;
	[tilespmem:v35+s28+$0x0] =	vst.idx.msk $0xffff, v56  }
0x24c: {  	v55 =	vbroadcast v40, $0x0;
	v52 =	vadd.s32 v0, v33;
	v35 =	vshll.u32 v42, v1;
	v51 =	vld [tilespmem:s10+$0xFFFFFF00];
	[tilespmem:v34+s28+$0x0] =	vst.idx.msk $0xffff, v54  }
0x24d: {  	v42 =	vadd.s32 v5, v45;
	v35 =	vbroadcast v35, $0x0;
	v34 =	vshll.u32 v44, v1;
	v40 =	vld [tilespmem:s10+$0xFFFFFF40];
	[tilespmem:v37+s28+$0x0] =	vst.idx.msk $0xffff, v43  }
0x24e: {  	v44 =	vadd.s32 v9, v55;
	v34 =	vbroadcast v34, $0x0;
	v37 =	vshrl.u32 v38, $0x3;
	v43 =	vld [tilespmem:s10+$0xFFFFFF80];
	[tilespmem:v36+s28+$0x0] =	vst.idx.msk $0xffff, v46  }
0x24f: {  	v39 =	vshrl.u32 v39, $0x3;
	v46 =	vadd.s32 v13, v35;
	v36 =	vshll.u32 v37, v1;
	v38 =	vld [tilespmem:s10+$0xFFFFFFC0];
	[tilespmem:v49+s28+$0x0] =	vst.idx.msk $0xffff, v48  }
0x250: {  	v49 =	vadd.s32 v17, v34;
	v37 =	vbroadcast v36, $0x0;
	v36 =	vshll.u32 v39, v1;
	v48 =	vld [tilespmem:s10+$0x0];
	[tilespmem:v50+s28+$0x0] =	vst.idx.msk $0xffff, v47  }
0x251: {  	v36 =	vbroadcast v36, $0x0;
	v47 =	vadd.s32 v30, v41;
	[tilespmem:v52+s28+$0x0] =	vst.idx.msk $0xffff, v51;
	v39 =	vld [tilespmem:s10+$0xD0]  }
0x252: {  	[tilespmem:v42+s28+$0x0] =	vst.idx.msk $0xffff, v40;
	v40 =	vld [tilespmem:s10+$0x40];
	v42 =	vadd.s32 v21, v37  }
0x253: {  	[tilespmem:v44+s28+$0x0] =	vst.idx.msk $0xffff, v43;
	v43 =	vld [tilespmem:s10+$0x80];
	v44 =	vadd.s32 v25, v36  }
0x254: {  	v51 =	vadd.s32 v6, v45;
	v50 =	vld [tilespmem:s10+$0xFFFFFF50];
	[tilespmem:v46+s28+$0x0] =	vst.idx.msk $0xffff, v38  }
0x255: {  	v46 =	vadd.s32 v10, v55;
	v38 =	vld [tilespmem:s10+$0xFFFFFF90];
	[tilespmem:v49+s28+$0x0] =	vst.idx.msk $0xffff, v48  }
0x256: {  	v49 =	vadd.s32 v14, v35;
	v48 =	vld [tilespmem:s10+$0xFFFFFFD0];
	[tilespmem:v47+s28+$0x0] =	vst.idx.msk $0xffff, v39  }
0x257: {  	[tilespmem:v42+s28+$0x0] =	vst.idx.msk $0xffff, v40;
	v39 =	vld [tilespmem:s10+$0xE0];
	v40 =	vadd.s32 v31, v41  }
0x258: {  	v47 =	vadd.s32 v18, v34;
	v42 =	vld [tilespmem:s10+$0x10];
	[tilespmem:v44+s28+$0x0] =	vst.idx.msk $0xffff, v43  }
0x259: {  	v44 =	vadd.s32 v22, v37;
	[tilespmem:v51+s28+$0x0] =	vst.idx.msk $0xffff, v50;
	v43 =	vld [tilespmem:s10+$0x50]  }
0x25a: {  	[tilespmem:v46+s28+$0x0] =	vst.idx.msk $0xffff, v38;
	v38 =	vld [tilespmem:s10+$0x90];
	v46 =	vadd.s32 v26, v36  }
0x25b: {  	v51 =	vadd.s32 v2, v33;
	v50 =	vld [tilespmem:s10+$0xFFFFFF10];
	[tilespmem:v49+s28+$0x0] =	vst.idx.msk $0xffff, v48  }
0x25c: {  	v49 =	vadd.s32 v7, v45;
	v48 =	vld [tilespmem:s10+$0xFFFFFF60];
	[tilespmem:v40+s28+$0x0] =	vst.idx.msk $0xffff, v39  }
0x25d: {  	[tilespmem:v47+s28+$0x0] =	vst.idx.msk $0xffff, v42;
	v39 =	vld [tilespmem:s10+$0xF0];
	v47 =	vadd.s32 v32, v41  }
0x25e: {  	v56 =	vadd.s32 v11, v55;
	v52 =	vld [tilespmem:s10+$0xFFFFFFA0];
	[tilespmem:v44+s28+$0x0] =	vst.idx.msk $0xffff, v43  }
0x25f: {  	v58 =	vadd.s32 v15, v35;
	v57 =	vld [tilespmem:s10+$0xFFFFFFE0];
	[tilespmem:v46+s28+$0x0] =	vst.idx.msk $0xffff, v38  }
0x260: {  	v60 =	vadd.s32 v19, v34;
	[tilespmem:v51+s28+$0x0] =	vst.idx.msk $0xffff, v50;
	v59 =	vld [tilespmem:s10+$0x20]  }
.Ltmp8:
0x261: {  	s1 =	sadd.s32 $0x1, s7;
	v41 =	vadd.s32 v23, v37;
	v38 =	vmov s7;
	[tilespmem:v49+s28+$0x0] =	vst.idx.msk $0xffff, v48;
	v40 =	vld [tilespmem:s10+$0x60];
	(pc) =	sbr.rel @p1 .LBB2_15-.Ltmp8, $4  }
0x262: {  	s15 =	sadd.s32 $0x3, s7;
	v53 =	vmov s1;
	s1 =	sadd.s32 $0x2, s7;
	v43 =	vadd.s32 v27, v36;
	v50 =	vshrl.u32 v38, $0x3;
	v42 =	vld [tilespmem:s10+$0xA0];
	[tilespmem:v47+s28+$0x0] =	vst.idx.msk $0xffff, v39  }
0x263: {  	v54 =	vmov s1;
	s1 =	sadd.s32 $0x4, s7;
	v44 =	vmov s15;
	s15 =	sadd.s32 $0x5, s7;
	v48 =	vadd.s32 v3, v33;
	v46 =	vld [tilespmem:s10+$0xFFFFFF20];
	[tilespmem:v56+s28+$0x0] =	vst.idx.msk $0xffff, v52  }
0x264: {  	v38 =	vmov s15;
	v51 =	vadd.s32 v8, v45;
	v47 =	vmov s1;
	s1 =	sadd.s32 $0x6, s7;
	v49 =	vld [tilespmem:s10+$0xFFFFFF70];
	[tilespmem:v58+s28+$0x0] =	vst.idx.msk $0xffff, v57  }
0x265: {  	s15 =	sadd.s32 $0x7, s7;
	v45 =	vshll.u32 v50, v1;
	s7 =	sadd.s32 $0x8, s7;
	v39 =	vmov s1;
	v52 =	vadd.s32 v12, v55;
	v50 =	vld [tilespmem:s10+$0xFFFFFFB0];
	[tilespmem:v60+s28+$0x0] =	vst.idx.msk $0xffff, v59  }
0x266: {  	_ =	sdelay $0x2  }
0x267: {  	v53 =	vshrl.u32 v53, $0x3  }
0x268: {  	v55 =	vmov s15;
	v56 =	vld [tilespmem:s10+$0xFFFFFFF0];
	v35 =	vadd.s32 v16, v35;
	[tilespmem:v41+s28+$0x0] =	vst.idx.msk $0xffff, v40;
	v57 =	vshrl.u32 v54, $0x3  }
0x269: {  	v59 =	vld [tilespmem:s10+$0x30];
	v34 =	vadd.s32 v20, v34;
	v60 =	vshrl.u32 v44, $0x3;
	v58 =	vshrl.u32 v55, $0x3;
	[tilespmem:v43+s28+$0x0] =	vst.idx.msk $0xffff, v42  }
0x26a: {  	v37 =	vadd.s32 v24, v37;
	v62 =	vshrl.u32 v47, $0x3;
	v61 =	vld [tilespmem:s10+$0x70];
	v41 =	vshll.u32 v58, v1;
	[tilespmem:v48+s28+$0x0] =	vst.idx.msk $0xffff, v46  }
0x26b: {  	v36 =	vadd.s32 v28, v36;
	v45 =	vbroadcast v45, $0x0;
	v63 =	vld [tilespmem:s10+$0xB0];
	v41 =	vbroadcast v41, $0x0;
	[tilespmem:v51+s28+$0x0] =	vst.idx.msk $0xffff, v49  }
0x26c: {  	v33 =	vadd.s32 v4, v33;
	s7 =	sadd.s32 $0x200, s10;
	v38 =	vshrl.u32 v38, $0x3;
	v55 =	vshll.u32 v53, v1;
	v48 =	vld [tilespmem:s10+$0xFFFFFF30];
	[tilespmem:v52+s28+$0x0] =	vst.idx.msk $0xffff, v50  }
0x26d: {  	v40 =	vshll.u32 v57, v1;
	v47 =	vbroadcast v55, $0x0;
	v49 =	vld [tilespmem:s7+$0xC0];
	v50 =	vadd.s32 v29, v41;
	[tilespmem:v35+s28+$0x0] =	vst.idx.msk $0xffff, v56  }
0x26e: {  	v42 =	vshll.u32 v60, v1;
	v40 =	vbroadcast v40, $0x0;
	v35 =	vld [tilespmem:s7+$0xFFFFFF00];
	v56 =	vadd.s32 v0, v45;
	[tilespmem:v34+s28+$0x0] =	vst.idx.msk $0xffff, v59  }
0x26f: {  	v57 =	vld [tilespmem:s7+$0xFFFFFF40];
	v44 =	vshll.u32 v62, v1;
	v42 =	vbroadcast v42, $0x0;
	v58 =	vadd.s32 v5, v47;
	[tilespmem:v37+s28+$0x0] =	vst.idx.msk $0xffff, v61  }
0x270: {  	v38 =	vshll.u32 v38, v1;
	v44 =	vbroadcast v44, $0x0;
	v60 =	vadd.s32 v9, v40;
	v59 =	vld [tilespmem:s7+$0xFFFFFF80];
	[tilespmem:v36+s28+$0x0] =	vst.idx.msk $0xffff, v63  }
0x271: {  	v38 =	vbroadcast v38, $0x0;
	v62 =	vadd.s32 v13, v42;
	v61 =	vld [tilespmem:s7+$0xFFFFFFC0];
	[tilespmem:v33+s28+$0x0] =	vst.idx.msk $0xffff, v48  }
0x272: {  	v39 =	vshrl.u32 v39, $0x3;
	v63 =	vadd.s32 v17, v44;
	v33 =	vld [tilespmem:s7+$0x0];
	[tilespmem:v50+s28+$0x0] =	vst.idx.msk $0xffff, v49  }
0x273: {  	v39 =	vshll.u32 v39, v1;
	v34 =	vld [tilespmem:s7+$0x40];
	[tilespmem:v56+s28+$0x0] =	vst.idx.msk $0xffff, v35;
	v56 =	vadd.s32 v21, v38  }
0x274: {  	[tilespmem:v58+s28+$0x0] =	vst.idx.msk $0xffff, v57;
	v35 =	vbroadcast v39, $0x0;
	v49 =	vadd.s32 v30, v41;
	v39 =	vld [tilespmem:s7+$0xD0]  }
0x275: {  	[tilespmem:v60+s28+$0x0] =	vst.idx.msk $0xffff, v59;
	v59 =	vld [tilespmem:s7+$0xFFFFFF50];
	v60 =	vadd.s32 v6, v47  }
0x276: {  	v57 =	vld [tilespmem:s7+$0x80];
	[tilespmem:v62+s28+$0x0] =	vst.idx.msk $0xffff, v61;
	v58 =	vadd.s32 v25, v35  }
0x277: {  	v61 =	vld [tilespmem:s7+$0xFFFFFF90];
	v62 =	vadd.s32 v10, v40;
	[tilespmem:v63+s28+$0x0] =	vst.idx.msk $0xffff, v33  }
0x278: {  	v33 =	vld [tilespmem:s7+$0xFFFFFFD0];
	v63 =	vadd.s32 v14, v42;
	[tilespmem:v56+s28+$0x0] =	vst.idx.msk $0xffff, v34  }
0x279: {  	v56 =	vadd.s32 v18, v44;
	[tilespmem:v49+s28+$0x0] =	vst.idx.msk $0xffff, v39;
	v49 =	vld [tilespmem:s7+$0x10]  }
0x27a: {  	[tilespmem:v60+s28+$0x0] =	vst.idx.msk $0xffff, v59;
	v39 =	vadd.s32 v31, v41;
	v34 =	vld [tilespmem:s7+$0xE0]  }
0x27b: {  	[tilespmem:v58+s28+$0x0] =	vst.idx.msk $0xffff, v57;
	v57 =	vld [tilespmem:s7+$0x50];
	v58 =	vadd.s32 v22, v38  }
0x27c: {  	[tilespmem:v62+s28+$0x0] =	vst.idx.msk $0xffff, v61;
	v61 =	vld [tilespmem:s7+$0xFFFFFF10];
	v62 =	vadd.s32 v2, v45  }
0x27d: {  	v60 =	vadd.s32 v26, v35;
	v59 =	vld [tilespmem:s7+$0x90];
	[tilespmem:v63+s28+$0x0] =	vst.idx.msk $0xffff, v33  }
0x27e: {  	v55 =	vadd.s32 v11, v40;
	v54 =	vadd.s32 v32, v41;
	v41 =	vld [tilespmem:s7+$0xFFFFFFA0];
	[tilespmem:v56+s28+$0x0] =	vst.idx.msk $0xffff, v49  }
0x27f: {  	v53 =	vadd.s32 v7, v47;
	v63 =	vld [tilespmem:s7+$0xFFFFFF60];
	[tilespmem:v39+s28+$0x0] =	vst.idx.msk $0xffff, v34  }
0x280: {  	v56 =	vld [tilespmem:s7+$0xFFFFFFE0];
	[tilespmem:v58+s28+$0x0] =	vst.idx.msk $0xffff, v57;
	v57 =	vadd.s32 v15, v42  }
0x281: {  	[tilespmem:v62+s28+$0x0] =	vst.idx.msk $0xffff, v61;
	v34 =	vld [tilespmem:s7+$0xF0]  }
0x282: {  	v58 =	vld [tilespmem:s7+$0x20];
	[tilespmem:v60+s28+$0x0] =	vst.idx.msk $0xffff, v59;
	v59 =	vadd.s32 v19, v44  }
0x283: {  	v61 =	vadd.s32 v23, v38;
	[tilespmem:v55+s28+$0x0] =	vst.idx.msk $0xffff, v41;
	v60 =	vld [tilespmem:s7+$0x60]  }
0x284: {  	[tilespmem:v53+s28+$0x0] =	vst.idx.msk $0xffff, v63;
	v63 =	vadd.s32 v27, v35;
	v62 =	vld [tilespmem:s7+$0xA0]  }
0x285: {  	v47 =	vadd.s32 v8, v47;
	v55 =	vld [tilespmem:s7+$0xFFFFFF70];
	[tilespmem:v57+s28+$0x0] =	vst.idx.msk $0xffff, v56  }
0x286: {  	v53 =	vld [tilespmem:s7+$0xFFFFFF20];
	[tilespmem:v54+s28+$0x0] =	vst.idx.msk $0xffff, v34;
	v54 =	vadd.s32 v3, v45  }
0x287: {  	v40 =	vadd.s32 v12, v40;
	v56 =	vld [tilespmem:s7+$0xFFFFFFB0];
	[tilespmem:v59+s28+$0x0] =	vst.idx.msk $0xffff, v58  }
0x288: {  	v42 =	vadd.s32 v16, v42;
	v57 =	vld [tilespmem:s7+$0xFFFFFFF0];
	[tilespmem:v61+s28+$0x0] =	vst.idx.msk $0xffff, v60  }
0x289: {  	v59 =	vadd.s32 v20, v44;
	v58 =	vld [tilespmem:s7+$0x30];
	[tilespmem:v63+s28+$0x0] =	vst.idx.msk $0xffff, v62  }
0x28a: {  	v38 =	vadd.s32 v24, v38;
	v60 =	vld [tilespmem:s7+$0x70];
	[tilespmem:v47+s28+$0x0] =	vst.idx.msk $0xffff, v55  }
0x28b: {  	v35 =	vadd.s32 v28, v35;
	v61 =	vld [tilespmem:s7+$0xB0];
	[tilespmem:v54+s28+$0x0] =	vst.idx.msk $0xffff, v53  }
0x28c: {  	v63 =	vadd.s32 v4, v45;
	[tilespmem:v40+s28+$0x0] =	vst.idx.msk $0xffff, v56;
	v62 =	vld [tilespmem:s7+$0xFFFFFF30]  }
0x28d: {  	[tilespmem:v42+s28+$0x0] =	vst.idx.msk $0xffff, v57  }
0x28e: {  	s1 =	sadd.s32 @!p0 s8, s14;
	[tilespmem:v59+s28+$0x0] =	vst.idx.msk $0xffff, v58  }
0x28f: {  	s1 =	sshll.u32 @!p0 s1, $0x4;
	[tilespmem:v38+s28+$0x0] =	vst.idx.msk $0xffff, v60  }
0x290: {  	s8 =	simm.s32 @!p0 $0x180;
	s17 =	sadd.s32 s6, s9;
	s1 =	sand.u32 @!p0 $0xFFFFFF0, s1;
	[tilespmem:v35+s28+$0x0] =	vst.idx.msk $0xffff, v61  }
0x291: {  	s19 =	sshll.u32 s17, $0x7;
	s1 =	sadd.s32 @!p0 s4, s1;
	s7 =	simm.s32 @!p0 $0x0;
	[tilespmem:v63+s28+$0x0] =	vst.idx.msk $0xffff, v62  }
0x292: {  	[tilespmem:s8], [sflag:$0x4] =	stream.linear.gather @!p0 [hbm4b:s1+s7], $0x80, $0x38;
	[tilespmem:$0x8600] =	vst v63  }
0x293: {  	s1 =	sshll.u32 s17, $0xA;
	s7 =	sand.u32 $0xF80, s19  }
0x294: {  	s1 =	sand.u32 $0xFFF8000, s1;
	s7 =	sadd.s32 s2, s7  }
0x295: {  	s8 =	sadd.s32 s1, s7;
	s7 =	simm.s32 $0x6400  }
0x296: {  	[hbm4b:s8+s3] =	stream.linear.scatter [tilespmem:s7], [sflag:$0x8], $0x80, $0x38;
	[tilespmem:$0x8600] =	vst v63  }
0x297: {  	s9 =	simm.s32 $0x6488;
	s7 =	sadd.s32 $0x10, s8  }
0x298: {  	[hbm4b:s7+s3] =	stream.linear.scatter [tilespmem:s9], [sflag:$0x8], $0x80, $0x38;
	[tilespmem:$0x8600] =	vst v63  }
0x299: {  	s10 =	simm.s32 $0x6510;
	s17 =	simm.s32 $0x6598;
	s15 =	sadd.s32 $0x20, s8  }
0x29a: {  	[hbm4b:s15+s3] =	stream.linear.scatter [tilespmem:s10], [sflag:$0x8], $0x80, $0x38;
	[tilespmem:$0x8600] =	vst v63  }
0x29b: {  	s19 =	sadd.s32 $0x30, s8;
	s1 =	sadd.s32 $0x70, s8;
	s7 =	simm.s32 $0x6620  }
0x29c: {  	[hbm4b:s19+s3] =	stream.linear.scatter [tilespmem:s17], [sflag:$0x8], $0x80, $0x38;
	[tilespmem:$0x8600] =	vst v63  }
0x29d: {  	s9 =	sadd.s32 $0x40, s8;
	s10 =	simm.s32 $0x66A8;
	s15 =	sadd.s32 $0x50, s8  }
0x29e: {  	[hbm4b:s9+s3] =	stream.linear.scatter [tilespmem:s7], [sflag:$0x8], $0x80, $0x38;
	[tilespmem:$0x8600] =	vst v63  }
0x29f: {  	s17 =	simm.s32 $0x6730;
	s19 =	sadd.s32 $0x60, s8;
	s8 =	sadd.s32 $0x1000, s8  }
0x2a0: {  	[hbm4b:s15+s3] =	stream.linear.scatter [tilespmem:s10], [sflag:$0x8], $0x80, $0x38;
	[tilespmem:$0x8600] =	vst v63  }
0x2a1: {  	s7 =	simm.s32 $0x440;
	s9 =	simm.s32 $0x2200;
	s10 =	simm.s32 $0x67B8  }
0x2a2: {  	[hbm4b:s19+s3] =	stream.linear.scatter [tilespmem:s17], [sflag:$0x8], $0x80, $0x38;
	[tilespmem:$0x8600] =	vst v63  }
.LBB2_17:
0x2a3: {  	[hbm4b:s1+s3] =	stream.linear.scatter [tilespmem:s10], [sflag:$0x8], $0x80, $0x38;
	[tilespmem:$0x8600] =	vst v63  }
0x2a4: {  	s1 =	smov.u32 s7;
	s7 =	smov.u32 s9  }
0x2a5: {  	s15 =	sadd.s32 $0x1100, s9;
	s7 =	sshra.s32 s7, $0x2;
	s10 =	sadd.s32 $0x6400, s1  }
0x2a6: {  	[hbm4b:s8+s3] =	stream.linear.scatter [tilespmem:s10], [sflag:$0x8], $0x80, $0x38;
	[tilespmem:$0x8600] =	vst v63  }
0x2a7: {  	p1 =	sne.s32 s9, $0x7700;
	s9 =	sadd.s32 $0x6488, s1;
	s10 =	sadd.s32 $0x10, s8  }
0x2a8: {  	[hbm4b:s10+s3] =	stream.linear.scatter [tilespmem:s9], [sflag:$0x8], $0x80, $0x38;
	[tilespmem:$0x8600] =	vst v63  }
0x2a9: {  	s9 =	sadd.s32 $0x6510, s1;
	s10 =	sadd.s32 $0x20, s8  }
0x2aa: {  	[hbm4b:s10+s3] =	stream.linear.scatter [tilespmem:s9], [sflag:$0x8], $0x80, $0x38;
	[tilespmem:$0x8600] =	vst v63  }
0x2ab: {  	s9 =	sadd.s32 $0x6598, s1;
	s10 =	sadd.s32 $0x30, s8  }
0x2ac: {  	[hbm4b:s10+s3] =	stream.linear.scatter [tilespmem:s9], [sflag:$0x8], $0x80, $0x38;
	[tilespmem:$0x8600] =	vst v63  }
0x2ad: {  	s9 =	sadd.s32 $0x6620, s1;
	s10 =	sadd.s32 $0x40, s8  }
0x2ae: {  	[hbm4b:s10+s3] =	stream.linear.scatter [tilespmem:s9], [sflag:$0x8], $0x80, $0x38;
	[tilespmem:$0x8600] =	vst v63  }
0x2af: {  	s9 =	sadd.s32 $0x66A8, s1;
	s10 =	sadd.s32 $0x50, s8  }
0x2b0: {  	[hbm4b:s10+s3] =	stream.linear.scatter [tilespmem:s9], [sflag:$0x8], $0x80, $0x38;
	[tilespmem:$0x8600] =	vst v63  }
.Ltmp9:
0x2b1: {  	_ = 	snop;
	(pc) =	sbr.rel @p1 .LBB2_17-.Ltmp9, $4  }
0x2b2: {  	s9 =	sadd.s32 $0x6730, s1;
	s10 =	sadd.s32 $0x60, s8  }
0x2b3: {  	[hbm4b:s10+s3] =	stream.linear.scatter [tilespmem:s9], [sflag:$0x8], $0x80, $0x38;
	[tilespmem:$0x8600] =	vst v63  }
0x2b4: {  	s10 =	sadd.s32 $0x67B8, s1  }
0x2b5: {  	s1 =	sadd.s32 $0x70, s8;
	s8 =	sadd.s32 $0x1000, s8;
	s9 =	smov.u32 s15  }
0x2b6: {  	[hbm4b:s1+s3] =	stream.linear.scatter [tilespmem:s10], [sflag:$0x8], $0x80, $0x38;
	[tilespmem:$0x8600] =	vst v63  }
0x2b7: {  	s17 =	sadd.s32 $0x6400, s7  }
0x2b8: {  	[hbm4b:s8+s3] =	stream.linear.scatter [tilespmem:s17], [sflag:$0x8], $0x80, $0x38;
	[tilespmem:$0x8600] =	vst v63  }
0x2b9: {  	s19 =	sadd.s32 $0x6488, s7;
	s9 =	sadd.s32 $0x10, s8  }
0x2ba: {  	[hbm4b:s9+s3] =	stream.linear.scatter [tilespmem:s19], [sflag:$0x8], $0x80, $0x38;
	[tilespmem:$0x8600] =	vst v63  }
0x2bb: {  	s10 =	sadd.s32 $0x6510, s7;
	s15 =	sadd.s32 $0x20, s8  }
0x2bc: {  	[hbm4b:s15+s3] =	stream.linear.scatter [tilespmem:s10], [sflag:$0x8], $0x80, $0x38;
	[tilespmem:$0x8600] =	vst v63  }
0x2bd: {  	s17 =	sadd.s32 $0x6598, s7;
	s19 =	sadd.s32 $0x30, s8  }
0x2be: {  	[hbm4b:s19+s3] =	stream.linear.scatter [tilespmem:s17], [sflag:$0x8], $0x80, $0x38;
	[tilespmem:$0x8600] =	vst v63  }
0x2bf: {  	s10 =	sadd.s32 $0x6620, s7;
	s15 =	sadd.s32 $0x40, s8  }
0x2c0: {  	[hbm4b:s15+s3] =	stream.linear.scatter [tilespmem:s10], [sflag:$0x8], $0x80, $0x38;
	[tilespmem:$0x8600] =	vst v63  }
0x2c1: {  	s17 =	sadd.s32 $0x66A8, s7;
	s19 =	sadd.s32 $0x50, s8  }
0x2c2: {  	[hbm4b:s19+s3] =	stream.linear.scatter [tilespmem:s17], [sflag:$0x8], $0x80, $0x38;
	[tilespmem:$0x8600] =	vst v63  }
.Ltmp10:
0x2c3: {  	_ = 	snop;
	(pc) =	sbr.rel @p0 .LBB2_20-.Ltmp10, $4  }
0x2c4: {  	s10 =	sadd.s32 $0x6730, s7;
	s15 =	sadd.s32 $0x60, s8  }
0x2c5: {  	[hbm4b:s15+s3] =	stream.linear.scatter [tilespmem:s10], [sflag:$0x8], $0x80, $0x38;
	[tilespmem:$0x8600] =	vst v63  }
0x2c6: {  	s17 =	sadd.s32 $0x67B8, s7;
	s19 =	sadd.s32 $0x70, s8  }
0x2c7: {  	[hbm4b:s19+s3] =	stream.linear.scatter [tilespmem:s17], [sflag:$0x8], $0x80, $0x38;
	[tilespmem:$0x8600] =	vst v63  }
.Ltmp11:
0x2c8: {  	(pc) =	sbr.rel .LBB2_2-.Ltmp11, $4  }
0x2c9: {  	_ =	swait.ge [sflag:s21], $0x80  }
0x2ca: {  	[sflag:s21] =	ssyncset.done $0x0  }
0x2cb: {  	s0 =	sadd.s32 $0x1, s0;
	[sflag:s21] =	ssyncadd.s32 $0xFFFFFF80  }
0x2cc: {  	[tilespmem:s22], [sflag:$0x6] =	stream.indirect.gather [hbm4b:s5+s16], $0x40, s16, s16, $0xb8;
	[tilespmem:$0x8600] =	vst v63  }
.LBB2_21:
0x2cd: {  	_ =	sfence.sel $0x180000  }
0x2ce: {  	[bflag:$0x0] =	sbarrier.arrive $0xFFFF  }
0x2cf: {  	_ =	strace $0x90000047  }
0x2d0: {  	s0 =	stileid.u32;
	[bflag:$0x2] =	sbarrier.arrive $0xFFFF  }
0x2d1: {  	p0 =	sne.s32 s0, $0x0;
	s0 =	rddreg [dreg:$0x2]  }
0x2d2: {  	s0 =	sadd.s32 @!p0 $0x100000, s0  }
0x2d3: {  	[sflag:s0] =	ssyncadd.tile.s32 @!p0 $0x1;
	_ =	shalt  }
.Lfunc_end2:
_tile_overlayer_lowered:
.L_overlay_start_2:
0x2d4: {  	(tag) =	ssettag $0x2  }
0x2d5: {  	s0 =	rddreg [dreg:$0x0];
	s2 =	stileid.u32  }
0x2d6: {  	s1 =	rddreg [dreg:$0x1];
	p0 =	sne.s32 s2, $0x0  }
0x2d7: {  	s3 =	rddreg [dreg:$0x2];
	[bflag:$0x3] =	sbarrier.arrive $0xFFFF;
	s2 =	simm.s32 @!p0 $0x1C09  }
0x2d8: {  	[timem:s3], [sflag:s2] =	dma.local @!p0 [hbm:s0], s1  }
0x2d9: {  	s0 =	simm.s32 @!p0 $0x9  }
0x2da: {  	_ =	swait.ge @!p0 [sflag:s0], s1  }
0x2db: {  	s1 =	ssub.s32 @!p0 $0x0, s1;
	[sflag:s0] =	ssyncset.done @!p0 $0x0  }
0x2dc: {  	[sflag:s0] =	ssyncadd.s32 @!p0 s1  }
0x2dd: {  	[bflag:$0x3] =	sbarrier.arrive $0xFFFF  }
0x2de: {  	_ =	shalt  }

</sc_bundles>
